<compile_context>
chip_gen: v7x
topology: tpu7x:2x2x1
jax: 0.10.2.dev20260603
libtpu: 0.0.44.dev20260713+nightly
codegen_flags: <defaults>
</compile_context>

<pallas_src>
import functools

import jax
import jax.numpy as jnp
from jax import lax
from jax.experimental import pallas as pl
from jax.experimental.pallas import tpu as pltpu
from jax.experimental.pallas import tpu_sc as plsc

CK = 128
NB = 5
SPLITS = (40, 60, 100)
PBK = 1024


def _make_pack(V, D):
    VP = ((V + 2 * PBK - 1) // (2 * PBK)) * 2 * PBK
    grid = VP // (2 * PBK)

    def body(a_ref, b_ref, o_ref):
        wa = jnp.swapaxes(a_ref[...], 0, 1)
        wb = jnp.swapaxes(b_ref[...], 0, 1)
        o_ref[...] = jnp.concatenate([wa, wb], axis=1)

    return VP, pl.pallas_call(
        body,
        grid=(grid,),
        in_specs=[
            pl.BlockSpec((D, PBK), lambda i: (0, 2 * i)),
            pl.BlockSpec((D, PBK), lambda i: (0, 2 * i + 1)),
        ],
        out_specs=pl.BlockSpec((PBK, 2 * D), lambda i: (i, 0)),
        out_shape=jax.ShapeDtypeStruct((VP // 2, 2 * D), jnp.float32),
    )


def _permute_idx(v):
    blk = v // (2 * PBK)
    jj = v % (2 * PBK)
    return 2 * (PBK * blk + (jj % PBK)) + jj // PBK


def _make_gather(B, T, D, V, t0, ts):
    NC, NS = 2, 16
    NW = NC * NS
    ROWS = B * ts
    assert ROWS % (NW * 2 * CK) == 0 and D * 2 == 128
    M = ROWS // (NW * CK)
    assert M % NB == 0 and M >= 2 * NB

    mesh = plsc.VectorSubcoreMesh(core_axis_name="c", subcore_axis_name="s")

    @functools.partial(
        pl.kernel,
        mesh=mesh,
        out_type=jax.ShapeDtypeStruct((ROWS // 2, 2 * D), jnp.float32),
        scratch_types=[
            pltpu.VMEM((M * CK,), jnp.int32),
            pltpu.VMEM((CK, D), jnp.float32),
            pltpu.VMEM((CK, D), jnp.float32),
            pltpu.VMEM((CK, D), jnp.float32),
            pltpu.VMEM((CK, D), jnp.float32),
            pltpu.VMEM((CK, D), jnp.float32),
            pltpu.SemaphoreType.DMA,
            pltpu.SemaphoreType.DMA,
            pltpu.SemaphoreType.DMA,
            pltpu.SemaphoreType.DMA,
            pltpu.SemaphoreType.DMA,
            pltpu.SemaphoreType.DMA,
            pltpu.SemaphoreType.DMA,
            pltpu.SemaphoreType.DMA,
            pltpu.SemaphoreType.DMA,
            pltpu.SemaphoreType.DMA,
        ],
        compiler_params=pltpu.CompilerParams(use_tc_tiling_on_sc=False),
    )
    def k(x_hbm, tok_hbm, out_hbm,
          idx_all, b0, b1, b2, b3, b4,
          sg0, sg1, sg2, sg3, sg4, ss0, ss1, ss2, ss3, ss4):
        buf = (b0, b1, b2, b3, b4)
        sg = (sg0, sg1, sg2, sg3, sg4)
        ss = (ss0, ss1, ss2, ss3, ss4)

        wid = lax.axis_index("s") * NC + lax.axis_index("c")

        def gather(c, b):
            return pltpu.make_async_copy(
                tok_hbm.at[idx_all.at[pl.ds(c * CK, CK)]], buf[b], sg[b])

        def store(c, b):
            row0 = CK * ((M // 2) * wid) + CK * (c // 2)
            col = D * (c % 2)
            return pltpu.make_async_copy(
                buf[b],
                out_hbm.at[pl.ds(row0, CK), pl.ds(col, D)],
                ss[b])

        pltpu.sync_copy(
            x_hbm.at[pl.ds(t0 * B + wid * (M * CK), M * CK)], idx_all)
        gather(0, 0).start()
        gather(1, 1).start()
        gather(2, 2).start()

        def body(i, carry):
            for s in range(NB):
                c = NB * i + s
                b = s
                gather(c, b).wait()

                @pl.when(c >= 2)
                def _():
                    store(c - 2, (s - 2) % NB).wait()

                @pl.when(c + 3 < M)
                def _():
                    gather(c + 3, (s + 3) % NB).start()

                store(c, b).start()
            return carry

        lax.fori_loop(0, M // NB, body, 0)
        store(M - 2, (M - 2) % NB).wait()
        store(M - 1, (M - 1) % NB).wait()

    return k


def _make_finish(B, T, D, t0, ts, aliased):
    TB = 4
    RB = TB * B // 2
    NP = RB // CK
    T0 = t0
    TS = ts
    assert TS % TB == 0 and T0 % TB == 0

    if aliased:
        def body(o_in_ref, g_ref, pos_ref, o_ref):
            del o_in_ref
            _finish_block(g_ref, pos_ref, o_ref, TB, B, D, NP)
        in_specs = [
            pl.BlockSpec(memory_space=pl.ANY),
            pl.BlockSpec((RB, 2 * D), lambda i: (i, 0)),
            pl.BlockSpec((1, TB, D), lambda i: (T0 // TB + i, 0, 0)),
        ]
        io_aliases = {0: 0}
    else:
        def body(g_ref, pos_ref, o_ref):
            _finish_block(g_ref, pos_ref, o_ref, TB, B, D, NP)
        in_specs = [
            pl.BlockSpec((RB, 2 * D), lambda i: (i, 0)),
            pl.BlockSpec((1, TB, D), lambda i: (T0 // TB + i, 0, 0)),
        ]
        io_aliases = {}

    return pl.pallas_call(
        body,
        grid=(TS // TB,),
        in_specs=in_specs,
        out_specs=pl.BlockSpec((TB, D, B), lambda i: (T0 // TB + i, 0, 0)),
        out_shape=jax.ShapeDtypeStruct((T, D, B), jnp.float32),
        input_output_aliases=io_aliases,
    )


def _finish_block(g_ref, pos_ref, o_ref, TB, B, D, NP):
    v = g_ref[...]
    l3 = v[:, :D].reshape(NP, CK, D)
    r3 = v[:, D:].reshape(NP, CK, D)
    y = jnp.concatenate([l3, r3], axis=1)
    y = y.reshape(TB, B, D)
    z = jnp.swapaxes(y, 1, 2)
    o_ref[...] = z + pos_ref[0][:, :, None]


def kernel(x, token_emb, pos_emb):
    B, T = x.shape
    V, D = token_emb.shape
    xt = jnp.transpose(x).reshape(T * B).astype(jnp.int32)
    xt_flat = _permute_idx(xt).astype(jnp.int32)
    pos3 = pos_emb.reshape(T // 4, 4, D)
    VP, pack = _make_pack(V, D)
    tokT = jnp.transpose(token_emb)
    tok_rows = pack(tokT, tokT).reshape(VP, D)
    assert sum(SPLITS) == T
    gs = []
    t0 = 0
    for ts in SPLITS:
        gs.append((t0, ts, _make_gather(B, T, D, V, t0, ts)(xt_flat, tok_rows)))
        t0 += ts
    o = None
    for t0, ts, g in gs:
        if o is None:
            o = _make_finish(B, T, D, t0, ts, aliased=False)(g, pos3)
        else:
            o = _make_finish(B, T, D, t0, ts, aliased=True)(o, g, pos3)
    return jnp.transpose(o, (2, 0, 1))

# --- scband reference (transcript-rebuilt; emitter-appended) ---
"""Pipeline reference for scband-embed-68547678044468 (READ-ONLY COPY).

The authoritative reference and input builder live on the scoring server;
editing this copy changes nothing except your own understanding.
"""

import jax, jax.numpy as jnp
import numpy as np

VOCAB_SIZE = 100000
CONTEXT_SIZE = 200
EMB_DIM = 64
BATCH = 4096

def setup_inputs(seed: int = 0) -> dict:
    key = jax.random.key(seed)
    k1, k2, k3 = jax.random.split(key, 3)
    x = jax.random.randint(k1, (BATCH, CONTEXT_SIZE), 0, VOCAB_SIZE, dtype=jnp.int64 if jax.config.jax_enable_x64 else jnp.int32)
    token_emb = jax.random.normal(k2, (VOCAB_SIZE, EMB_DIM), dtype=jnp.float32)
    pos_emb = jax.random.normal(k3, (CONTEXT_SIZE, EMB_DIM), dtype=jnp.float32)
    return {"x": x, "token_emb": token_emb, "pos_emb": pos_emb}

def reference(x, token_emb, pos_emb):
    B, T = x.shape
    token = jnp.take(token_emb, x, axis=0)          # [B, T, D] gather (embedding lookup)
    pos = jnp.take(pos_emb, jnp.arange(T), axis=0)  # [T, D]
    return token + pos[None, :, :]

if __name__ == "__main__":
    import jax
    _d = setup_inputs()
    print(jax.jit(kernel)(*tuple(_d.values())))

</pallas_src>

<mosaic_0001>
#map = affine_map<(d0, d1) -> (0)>
#map1 = affine_map<(d0, d1) -> (0, 0)>
module attributes {stable_mosaic.version = 14 : i64} {
  func.func @k(%arg0: i32, %arg1: i32, %arg2: memref<819200xi32, #tpu.memory_space<hbm>>, %arg3: memref<100352x64xf32, #tpu.memory_space<hbm>>, %arg4: memref<122880x128xf32, #tpu.memory_space<hbm>>, %arg5: memref<7680xi32, #tpu.memory_space<vmem>>, %arg6: memref<128x64xf32, #tpu.memory_space<vmem>>, %arg7: memref<128x64xf32, #tpu.memory_space<vmem>>, %arg8: memref<128x64xf32, #tpu.memory_space<vmem>>, %arg9: memref<128x64xf32, #tpu.memory_space<vmem>>, %arg10: memref<128x64xf32, #tpu.memory_space<vmem>>, %arg11: memref<!tpu.dma_semaphore, #tpu.memory_space<semaphore_mem>>, %arg12: memref<!tpu.dma_semaphore, #tpu.memory_space<semaphore_mem>>, %arg13: memref<!tpu.dma_semaphore, #tpu.memory_space<semaphore_mem>>, %arg14: memref<!tpu.dma_semaphore, #tpu.memory_space<semaphore_mem>>, %arg15: memref<!tpu.dma_semaphore, #tpu.memory_space<semaphore_mem>>, %arg16: memref<!tpu.dma_semaphore, #tpu.memory_space<semaphore_mem>>, %arg17: memref<!tpu.dma_semaphore, #tpu.memory_space<semaphore_mem>>, %arg18: memref<!tpu.dma_semaphore, #tpu.memory_space<semaphore_mem>>, %arg19: memref<!tpu.dma_semaphore, #tpu.memory_space<semaphore_mem>>, %arg20: memref<!tpu.dma_semaphore, #tpu.memory_space<semaphore_mem>>) attributes {dimension_semantics = [#tpu.dimension_semantics<core_parallel>, #tpu.dimension_semantics<subcore_parallel>], iteration_bounds = array<i64: 2, 16>, scalar_prefetch = 0 : i64, scratch_operands = 16 : i64, tpu.core_type = #tpu.core_type<sc_vector_subcore>, window_params = [{transform_indices = #map}, {transform_indices = #map1}, {transform_indices = #map1}]} {
    %mul3A = arith.constant 2 : i32
    %mul3A_0 = arith.muli %arg1, %mul3A : i32
    %add3A = arith.addi %mul3A_0, %arg0 : i32
    %mul3A_1 = arith.constant 7680 : i32
    %mul3A_2 = arith.muli %add3A, %mul3A_1 : i32
    %add3A_3 = arith.constant 163840 : i32
    %add3A_4 = arith.addi %add3A_3, %mul3A_2 : i32
    "tpu.region"() ({
      %run_scoped3A = tpu.sem_alloc : memref<!tpu.dma_semaphore, #tpu.memory_space<semaphore_mem>>
      %dma_start3A_43 = tpu.memref_slice %arg2[%add3A_4] : memref<819200xi32, #tpu.memory_space<hbm>> -> memref<7680xi32, #tpu.memory_space<hbm>>
      %dma_start3A_44 = tpu.memref_slice %arg2[%add3A_4] : memref<819200xi32, #tpu.memory_space<hbm>> -> memref<7680xi32, #tpu.memory_space<hbm>>
      tpu.enqueue_dma source(%dma_start3A_44 : memref<7680xi32, #tpu.memory_space<hbm>>) target(%arg5 : memref<7680xi32, #tpu.memory_space<vmem>>) target_semaphore(%run_scoped3A : memref<!tpu.dma_semaphore, #tpu.memory_space<semaphore_mem>>)
      %dma_wait3A_45 = tpu.memref_slice %arg2[%add3A_4] : memref<819200xi32, #tpu.memory_space<hbm>> -> memref<7680xi32, #tpu.memory_space<hbm>>
      %dma_wait3A_46 = tpu.memref_slice %arg2[%add3A_4] : memref<819200xi32, #tpu.memory_space<hbm>> -> memref<7680xi32, #tpu.memory_space<hbm>>
      tpu.wait_dma2 semaphore(%run_scoped3A : memref<!tpu.dma_semaphore, #tpu.memory_space<semaphore_mem>>) src(%dma_wait3A_46 : memref<7680xi32, #tpu.memory_space<hbm>>) dst(%arg5 : memref<7680xi32, #tpu.memory_space<vmem>>)
      tpu.yield
    }) : () -> ()
    %dma_start3A = arith.constant 0 : i32
    %dma_start3A_5 = tpu.memref_slice %arg5[%dma_start3A] : memref<7680xi32, #tpu.memory_space<vmem>> -> memref<128xi32, #tpu.memory_space<vmem>>
    %dma_start3A_6 = arith.constant 0 : i32
    %dma_start3A_7 = arith.constant 0 : i32
    %dma_start3A_8 = tpu.memref_slice %arg3[%dma_start3A_6, %dma_start3A_7] : memref<100352x64xf32, #tpu.memory_space<hbm>> -> memref<100352x64xf32, #tpu.memory_space<hbm>>
    tpu.enqueue_indirect_dma source(%dma_start3A_8 : memref<100352x64xf32, #tpu.memory_space<hbm>>) target(%arg6 : memref<128x64xf32, #tpu.memory_space<vmem>>) offsets(%dma_start3A_5 : memref<128xi32, #tpu.memory_space<vmem>>) semaphore(%arg11 : memref<!tpu.dma_semaphore, #tpu.memory_space<semaphore_mem>>)
    %dma_start3A_9 = arith.constant 128 : i32
    %dma_start3A_10 = tpu.memref_slice %arg5[%dma_start3A_9] : memref<7680xi32, #tpu.memory_space<vmem>> -> memref<128xi32, #tpu.memory_space<vmem>>
    %dma_start3A_11 = arith.constant 0 : i32
    %dma_start3A_12 = arith.constant 0 : i32
    %dma_start3A_13 = tpu.memref_slice %arg3[%dma_start3A_11, %dma_start3A_12] : memref<100352x64xf32, #tpu.memory_space<hbm>> -> memref<100352x64xf32, #tpu.memory_space<hbm>>
    tpu.enqueue_indirect_dma source(%dma_start3A_13 : memref<100352x64xf32, #tpu.memory_space<hbm>>) target(%arg7 : memref<128x64xf32, #tpu.memory_space<vmem>>) offsets(%dma_start3A_10 : memref<128xi32, #tpu.memory_space<vmem>>) semaphore(%arg12 : memref<!tpu.dma_semaphore, #tpu.memory_space<semaphore_mem>>)
    %dma_start3A_14 = arith.constant 256 : i32
    %dma_start3A_15 = tpu.memref_slice %arg5[%dma_start3A_14] : memref<7680xi32, #tpu.memory_space<vmem>> -> memref<128xi32, #tpu.memory_space<vmem>>
    %dma_start3A_16 = arith.constant 0 : i32
    %dma_start3A_17 = arith.constant 0 : i32
    %dma_start3A_18 = tpu.memref_slice %arg3[%dma_start3A_16, %dma_start3A_17] : memref<100352x64xf32, #tpu.memory_space<hbm>> -> memref<100352x64xf32, #tpu.memory_space<hbm>>
    tpu.enqueue_indirect_dma source(%dma_start3A_18 : memref<100352x64xf32, #tpu.memory_space<hbm>>) target(%arg8 : memref<128x64xf32, #tpu.memory_space<vmem>>) offsets(%dma_start3A_15 : memref<128xi32, #tpu.memory_space<vmem>>) semaphore(%arg13 : memref<!tpu.dma_semaphore, #tpu.memory_space<semaphore_mem>>)
    %scan3A = arith.constant 0 : i32
    %scan3A_19 = arith.constant 0 : i32
    %scan3A_20 = arith.constant 12 : i32
    %scan3A_21 = arith.addi %scan3A_19, %scan3A_20 : i32
    %scan3A_22 = arith.constant 1 : i32
    scf.for %scan3A_43 = %scan3A_19 to %scan3A_21 step %scan3A_22  : i32 {
      %mul3A_44 = arith.constant 5 : i32
      %mul3A_45 = arith.muli %mul3A_44, %scan3A_43 : i32
      %add3A_46 = arith.constant 0 : i32
      %add3A_47 = arith.addi %mul3A_45, %add3A_46 : i32
      %mul3A_48 = arith.constant 128 : i32
      %mul3A_49 = arith.muli %add3A_47, %mul3A_48 : i32
      %dma_wait3A_50 = tpu.memref_slice %arg5[%mul3A_49] : memref<7680xi32, #tpu.memory_space<vmem>> -> memref<128xi32, #tpu.memory_space<vmem>>
      %dma_wait3A_51 = arith.constant 0 : i32
      %dma_wait3A_52 = arith.constant 0 : i32
      %dma_wait3A_53 = tpu.memref_slice %arg3[%dma_wait3A_51, %dma_wait3A_52] : memref<100352x64xf32, #tpu.memory_space<hbm>> -> memref<100352x64xf32, #tpu.memory_space<hbm>>
      tpu.wait_indirect_dma semaphore(%arg11 : memref<!tpu.dma_semaphore, #tpu.memory_space<semaphore_mem>>) src(%dma_wait3A_53 : memref<100352x64xf32, #tpu.memory_space<hbm>>) dst(%arg6 : memref<128x64xf32, #tpu.memory_space<vmem>>)
      %ge3A = arith.constant 2 : i32
      %ge3A_54 = arith.cmpi sge, %add3A_47, %ge3A : i32
      %convert_element_type3A = arith.extui %ge3A_54 : i1 to i32
      %cond3A = arith.constant 0 : i32
      %cond3A_55 = arith.cmpi ne, %convert_element_type3A, %cond3A : i32
      scf.if %cond3A_55 {
        %sub3A_396 = arith.constant 2 : i32
        %sub3A_397 = arith.subi %add3A_47, %sub3A_396 : i32
        %mul3A_398 = arith.constant 30 : i32
        %mul3A_399 = arith.muli %mul3A_398, %add3A : i32
        %mul3A_400 = arith.constant 128 : i32
        %mul3A_401 = arith.muli %mul3A_400, %mul3A_399 : i32
        %jit3A_402 = arith.constant 2 : i32
        %div3A_403 = arith.divsi %sub3A_397, %jit3A_402 : i32
        %sign3A_404 = arith.constant 0 : i32
        %sign3A_405 = arith.cmpi sgt, %sub3A_397, %sign3A_404 : i32
        %sign3A_406 = arith.extui %sign3A_405 : i1 to i32
        %sign3A_407 = arith.constant 0 : i32
        %sign3A_408 = arith.cmpi slt, %sub3A_397, %sign3A_407 : i32
        %sign3A_409 = arith.extui %sign3A_408 : i1 to i32
        %sign3A_410 = arith.subi %sign3A_406, %sign3A_409 : i32
        %sign3A_411 = arith.constant 0 : i32
        %sign3A_412 = arith.cmpi sgt, %jit3A_402, %sign3A_411 : i32
        %sign3A_413 = arith.extui %sign3A_412 : i1 to i32
        %sign3A_414 = arith.constant 0 : i32
        %sign3A_415 = arith.cmpi slt, %jit3A_402, %sign3A_414 : i32
        %sign3A_416 = arith.extui %sign3A_415 : i1 to i32
        %sign3A_417 = arith.subi %sign3A_413, %sign3A_416 : i32
        %ne3A_418 = arith.cmpi ne, %sign3A_410, %sign3A_417 : i32
        %rem3A_419 = arith.remsi %sub3A_397, %jit3A_402 : i32
        %ne3A_420 = arith.constant 0 : i32
        %ne3A_421 = arith.cmpi ne, %rem3A_419, %ne3A_420 : i32
        %and3A_422 = arith.andi %ne3A_418, %ne3A_421 : i1
        %sub3A_423 = arith.constant 1 : i32
        %sub3A_424 = arith.subi %div3A_403, %sub3A_423 : i32
        %select_n3A_425 = arith.select %and3A_422, %sub3A_424, %div3A_403 : i32
        %mul3A_426 = arith.constant 128 : i32
        %mul3A_427 = arith.muli %mul3A_426, %select_n3A_425 : i32
        %add3A_428 = arith.addi %mul3A_401, %mul3A_427 : i32
        %jit3A_429 = arith.constant 2 : i32
        %eq3A_430 = arith.constant 0 : i32
        %eq3A_431 = arith.cmpi eq, %jit3A_429, %eq3A_430 : i32
        %jit3A_432 = arith.constant 1 : i32
        %select_n3A_433 = arith.select %eq3A_431, %jit3A_432, %jit3A_429 : i32
        %rem3A_434 = arith.remsi %sub3A_397, %select_n3A_433 : i32
        %ne3A_435 = arith.constant 0 : i32
        %ne3A_436 = arith.cmpi ne, %rem3A_434, %ne3A_435 : i32
        %lt3A_437 = arith.constant 0 : i32
        %lt3A_438 = arith.cmpi slt, %rem3A_434, %lt3A_437 : i32
        %lt3A_439 = arith.constant 0 : i32
        %lt3A_440 = arith.cmpi slt, %select_n3A_433, %lt3A_439 : i32
        %ne3A_441 = arith.xori %lt3A_438, %lt3A_440 : i1
        %and3A_442 = arith.andi %ne3A_441, %ne3A_436 : i1
        %add3A_443 = arith.addi %rem3A_434, %select_n3A_433 : i32
        %select_n3A_444 = arith.select %and3A_442, %add3A_443, %rem3A_434 : i32
        %mul3A_445 = arith.constant 64 : i32
        %mul3A_446 = arith.muli %mul3A_445, %select_n3A_444 : i32
        %dma_wait3A_447 = tpu.memref_slice %arg4[%add3A_428, %mul3A_446] : memref<122880x128xf32, #tpu.memory_space<hbm>> -> memref<128x64xf32, #tpu.memory_space<hbm>>
        %dma_wait3A_448 = tpu.memref_slice %arg4[%add3A_428, %mul3A_446] : memref<122880x128xf32, #tpu.memory_space<hbm>> -> memref<128x64xf32, #tpu.memory_space<hbm>>
        tpu.wait_dma2 semaphore(%arg19 : memref<!tpu.dma_semaphore, #tpu.memory_space<semaphore_mem>>) src(%arg9 : memref<128x64xf32, #tpu.memory_space<vmem>>) dst(%dma_wait3A_448 : memref<128x64xf32, #tpu.memory_space<hbm>>)
      } else {
      }
      %add3A_56 = arith.constant 3 : i32
      %add3A_57 = arith.addi %add3A_47, %add3A_56 : i32
      %lt3A = arith.constant 60 : i32
      %lt3A_58 = arith.cmpi slt, %add3A_57, %lt3A : i32
      %convert_element_type3A_59 = arith.extui %lt3A_58 : i1 to i32
      %cond3A_60 = arith.constant 0 : i32
      %cond3A_61 = arith.cmpi ne, %convert_element_type3A_59, %cond3A_60 : i32
      scf.if %cond3A_61 {
        %add3A_396 = arith.constant 3 : i32
        %add3A_397 = arith.addi %add3A_47, %add3A_396 : i32
        %mul3A_398 = arith.constant 128 : i32
        %mul3A_399 = arith.muli %add3A_397, %mul3A_398 : i32
        %dma_start3A_400 = tpu.memref_slice %arg5[%mul3A_399] : memref<7680xi32, #tpu.memory_space<vmem>> -> memref<128xi32, #tpu.memory_space<vmem>>
        %dma_start3A_401 = arith.constant 0 : i32
        %dma_start3A_402 = arith.constant 0 : i32
        %dma_start3A_403 = tpu.memref_slice %arg3[%dma_start3A_401, %dma_start3A_402] : memref<100352x64xf32, #tpu.memory_space<hbm>> -> memref<100352x64xf32, #tpu.memory_space<hbm>>
        tpu.enqueue_indirect_dma source(%dma_start3A_403 : memref<100352x64xf32, #tpu.memory_space<hbm>>) target(%arg9 : memref<128x64xf32, #tpu.memory_space<vmem>>) offsets(%dma_start3A_400 : memref<128xi32, #tpu.memory_space<vmem>>) semaphore(%arg14 : memref<!tpu.dma_semaphore, #tpu.memory_space<semaphore_mem>>)
      } else {
      }
      %mul3A_62 = arith.constant 30 : i32
      %mul3A_63 = arith.muli %mul3A_62, %add3A : i32
      %mul3A_64 = arith.constant 128 : i32
      %mul3A_65 = arith.muli %mul3A_64, %mul3A_63 : i32
      %jit3A = arith.constant 2 : i32
      %div3A = arith.divsi %add3A_47, %jit3A : i32
      %sign3A = arith.constant 0 : i32
      %sign3A_66 = arith.cmpi sgt, %add3A_47, %sign3A : i32
      %sign3A_67 = arith.extui %sign3A_66 : i1 to i32
      %sign3A_68 = arith.constant 0 : i32
      %sign3A_69 = arith.cmpi slt, %add3A_47, %sign3A_68 : i32
      %sign3A_70 = arith.extui %sign3A_69 : i1 to i32
      %sign3A_71 = arith.subi %sign3A_67, %sign3A_70 : i32
      %sign3A_72 = arith.constant 0 : i32
      %sign3A_73 = arith.cmpi sgt, %jit3A, %sign3A_72 : i32
      %sign3A_74 = arith.extui %sign3A_73 : i1 to i32
      %sign3A_75 = arith.constant 0 : i32
      %sign3A_76 = arith.cmpi slt, %jit3A, %sign3A_75 : i32
      %sign3A_77 = arith.extui %sign3A_76 : i1 to i32
      %sign3A_78 = arith.subi %sign3A_74, %sign3A_77 : i32
      %ne3A = arith.cmpi ne, %sign3A_71, %sign3A_78 : i32
      %rem3A = arith.remsi %add3A_47, %jit3A : i32
      %ne3A_79 = arith.constant 0 : i32
      %ne3A_80 = arith.cmpi ne, %rem3A, %ne3A_79 : i32
      %and3A = arith.andi %ne3A, %ne3A_80 : i1
      %sub3A = arith.constant 1 : i32
      %sub3A_81 = arith.subi %div3A, %sub3A : i32
      %select_n3A = arith.select %and3A, %sub3A_81, %div3A : i32
      %mul3A_82 = arith.constant 128 : i32
      %mul3A_83 = arith.muli %mul3A_82, %select_n3A : i32
      %add3A_84 = arith.addi %mul3A_65, %mul3A_83 : i32
      %jit3A_85 = arith.constant 2 : i32
      %eq3A = arith.constant 0 : i32
      %eq3A_86 = arith.cmpi eq, %jit3A_85, %eq3A : i32
      %jit3A_87 = arith.constant 1 : i32
      %select_n3A_88 = arith.select %eq3A_86, %jit3A_87, %jit3A_85 : i32
      %rem3A_89 = arith.remsi %add3A_47, %select_n3A_88 : i32
      %ne3A_90 = arith.constant 0 : i32
      %ne3A_91 = arith.cmpi ne, %rem3A_89, %ne3A_90 : i32
      %lt3A_92 = arith.constant 0 : i32
      %lt3A_93 = arith.cmpi slt, %rem3A_89, %lt3A_92 : i32
      %lt3A_94 = arith.constant 0 : i32
      %lt3A_95 = arith.cmpi slt, %select_n3A_88, %lt3A_94 : i32
      %ne3A_96 = arith.xori %lt3A_93, %lt3A_95 : i1
      %and3A_97 = arith.andi %ne3A_96, %ne3A_91 : i1
      %add3A_98 = arith.addi %rem3A_89, %select_n3A_88 : i32
      %select_n3A_99 = arith.select %and3A_97, %add3A_98, %rem3A_89 : i32
      %mul3A_100 = arith.constant 64 : i32
      %mul3A_101 = arith.muli %mul3A_100, %select_n3A_99 : i32
      %dma_start3A_102 = tpu.memref_slice %arg4[%add3A_84, %mul3A_101] : memref<122880x128xf32, #tpu.memory_space<hbm>> -> memref<128x64xf32, #tpu.memory_space<hbm>>
      %dma_start3A_103 = tpu.memref_slice %arg4[%add3A_84, %mul3A_101] : memref<122880x128xf32, #tpu.memory_space<hbm>> -> memref<128x64xf32, #tpu.memory_space<hbm>>
      tpu.enqueue_dma source(%arg6 : memref<128x64xf32, #tpu.memory_space<vmem>>) target(%dma_start3A_103 : memref<128x64xf32, #tpu.memory_space<hbm>>) target_semaphore(%arg16 : memref<!tpu.dma_semaphore, #tpu.memory_space<semaphore_mem>>)
      %mul3A_104 = arith.constant 5 : i32
      %mul3A_105 = arith.muli %mul3A_104, %scan3A_43 : i32
      %add3A_106 = arith.constant 1 : i32
      %add3A_107 = arith.addi %mul3A_105, %add3A_106 : i32
      %mul3A_108 = arith.constant 128 : i32
      %mul3A_109 = arith.muli %add3A_107, %mul3A_108 : i32
      %dma_wait3A_110 = tpu.memref_slice %arg5[%mul3A_109] : memref<7680xi32, #tpu.memory_space<vmem>> -> memref<128xi32, #tpu.memory_space<vmem>>
      %dma_wait3A_111 = arith.constant 0 : i32
      %dma_wait3A_112 = arith.constant 0 : i32
      %dma_wait3A_113 = tpu.memref_slice %arg3[%dma_wait3A_111, %dma_wait3A_112] : memref<100352x64xf32, #tpu.memory_space<hbm>> -> memref<100352x64xf32, #tpu.memory_space<hbm>>
      tpu.wait_indirect_dma semaphore(%arg12 : memref<!tpu.dma_semaphore, #tpu.memory_space<semaphore_mem>>) src(%dma_wait3A_113 : memref<100352x64xf32, #tpu.memory_space<hbm>>) dst(%arg7 : memref<128x64xf32, #tpu.memory_space<vmem>>)
      %ge3A_114 = arith.constant 2 : i32
      %ge3A_115 = arith.cmpi sge, %add3A_107, %ge3A_114 : i32
      %convert_element_type3A_116 = arith.extui %ge3A_115 : i1 to i32
      %cond3A_117 = arith.constant 0 : i32
      %cond3A_118 = arith.cmpi ne, %convert_element_type3A_116, %cond3A_117 : i32
      scf.if %cond3A_118 {
        %sub3A_396 = arith.constant 2 : i32
        %sub3A_397 = arith.subi %add3A_107, %sub3A_396 : i32
        %mul3A_398 = arith.constant 30 : i32
        %mul3A_399 = arith.muli %mul3A_398, %add3A : i32
        %mul3A_400 = arith.constant 128 : i32
        %mul3A_401 = arith.muli %mul3A_400, %mul3A_399 : i32
        %jit3A_402 = arith.constant 2 : i32
        %div3A_403 = arith.divsi %sub3A_397, %jit3A_402 : i32
        %sign3A_404 = arith.constant 0 : i32
        %sign3A_405 = arith.cmpi sgt, %sub3A_397, %sign3A_404 : i32
        %sign3A_406 = arith.extui %sign3A_405 : i1 to i32
        %sign3A_407 = arith.constant 0 : i32
        %sign3A_408 = arith.cmpi slt, %sub3A_397, %sign3A_407 : i32
        %sign3A_409 = arith.extui %sign3A_408 : i1 to i32
        %sign3A_410 = arith.subi %sign3A_406, %sign3A_409 : i32
        %sign3A_411 = arith.constant 0 : i32
        %sign3A_412 = arith.cmpi sgt, %jit3A_402, %sign3A_411 : i32
        %sign3A_413 = arith.extui %sign3A_412 : i1 to i32
        %sign3A_414 = arith.constant 0 : i32
        %sign3A_415 = arith.cmpi slt, %jit3A_402, %sign3A_414 : i32
        %sign3A_416 = arith.extui %sign3A_415 : i1 to i32
        %sign3A_417 = arith.subi %sign3A_413, %sign3A_416 : i32
        %ne3A_418 = arith.cmpi ne, %sign3A_410, %sign3A_417 : i32
        %rem3A_419 = arith.remsi %sub3A_397, %jit3A_402 : i32
        %ne3A_420 = arith.constant 0 : i32
        %ne3A_421 = arith.cmpi ne, %rem3A_419, %ne3A_420 : i32
        %and3A_422 = arith.andi %ne3A_418, %ne3A_421 : i1
        %sub3A_423 = arith.constant 1 : i32
        %sub3A_424 = arith.subi %div3A_403, %sub3A_423 : i32
        %select_n3A_425 = arith.select %and3A_422, %sub3A_424, %div3A_403 : i32
        %mul3A_426 = arith.constant 128 : i32
        %mul3A_427 = arith.muli %mul3A_426, %select_n3A_425 : i32
        %add3A_428 = arith.addi %mul3A_401, %mul3A_427 : i32
        %jit3A_429 = arith.constant 2 : i32
        %eq3A_430 = arith.constant 0 : i32
        %eq3A_431 = arith.cmpi eq, %jit3A_429, %eq3A_430 : i32
        %jit3A_432 = arith.constant 1 : i32
        %select_n3A_433 = arith.select %eq3A_431, %jit3A_432, %jit3A_429 : i32
        %rem3A_434 = arith.remsi %sub3A_397, %select_n3A_433 : i32
        %ne3A_435 = arith.constant 0 : i32
        %ne3A_436 = arith.cmpi ne, %rem3A_434, %ne3A_435 : i32
        %lt3A_437 = arith.constant 0 : i32
        %lt3A_438 = arith.cmpi slt, %rem3A_434, %lt3A_437 : i32
        %lt3A_439 = arith.constant 0 : i32
        %lt3A_440 = arith.cmpi slt, %select_n3A_433, %lt3A_439 : i32
        %ne3A_441 = arith.xori %lt3A_438, %lt3A_440 : i1
        %and3A_442 = arith.andi %ne3A_441, %ne3A_436 : i1
        %add3A_443 = arith.addi %rem3A_434, %select_n3A_433 : i32
        %select_n3A_444 = arith.select %and3A_442, %add3A_443, %rem3A_434 : i32
        %mul3A_445 = arith.constant 64 : i32
        %mul3A_446 = arith.muli %mul3A_445, %select_n3A_444 : i32
        %dma_wait3A_447 = tpu.memref_slice %arg4[%add3A_428, %mul3A_446] : memref<122880x128xf32, #tpu.memory_space<hbm>> -> memref<128x64xf32, #tpu.memory_space<hbm>>
        %dma_wait3A_448 = tpu.memref_slice %arg4[%add3A_428, %mul3A_446] : memref<122880x128xf32, #tpu.memory_space<hbm>> -> memref<128x64xf32, #tpu.memory_space<hbm>>
        tpu.wait_dma2 semaphore(%arg20 : memref<!tpu.dma_semaphore, #tpu.memory_space<semaphore_mem>>) src(%arg10 : memref<128x64xf32, #tpu.memory_space<vmem>>) dst(%dma_wait3A_448 : memref<128x64xf32, #tpu.memory_space<hbm>>)
      } else {
      }
      %add3A_119 = arith.constant 3 : i32
      %add3A_120 = arith.addi %add3A_107, %add3A_119 : i32
      %lt3A_121 = arith.constant 60 : i32
      %lt3A_122 = arith.cmpi slt, %add3A_120, %lt3A_121 : i32
      %convert_element_type3A_123 = arith.extui %lt3A_122 : i1 to i32
      %cond3A_124 = arith.constant 0 : i32
      %cond3A_125 = arith.cmpi ne, %convert_element_type3A_123, %cond3A_124 : i32
      scf.if %cond3A_125 {
        %add3A_396 = arith.constant 3 : i32
        %add3A_397 = arith.addi %add3A_107, %add3A_396 : i32
        %mul3A_398 = arith.constant 128 : i32
        %mul3A_399 = arith.muli %add3A_397, %mul3A_398 : i32
        %dma_start3A_400 = tpu.memref_slice %arg5[%mul3A_399] : memref<7680xi32, #tpu.memory_space<vmem>> -> memref<128xi32, #tpu.memory_space<vmem>>
        %dma_start3A_401 = arith.constant 0 : i32
        %dma_start3A_402 = arith.constant 0 : i32
        %dma_start3A_403 = tpu.memref_slice %arg3[%dma_start3A_401, %dma_start3A_402] : memref<100352x64xf32, #tpu.memory_space<hbm>> -> memref<100352x64xf32, #tpu.memory_space<hbm>>
        tpu.enqueue_indirect_dma source(%dma_start3A_403 : memref<100352x64xf32, #tpu.memory_space<hbm>>) target(%arg10 : memref<128x64xf32, #tpu.memory_space<vmem>>) offsets(%dma_start3A_400 : memref<128xi32, #tpu.memory_space<vmem>>) semaphore(%arg15 : memref<!tpu.dma_semaphore, #tpu.memory_space<semaphore_mem>>)
      } else {
      }
      %mul3A_126 = arith.constant 30 : i32
      %mul3A_127 = arith.muli %mul3A_126, %add3A : i32
      %mul3A_128 = arith.constant 128 : i32
      %mul3A_129 = arith.muli %mul3A_128, %mul3A_127 : i32
      %jit3A_130 = arith.constant 2 : i32
      %div3A_131 = arith.divsi %add3A_107, %jit3A_130 : i32
      %sign3A_132 = arith.constant 0 : i32
      %sign3A_133 = arith.cmpi sgt, %add3A_107, %sign3A_132 : i32
      %sign3A_134 = arith.extui %sign3A_133 : i1 to i32
      %sign3A_135 = arith.constant 0 : i32
      %sign3A_136 = arith.cmpi slt, %add3A_107, %sign3A_135 : i32
      %sign3A_137 = arith.extui %sign3A_136 : i1 to i32
      %sign3A_138 = arith.subi %sign3A_134, %sign3A_137 : i32
      %sign3A_139 = arith.constant 0 : i32
      %sign3A_140 = arith.cmpi sgt, %jit3A_130, %sign3A_139 : i32
      %sign3A_141 = arith.extui %sign3A_140 : i1 to i32
      %sign3A_142 = arith.constant 0 : i32
      %sign3A_143 = arith.cmpi slt, %jit3A_130, %sign3A_142 : i32
      %sign3A_144 = arith.extui %sign3A_143 : i1 to i32
      %sign3A_145 = arith.subi %sign3A_141, %sign3A_144 : i32
      %ne3A_146 = arith.cmpi ne, %sign3A_138, %sign3A_145 : i32
      %rem3A_147 = arith.remsi %add3A_107, %jit3A_130 : i32
      %ne3A_148 = arith.constant 0 : i32
      %ne3A_149 = arith.cmpi ne, %rem3A_147, %ne3A_148 : i32
      %and3A_150 = arith.andi %ne3A_146, %ne3A_149 : i1
      %sub3A_151 = arith.constant 1 : i32
      %sub3A_152 = arith.subi %div3A_131, %sub3A_151 : i32
      %select_n3A_153 = arith.select %and3A_150, %sub3A_152, %div3A_131 : i32
      %mul3A_154 = arith.constant 128 : i32
      %mul3A_155 = arith.muli %mul3A_154, %select_n3A_153 : i32
      %add3A_156 = arith.addi %mul3A_129, %mul3A_155 : i32
      %jit3A_157 = arith.constant 2 : i32
      %eq3A_158 = arith.constant 0 : i32
      %eq3A_159 = arith.cmpi eq, %jit3A_157, %eq3A_158 : i32
      %jit3A_160 = arith.constant 1 : i32
      %select_n3A_161 = arith.select %eq3A_159, %jit3A_160, %jit3A_157 : i32
      %rem3A_162 = arith.remsi %add3A_107, %select_n3A_161 : i32
      %ne3A_163 = arith.constant 0 : i32
      %ne3A_164 = arith.cmpi ne, %rem3A_162, %ne3A_163 : i32
      %lt3A_165 = arith.constant 0 : i32
      %lt3A_166 = arith.cmpi slt, %rem3A_162, %lt3A_165 : i32
      %lt3A_167 = arith.constant 0 : i32
      %lt3A_168 = arith.cmpi slt, %select_n3A_161, %lt3A_167 : i32
      %ne3A_169 = arith.xori %lt3A_166, %lt3A_168 : i1
      %and3A_170 = arith.andi %ne3A_169, %ne3A_164 : i1
      %add3A_171 = arith.addi %rem3A_162, %select_n3A_161 : i32
      %select_n3A_172 = arith.select %and3A_170, %add3A_171, %rem3A_162 : i32
      %mul3A_173 = arith.constant 64 : i32
      %mul3A_174 = arith.muli %mul3A_173, %select_n3A_172 : i32
      %dma_start3A_175 = tpu.memref_slice %arg4[%add3A_156, %mul3A_174] : memref<122880x128xf32, #tpu.memory_space<hbm>> -> memref<128x64xf32, #tpu.memory_space<hbm>>
      %dma_start3A_176 = tpu.memref_slice %arg4[%add3A_156, %mul3A_174] : memref<122880x128xf32, #tpu.memory_space<hbm>> -> memref<128x64xf32, #tpu.memory_space<hbm>>
      tpu.enqueue_dma source(%arg7 : memref<128x64xf32, #tpu.memory_space<vmem>>) target(%dma_start3A_176 : memref<128x64xf32, #tpu.memory_space<hbm>>) target_semaphore(%arg17 : memref<!tpu.dma_semaphore, #tpu.memory_space<semaphore_mem>>)
      %mul3A_177 = arith.constant 5 : i32
      %mul3A_178 = arith.muli %mul3A_177, %scan3A_43 : i32
      %add3A_179 = arith.constant 2 : i32
      %add3A_180 = arith.addi %mul3A_178, %add3A_179 : i32
      %mul3A_181 = arith.constant 128 : i32
      %mul3A_182 = arith.muli %add3A_180, %mul3A_181 : i32
      %dma_wait3A_183 = tpu.memref_slice %arg5[%mul3A_182] : memref<7680xi32, #tpu.memory_space<vmem>> -> memref<128xi32, #tpu.memory_space<vmem>>
      %dma_wait3A_184 = arith.constant 0 : i32
      %dma_wait3A_185 = arith.constant 0 : i32
      %dma_wait3A_186 = tpu.memref_slice %arg3[%dma_wait3A_184, %dma_wait3A_185] : memref<100352x64xf32, #tpu.memory_space<hbm>> -> memref<100352x64xf32, #tpu.memory_space<hbm>>
      tpu.wait_indirect_dma semaphore(%arg13 : memref<!tpu.dma_semaphore, #tpu.memory_space<semaphore_mem>>) src(%dma_wait3A_186 : memref<100352x64xf32, #tpu.memory_space<hbm>>) dst(%arg8 : memref<128x64xf32, #tpu.memory_space<vmem>>)
      %ge3A_187 = arith.constant 2 : i32
      %ge3A_188 = arith.cmpi sge, %add3A_180, %ge3A_187 : i32
      %convert_element_type3A_189 = arith.extui %ge3A_188 : i1 to i32
      %cond3A_190 = arith.constant 0 : i32
      %cond3A_191 = arith.cmpi ne, %convert_element_type3A_189, %cond3A_190 : i32
      scf.if %cond3A_191 {
        %sub3A_396 = arith.constant 2 : i32
        %sub3A_397 = arith.subi %add3A_180, %sub3A_396 : i32
        %mul3A_398 = arith.constant 30 : i32
        %mul3A_399 = arith.muli %mul3A_398, %add3A : i32
        %mul3A_400 = arith.constant 128 : i32
        %mul3A_401 = arith.muli %mul3A_400, %mul3A_399 : i32
        %jit3A_402 = arith.constant 2 : i32
        %div3A_403 = arith.divsi %sub3A_397, %jit3A_402 : i32
        %sign3A_404 = arith.constant 0 : i32
        %sign3A_405 = arith.cmpi sgt, %sub3A_397, %sign3A_404 : i32
        %sign3A_406 = arith.extui %sign3A_405 : i1 to i32
        %sign3A_407 = arith.constant 0 : i32
        %sign3A_408 = arith.cmpi slt, %sub3A_397, %sign3A_407 : i32
        %sign3A_409 = arith.extui %sign3A_408 : i1 to i32
        %sign3A_410 = arith.subi %sign3A_406, %sign3A_409 : i32
        %sign3A_411 = arith.constant 0 : i32
        %sign3A_412 = arith.cmpi sgt, %jit3A_402, %sign3A_411 : i32
        %sign3A_413 = arith.extui %sign3A_412 : i1 to i32
        %sign3A_414 = arith.constant 0 : i32
        %sign3A_415 = arith.cmpi slt, %jit3A_402, %sign3A_414 : i32
        %sign3A_416 = arith.extui %sign3A_415 : i1 to i32
        %sign3A_417 = arith.subi %sign3A_413, %sign3A_416 : i32
        %ne3A_418 = arith.cmpi ne, %sign3A_410, %sign3A_417 : i32
        %rem3A_419 = arith.remsi %sub3A_397, %jit3A_402 : i32
        %ne3A_420 = arith.constant 0 : i32
        %ne3A_421 = arith.cmpi ne, %rem3A_419, %ne3A_420 : i32
        %and3A_422 = arith.andi %ne3A_418, %ne3A_421 : i1
        %sub3A_423 = arith.constant 1 : i32
        %sub3A_424 = arith.subi %div3A_403, %sub3A_423 : i32
        %select_n3A_425 = arith.select %and3A_422, %sub3A_424, %div3A_403 : i32
        %mul3A_426 = arith.constant 128 : i32
        %mul3A_427 = arith.muli %mul3A_426, %select_n3A_425 : i32
        %add3A_428 = arith.addi %mul3A_401, %mul3A_427 : i32
        %jit3A_429 = arith.constant 2 : i32
        %eq3A_430 = arith.constant 0 : i32
        %eq3A_431 = arith.cmpi eq, %jit3A_429, %eq3A_430 : i32
        %jit3A_432 = arith.constant 1 : i32
        %select_n3A_433 = arith.select %eq3A_431, %jit3A_432, %jit3A_429 : i32
        %rem3A_434 = arith.remsi %sub3A_397, %select_n3A_433 : i32
        %ne3A_435 = arith.constant 0 : i32
        %ne3A_436 = arith.cmpi ne, %rem3A_434, %ne3A_435 : i32
        %lt3A_437 = arith.constant 0 : i32
        %lt3A_438 = arith.cmpi slt, %rem3A_434, %lt3A_437 : i32
        %lt3A_439 = arith.constant 0 : i32
        %lt3A_440 = arith.cmpi slt, %select_n3A_433, %lt3A_439 : i32
        %ne3A_441 = arith.xori %lt3A_438, %lt3A_440 : i1
        %and3A_442 = arith.andi %ne3A_441, %ne3A_436 : i1
        %add3A_443 = arith.addi %rem3A_434, %select_n3A_433 : i32
        %select_n3A_444 = arith.select %and3A_442, %add3A_443, %rem3A_434 : i32
        %mul3A_445 = arith.constant 64 : i32
        %mul3A_446 = arith.muli %mul3A_445, %select_n3A_444 : i32
        %dma_wait3A_447 = tpu.memref_slice %arg4[%add3A_428, %mul3A_446] : memref<122880x128xf32, #tpu.memory_space<hbm>> -> memref<128x64xf32, #tpu.memory_space<hbm>>
        %dma_wait3A_448 = tpu.memref_slice %arg4[%add3A_428, %mul3A_446] : memref<122880x128xf32, #tpu.memory_space<hbm>> -> memref<128x64xf32, #tpu.memory_space<hbm>>
        tpu.wait_dma2 semaphore(%arg16 : memref<!tpu.dma_semaphore, #tpu.memory_space<semaphore_mem>>) src(%arg6 : memref<128x64xf32, #tpu.memory_space<vmem>>) dst(%dma_wait3A_448 : memref<128x64xf32, #tpu.memory_space<hbm>>)
      } else {
      }
      %add3A_192 = arith.constant 3 : i32
      %add3A_193 = arith.addi %add3A_180, %add3A_192 : i32
      %lt3A_194 = arith.constant 60 : i32
      %lt3A_195 = arith.cmpi slt, %add3A_193, %lt3A_194 : i32
      %convert_element_type3A_196 = arith.extui %lt3A_195 : i1 to i32
      %cond3A_197 = arith.constant 0 : i32
      %cond3A_198 = arith.cmpi ne, %convert_element_type3A_196, %cond3A_197 : i32
      scf.if %cond3A_198 {
        %add3A_396 = arith.constant 3 : i32
        %add3A_397 = arith.addi %add3A_180, %add3A_396 : i32
        %mul3A_398 = arith.constant 128 : i32
        %mul3A_399 = arith.muli %add3A_397, %mul3A_398 : i32
        %dma_start3A_400 = tpu.memref_slice %arg5[%mul3A_399] : memref<7680xi32, #tpu.memory_space<vmem>> -> memref<128xi32, #tpu.memory_space<vmem>>
        %dma_start3A_401 = arith.constant 0 : i32
        %dma_start3A_402 = arith.constant 0 : i32
        %dma_start3A_403 = tpu.memref_slice %arg3[%dma_start3A_401, %dma_start3A_402] : memref<100352x64xf32, #tpu.memory_space<hbm>> -> memref<100352x64xf32, #tpu.memory_space<hbm>>
        tpu.enqueue_indirect_dma source(%dma_start3A_403 : memref<100352x64xf32, #tpu.memory_space<hbm>>) target(%arg6 : memref<128x64xf32, #tpu.memory_space<vmem>>) offsets(%dma_start3A_400 : memref<128xi32, #tpu.memory_space<vmem>>) semaphore(%arg11 : memref<!tpu.dma_semaphore, #tpu.memory_space<semaphore_mem>>)
      } else {
      }
      %mul3A_199 = arith.constant 30 : i32
      %mul3A_200 = arith.muli %mul3A_199, %add3A : i32
      %mul3A_201 = arith.constant 128 : i32
      %mul3A_202 = arith.muli %mul3A_201, %mul3A_200 : i32
      %jit3A_203 = arith.constant 2 : i32
      %div3A_204 = arith.divsi %add3A_180, %jit3A_203 : i32
      %sign3A_205 = arith.constant 0 : i32
      %sign3A_206 = arith.cmpi sgt, %add3A_180, %sign3A_205 : i32
      %sign3A_207 = arith.extui %sign3A_206 : i1 to i32
      %sign3A_208 = arith.constant 0 : i32
      %sign3A_209 = arith.cmpi slt, %add3A_180, %sign3A_208 : i32
      %sign3A_210 = arith.extui %sign3A_209 : i1 to i32
      %sign3A_211 = arith.subi %sign3A_207, %sign3A_210 : i32
      %sign3A_212 = arith.constant 0 : i32
      %sign3A_213 = arith.cmpi sgt, %jit3A_203, %sign3A_212 : i32
      %sign3A_214 = arith.extui %sign3A_213 : i1 to i32
      %sign3A_215 = arith.constant 0 : i32
      %sign3A_216 = arith.cmpi slt, %jit3A_203, %sign3A_215 : i32
      %sign3A_217 = arith.extui %sign3A_216 : i1 to i32
      %sign3A_218 = arith.subi %sign3A_214, %sign3A_217 : i32
      %ne3A_219 = arith.cmpi ne, %sign3A_211, %sign3A_218 : i32
      %rem3A_220 = arith.remsi %add3A_180, %jit3A_203 : i32
      %ne3A_221 = arith.constant 0 : i32
      %ne3A_222 = arith.cmpi ne, %rem3A_220, %ne3A_221 : i32
      %and3A_223 = arith.andi %ne3A_219, %ne3A_222 : i1
      %sub3A_224 = arith.constant 1 : i32
      %sub3A_225 = arith.subi %div3A_204, %sub3A_224 : i32
      %select_n3A_226 = arith.select %and3A_223, %sub3A_225, %div3A_204 : i32
      %mul3A_227 = arith.constant 128 : i32
      %mul3A_228 = arith.muli %mul3A_227, %select_n3A_226 : i32
      %add3A_229 = arith.addi %mul3A_202, %mul3A_228 : i32
      %jit3A_230 = arith.constant 2 : i32
      %eq3A_231 = arith.constant 0 : i32
      %eq3A_232 = arith.cmpi eq, %jit3A_230, %eq3A_231 : i32
      %jit3A_233 = arith.constant 1 : i32
      %select_n3A_234 = arith.select %eq3A_232, %jit3A_233, %jit3A_230 : i32
      %rem3A_235 = arith.remsi %add3A_180, %select_n3A_234 : i32
      %ne3A_236 = arith.constant 0 : i32
      %ne3A_237 = arith.cmpi ne, %rem3A_235, %ne3A_236 : i32
      %lt3A_238 = arith.constant 0 : i32
      %lt3A_239 = arith.cmpi slt, %rem3A_235, %lt3A_238 : i32
      %lt3A_240 = arith.constant 0 : i32
      %lt3A_241 = arith.cmpi slt, %select_n3A_234, %lt3A_240 : i32
      %ne3A_242 = arith.xori %lt3A_239, %lt3A_241 : i1
      %and3A_243 = arith.andi %ne3A_242, %ne3A_237 : i1
      %add3A_244 = arith.addi %rem3A_235, %select_n3A_234 : i32
      %select_n3A_245 = arith.select %and3A_243, %add3A_244, %rem3A_235 : i32
      %mul3A_246 = arith.constant 64 : i32
      %mul3A_247 = arith.muli %mul3A_246, %select_n3A_245 : i32
      %dma_start3A_248 = tpu.memref_slice %arg4[%add3A_229, %mul3A_247] : memref<122880x128xf32, #tpu.memory_space<hbm>> -> memref<128x64xf32, #tpu.memory_space<hbm>>
      %dma_start3A_249 = tpu.memref_slice %arg4[%add3A_229, %mul3A_247] : memref<122880x128xf32, #tpu.memory_space<hbm>> -> memref<128x64xf32, #tpu.memory_space<hbm>>
      tpu.enqueue_dma source(%arg8 : memref<128x64xf32, #tpu.memory_space<vmem>>) target(%dma_start3A_249 : memref<128x64xf32, #tpu.memory_space<hbm>>) target_semaphore(%arg18 : memref<!tpu.dma_semaphore, #tpu.memory_space<semaphore_mem>>)
      %mul3A_250 = arith.constant 5 : i32
      %mul3A_251 = arith.muli %mul3A_250, %scan3A_43 : i32
      %add3A_252 = arith.constant 3 : i32
      %add3A_253 = arith.addi %mul3A_251, %add3A_252 : i32
      %mul3A_254 = arith.constant 128 : i32
      %mul3A_255 = arith.muli %add3A_253, %mul3A_254 : i32
      %dma_wait3A_256 = tpu.memref_slice %arg5[%mul3A_255] : memref<7680xi32, #tpu.memory_space<vmem>> -> memref<128xi32, #tpu.memory_space<vmem>>
      %dma_wait3A_257 = arith.constant 0 : i32
      %dma_wait3A_258 = arith.constant 0 : i32
      %dma_wait3A_259 = tpu.memref_slice %arg3[%dma_wait3A_257, %dma_wait3A_258] : memref<100352x64xf32, #tpu.memory_space<hbm>> -> memref<100352x64xf32, #tpu.memory_space<hbm>>
      tpu.wait_indirect_dma semaphore(%arg14 : memref<!tpu.dma_semaphore, #tpu.memory_space<semaphore_mem>>) src(%dma_wait3A_259 : memref<100352x64xf32, #tpu.memory_space<hbm>>) dst(%arg9 : memref<128x64xf32, #tpu.memory_space<vmem>>)
      %ge3A_260 = arith.constant 2 : i32
      %ge3A_261 = arith.cmpi sge, %add3A_253, %ge3A_260 : i32
      %convert_element_type3A_262 = arith.extui %ge3A_261 : i1 to i32
      %cond3A_263 = arith.constant 0 : i32
      %cond3A_264 = arith.cmpi ne, %convert_element_type3A_262, %cond3A_263 : i32
      scf.if %cond3A_264 {
        %sub3A_396 = arith.constant 2 : i32
        %sub3A_397 = arith.subi %add3A_253, %sub3A_396 : i32
        %mul3A_398 = arith.constant 30 : i32
        %mul3A_399 = arith.muli %mul3A_398, %add3A : i32
        %mul3A_400 = arith.constant 128 : i32
        %mul3A_401 = arith.muli %mul3A_400, %mul3A_399 : i32
        %jit3A_402 = arith.constant 2 : i32
        %div3A_403 = arith.divsi %sub3A_397, %jit3A_402 : i32
        %sign3A_404 = arith.constant 0 : i32
        %sign3A_405 = arith.cmpi sgt, %sub3A_397, %sign3A_404 : i32
        %sign3A_406 = arith.extui %sign3A_405 : i1 to i32
        %sign3A_407 = arith.constant 0 : i32
        %sign3A_408 = arith.cmpi slt, %sub3A_397, %sign3A_407 : i32
        %sign3A_409 = arith.extui %sign3A_408 : i1 to i32
        %sign3A_410 = arith.subi %sign3A_406, %sign3A_409 : i32
        %sign3A_411 = arith.constant 0 : i32
        %sign3A_412 = arith.cmpi sgt, %jit3A_402, %sign3A_411 : i32
        %sign3A_413 = arith.extui %sign3A_412 : i1 to i32
        %sign3A_414 = arith.constant 0 : i32
        %sign3A_415 = arith.cmpi slt, %jit3A_402, %sign3A_414 : i32
        %sign3A_416 = arith.extui %sign3A_415 : i1 to i32
        %sign3A_417 = arith.subi %sign3A_413, %sign3A_416 : i32
        %ne3A_418 = arith.cmpi ne, %sign3A_410, %sign3A_417 : i32
        %rem3A_419 = arith.remsi %sub3A_397, %jit3A_402 : i32
        %ne3A_420 = arith.constant 0 : i32
        %ne3A_421 = arith.cmpi ne, %rem3A_419, %ne3A_420 : i32
        %and3A_422 = arith.andi %ne3A_418, %ne3A_421 : i1
        %sub3A_423 = arith.constant 1 : i32
        %sub3A_424 = arith.subi %div3A_403, %sub3A_423 : i32
        %select_n3A_425 = arith.select %and3A_422, %sub3A_424, %div3A_403 : i32
        %mul3A_426 = arith.constant 128 : i32
        %mul3A_427 = arith.muli %mul3A_426, %select_n3A_425 : i32
        %add3A_428 = arith.addi %mul3A_401, %mul3A_427 : i32
        %jit3A_429 = arith.constant 2 : i32
        %eq3A_430 = arith.constant 0 : i32
        %eq3A_431 = arith.cmpi eq, %jit3A_429, %eq3A_430 : i32
        %jit3A_432 = arith.constant 1 : i32
        %select_n3A_433 = arith.select %eq3A_431, %jit3A_432, %jit3A_429 : i32
        %rem3A_434 = arith.remsi %sub3A_397, %select_n3A_433 : i32
        %ne3A_435 = arith.constant 0 : i32
        %ne3A_436 = arith.cmpi ne, %rem3A_434, %ne3A_435 : i32
        %lt3A_437 = arith.constant 0 : i32
        %lt3A_438 = arith.cmpi slt, %rem3A_434, %lt3A_437 : i32
        %lt3A_439 = arith.constant 0 : i32
        %lt3A_440 = arith.cmpi slt, %select_n3A_433, %lt3A_439 : i32
        %ne3A_441 = arith.xori %lt3A_438, %lt3A_440 : i1
        %and3A_442 = arith.andi %ne3A_441, %ne3A_436 : i1
        %add3A_443 = arith.addi %rem3A_434, %select_n3A_433 : i32
        %select_n3A_444 = arith.select %and3A_442, %add3A_443, %rem3A_434 : i32
        %mul3A_445 = arith.constant 64 : i32
        %mul3A_446 = arith.muli %mul3A_445, %select_n3A_444 : i32
        %dma_wait3A_447 = tpu.memref_slice %arg4[%add3A_428, %mul3A_446] : memref<122880x128xf32, #tpu.memory_space<hbm>> -> memref<128x64xf32, #tpu.memory_space<hbm>>
        %dma_wait3A_448 = tpu.memref_slice %arg4[%add3A_428, %mul3A_446] : memref<122880x128xf32, #tpu.memory_space<hbm>> -> memref<128x64xf32, #tpu.memory_space<hbm>>
        tpu.wait_dma2 semaphore(%arg17 : memref<!tpu.dma_semaphore, #tpu.memory_space<semaphore_mem>>) src(%arg7 : memref<128x64xf32, #tpu.memory_space<vmem>>) dst(%dma_wait3A_448 : memref<128x64xf32, #tpu.memory_space<hbm>>)
      } else {
      }
      %add3A_265 = arith.constant 3 : i32
      %add3A_266 = arith.addi %add3A_253, %add3A_265 : i32
      %lt3A_267 = arith.constant 60 : i32
      %lt3A_268 = arith.cmpi slt, %add3A_266, %lt3A_267 : i32
      %convert_element_type3A_269 = arith.extui %lt3A_268 : i1 to i32
      %cond3A_270 = arith.constant 0 : i32
      %cond3A_271 = arith.cmpi ne, %convert_element_type3A_269, %cond3A_270 : i32
      scf.if %cond3A_271 {
        %add3A_396 = arith.constant 3 : i32
        %add3A_397 = arith.addi %add3A_253, %add3A_396 : i32
        %mul3A_398 = arith.constant 128 : i32
        %mul3A_399 = arith.muli %add3A_397, %mul3A_398 : i32
        %dma_start3A_400 = tpu.memref_slice %arg5[%mul3A_399] : memref<7680xi32, #tpu.memory_space<vmem>> -> memref<128xi32, #tpu.memory_space<vmem>>
        %dma_start3A_401 = arith.constant 0 : i32
        %dma_start3A_402 = arith.constant 0 : i32
        %dma_start3A_403 = tpu.memref_slice %arg3[%dma_start3A_401, %dma_start3A_402] : memref<100352x64xf32, #tpu.memory_space<hbm>> -> memref<100352x64xf32, #tpu.memory_space<hbm>>
        tpu.enqueue_indirect_dma source(%dma_start3A_403 : memref<100352x64xf32, #tpu.memory_space<hbm>>) target(%arg7 : memref<128x64xf32, #tpu.memory_space<vmem>>) offsets(%dma_start3A_400 : memref<128xi32, #tpu.memory_space<vmem>>) semaphore(%arg12 : memref<!tpu.dma_semaphore, #tpu.memory_space<semaphore_mem>>)
      } else {
      }
      %mul3A_272 = arith.constant 30 : i32
      %mul3A_273 = arith.muli %mul3A_272, %add3A : i32
      %mul3A_274 = arith.constant 128 : i32
      %mul3A_275 = arith.muli %mul3A_274, %mul3A_273 : i32
      %jit3A_276 = arith.constant 2 : i32
      %div3A_277 = arith.divsi %add3A_253, %jit3A_276 : i32
      %sign3A_278 = arith.constant 0 : i32
      %sign3A_279 = arith.cmpi sgt, %add3A_253, %sign3A_278 : i32
      %sign3A_280 = arith.extui %sign3A_279 : i1 to i32
      %sign3A_281 = arith.constant 0 : i32
      %sign3A_282 = arith.cmpi slt, %add3A_253, %sign3A_281 : i32
      %sign3A_283 = arith.extui %sign3A_282 : i1 to i32
      %sign3A_284 = arith.subi %sign3A_280, %sign3A_283 : i32
      %sign3A_285 = arith.constant 0 : i32
      %sign3A_286 = arith.cmpi sgt, %jit3A_276, %sign3A_285 : i32
      %sign3A_287 = arith.extui %sign3A_286 : i1 to i32
      %sign3A_288 = arith.constant 0 : i32
      %sign3A_289 = arith.cmpi slt, %jit3A_276, %sign3A_288 : i32
      %sign3A_290 = arith.extui %sign3A_289 : i1 to i32
      %sign3A_291 = arith.subi %sign3A_287, %sign3A_290 : i32
      %ne3A_292 = arith.cmpi ne, %sign3A_284, %sign3A_291 : i32
      %rem3A_293 = arith.remsi %add3A_253, %jit3A_276 : i32
      %ne3A_294 = arith.constant 0 : i32
      %ne3A_295 = arith.cmpi ne, %rem3A_293, %ne3A_294 : i32
      %and3A_296 = arith.andi %ne3A_292, %ne3A_295 : i1
      %sub3A_297 = arith.constant 1 : i32
      %sub3A_298 = arith.subi %div3A_277, %sub3A_297 : i32
      %select_n3A_299 = arith.select %and3A_296, %sub3A_298, %div3A_277 : i32
      %mul3A_300 = arith.constant 128 : i32
      %mul3A_301 = arith.muli %mul3A_300, %select_n3A_299 : i32
      %add3A_302 = arith.addi %mul3A_275, %mul3A_301 : i32
      %jit3A_303 = arith.constant 2 : i32
      %eq3A_304 = arith.constant 0 : i32
      %eq3A_305 = arith.cmpi eq, %jit3A_303, %eq3A_304 : i32
      %jit3A_306 = arith.constant 1 : i32
      %select_n3A_307 = arith.select %eq3A_305, %jit3A_306, %jit3A_303 : i32
      %rem3A_308 = arith.remsi %add3A_253, %select_n3A_307 : i32
      %ne3A_309 = arith.constant 0 : i32
      %ne3A_310 = arith.cmpi ne, %rem3A_308, %ne3A_309 : i32
      %lt3A_311 = arith.constant 0 : i32
      %lt3A_312 = arith.cmpi slt, %rem3A_308, %lt3A_311 : i32
      %lt3A_313 = arith.constant 0 : i32
      %lt3A_314 = arith.cmpi slt, %select_n3A_307, %lt3A_313 : i32
      %ne3A_315 = arith.xori %lt3A_312, %lt3A_314 : i1
      %and3A_316 = arith.andi %ne3A_315, %ne3A_310 : i1
      %add3A_317 = arith.addi %rem3A_308, %select_n3A_307 : i32
      %select_n3A_318 = arith.select %and3A_316, %add3A_317, %rem3A_308 : i32
      %mul3A_319 = arith.constant 64 : i32
      %mul3A_320 = arith.muli %mul3A_319, %select_n3A_318 : i32
      %dma_start3A_321 = tpu.memref_slice %arg4[%add3A_302, %mul3A_320] : memref<122880x128xf32, #tpu.memory_space<hbm>> -> memref<128x64xf32, #tpu.memory_space<hbm>>
      %dma_start3A_322 = tpu.memref_slice %arg4[%add3A_302, %mul3A_320] : memref<122880x128xf32, #tpu.memory_space<hbm>> -> memref<128x64xf32, #tpu.memory_space<hbm>>
      tpu.enqueue_dma source(%arg9 : memref<128x64xf32, #tpu.memory_space<vmem>>) target(%dma_start3A_322 : memref<128x64xf32, #tpu.memory_space<hbm>>) target_semaphore(%arg19 : memref<!tpu.dma_semaphore, #tpu.memory_space<semaphore_mem>>)
      %mul3A_323 = arith.constant 5 : i32
      %mul3A_324 = arith.muli %mul3A_323, %scan3A_43 : i32
      %add3A_325 = arith.constant 4 : i32
      %add3A_326 = arith.addi %mul3A_324, %add3A_325 : i32
      %mul3A_327 = arith.constant 128 : i32
      %mul3A_328 = arith.muli %add3A_326, %mul3A_327 : i32
      %dma_wait3A_329 = tpu.memref_slice %arg5[%mul3A_328] : memref<7680xi32, #tpu.memory_space<vmem>> -> memref<128xi32, #tpu.memory_space<vmem>>
      %dma_wait3A_330 = arith.constant 0 : i32
      %dma_wait3A_331 = arith.constant 0 : i32
      %dma_wait3A_332 = tpu.memref_slice %arg3[%dma_wait3A_330, %dma_wait3A_331] : memref<100352x64xf32, #tpu.memory_space<hbm>> -> memref<100352x64xf32, #tpu.memory_space<hbm>>
      tpu.wait_indirect_dma semaphore(%arg15 : memref<!tpu.dma_semaphore, #tpu.memory_space<semaphore_mem>>) src(%dma_wait3A_332 : memref<100352x64xf32, #tpu.memory_space<hbm>>) dst(%arg10 : memref<128x64xf32, #tpu.memory_space<vmem>>)
      %ge3A_333 = arith.constant 2 : i32
      %ge3A_334 = arith.cmpi sge, %add3A_326, %ge3A_333 : i32
      %convert_element_type3A_335 = arith.extui %ge3A_334 : i1 to i32
      %cond3A_336 = arith.constant 0 : i32
      %cond3A_337 = arith.cmpi ne, %convert_element_type3A_335, %cond3A_336 : i32
      scf.if %cond3A_337 {
        %sub3A_396 = arith.constant 2 : i32
        %sub3A_397 = arith.subi %add3A_326, %sub3A_396 : i32
        %mul3A_398 = arith.constant 30 : i32
        %mul3A_399 = arith.muli %mul3A_398, %add3A : i32
        %mul3A_400 = arith.constant 128 : i32
        %mul3A_401 = arith.muli %mul3A_400, %mul3A_399 : i32
        %jit3A_402 = arith.constant 2 : i32
        %div3A_403 = arith.divsi %sub3A_397, %jit3A_402 : i32
        %sign3A_404 = arith.constant 0 : i32
        %sign3A_405 = arith.cmpi sgt, %sub3A_397, %sign3A_404 : i32
        %sign3A_406 = arith.extui %sign3A_405 : i1 to i32
        %sign3A_407 = arith.constant 0 : i32
        %sign3A_408 = arith.cmpi slt, %sub3A_397, %sign3A_407 : i32
        %sign3A_409 = arith.extui %sign3A_408 : i1 to i32
        %sign3A_410 = arith.subi %sign3A_406, %sign3A_409 : i32
        %sign3A_411 = arith.constant 0 : i32
        %sign3A_412 = arith.cmpi sgt, %jit3A_402, %sign3A_411 : i32
        %sign3A_413 = arith.extui %sign3A_412 : i1 to i32
        %sign3A_414 = arith.constant 0 : i32
        %sign3A_415 = arith.cmpi slt, %jit3A_402, %sign3A_414 : i32
        %sign3A_416 = arith.extui %sign3A_415 : i1 to i32
        %sign3A_417 = arith.subi %sign3A_413, %sign3A_416 : i32
        %ne3A_418 = arith.cmpi ne, %sign3A_410, %sign3A_417 : i32
        %rem3A_419 = arith.remsi %sub3A_397, %jit3A_402 : i32
        %ne3A_420 = arith.constant 0 : i32
        %ne3A_421 = arith.cmpi ne, %rem3A_419, %ne3A_420 : i32
        %and3A_422 = arith.andi %ne3A_418, %ne3A_421 : i1
        %sub3A_423 = arith.constant 1 : i32
        %sub3A_424 = arith.subi %div3A_403, %sub3A_423 : i32
        %select_n3A_425 = arith.select %and3A_422, %sub3A_424, %div3A_403 : i32
        %mul3A_426 = arith.constant 128 : i32
        %mul3A_427 = arith.muli %mul3A_426, %select_n3A_425 : i32
        %add3A_428 = arith.addi %mul3A_401, %mul3A_427 : i32
        %jit3A_429 = arith.constant 2 : i32
        %eq3A_430 = arith.constant 0 : i32
        %eq3A_431 = arith.cmpi eq, %jit3A_429, %eq3A_430 : i32
        %jit3A_432 = arith.constant 1 : i32
        %select_n3A_433 = arith.select %eq3A_431, %jit3A_432, %jit3A_429 : i32
        %rem3A_434 = arith.remsi %sub3A_397, %select_n3A_433 : i32
        %ne3A_435 = arith.constant 0 : i32
        %ne3A_436 = arith.cmpi ne, %rem3A_434, %ne3A_435 : i32
        %lt3A_437 = arith.constant 0 : i32
        %lt3A_438 = arith.cmpi slt, %rem3A_434, %lt3A_437 : i32
        %lt3A_439 = arith.constant 0 : i32
        %lt3A_440 = arith.cmpi slt, %select_n3A_433, %lt3A_439 : i32
        %ne3A_441 = arith.xori %lt3A_438, %lt3A_440 : i1
        %and3A_442 = arith.andi %ne3A_441, %ne3A_436 : i1
        %add3A_443 = arith.addi %rem3A_434, %select_n3A_433 : i32
        %select_n3A_444 = arith.select %and3A_442, %add3A_443, %rem3A_434 : i32
        %mul3A_445 = arith.constant 64 : i32
        %mul3A_446 = arith.muli %mul3A_445, %select_n3A_444 : i32
        %dma_wait3A_447 = tpu.memref_slice %arg4[%add3A_428, %mul3A_446] : memref<122880x128xf32, #tpu.memory_space<hbm>> -> memref<128x64xf32, #tpu.memory_space<hbm>>
        %dma_wait3A_448 = tpu.memref_slice %arg4[%add3A_428, %mul3A_446] : memref<122880x128xf32, #tpu.memory_space<hbm>> -> memref<128x64xf32, #tpu.memory_space<hbm>>
        tpu.wait_dma2 semaphore(%arg18 : memref<!tpu.dma_semaphore, #tpu.memory_space<semaphore_mem>>) src(%arg8 : memref<128x64xf32, #tpu.memory_space<vmem>>) dst(%dma_wait3A_448 : memref<128x64xf32, #tpu.memory_space<hbm>>)
      } else {
      }
      %add3A_338 = arith.constant 3 : i32
      %add3A_339 = arith.addi %add3A_326, %add3A_338 : i32
      %lt3A_340 = arith.constant 60 : i32
      %lt3A_341 = arith.cmpi slt, %add3A_339, %lt3A_340 : i32
      %convert_element_type3A_342 = arith.extui %lt3A_341 : i1 to i32
      %cond3A_343 = arith.constant 0 : i32
      %cond3A_344 = arith.cmpi ne, %convert_element_type3A_342, %cond3A_343 : i32
      scf.if %cond3A_344 {
        %add3A_396 = arith.constant 3 : i32
        %add3A_397 = arith.addi %add3A_326, %add3A_396 : i32
        %mul3A_398 = arith.constant 128 : i32
        %mul3A_399 = arith.muli %add3A_397, %mul3A_398 : i32
        %dma_start3A_400 = tpu.memref_slice %arg5[%mul3A_399] : memref<7680xi32, #tpu.memory_space<vmem>> -> memref<128xi32, #tpu.memory_space<vmem>>
        %dma_start3A_401 = arith.constant 0 : i32
        %dma_start3A_402 = arith.constant 0 : i32
        %dma_start3A_403 = tpu.memref_slice %arg3[%dma_start3A_401, %dma_start3A_402] : memref<100352x64xf32, #tpu.memory_space<hbm>> -> memref<100352x64xf32, #tpu.memory_space<hbm>>
        tpu.enqueue_indirect_dma source(%dma_start3A_403 : memref<100352x64xf32, #tpu.memory_space<hbm>>) target(%arg8 : memref<128x64xf32, #tpu.memory_space<vmem>>) offsets(%dma_start3A_400 : memref<128xi32, #tpu.memory_space<vmem>>) semaphore(%arg13 : memref<!tpu.dma_semaphore, #tpu.memory_space<semaphore_mem>>)
      } else {
      }
      %mul3A_345 = arith.constant 30 : i32
      %mul3A_346 = arith.muli %mul3A_345, %add3A : i32
      %mul3A_347 = arith.constant 128 : i32
      %mul3A_348 = arith.muli %mul3A_347, %mul3A_346 : i32
      %jit3A_349 = arith.constant 2 : i32
      %div3A_350 = arith.divsi %add3A_326, %jit3A_349 : i32
      %sign3A_351 = arith.constant 0 : i32
      %sign3A_352 = arith.cmpi sgt, %add3A_326, %sign3A_351 : i32
      %sign3A_353 = arith.extui %sign3A_352 : i1 to i32
      %sign3A_354 = arith.constant 0 : i32
      %sign3A_355 = arith.cmpi slt, %add3A_326, %sign3A_354 : i32
      %sign3A_356 = arith.extui %sign3A_355 : i1 to i32
      %sign3A_357 = arith.subi %sign3A_353, %sign3A_356 : i32
      %sign3A_358 = arith.constant 0 : i32
      %sign3A_359 = arith.cmpi sgt, %jit3A_349, %sign3A_358 : i32
      %sign3A_360 = arith.extui %sign3A_359 : i1 to i32
      %sign3A_361 = arith.constant 0 : i32
      %sign3A_362 = arith.cmpi slt, %jit3A_349, %sign3A_361 : i32
      %sign3A_363 = arith.extui %sign3A_362 : i1 to i32
      %sign3A_364 = arith.subi %sign3A_360, %sign3A_363 : i32
      %ne3A_365 = arith.cmpi ne, %sign3A_357, %sign3A_364 : i32
      %rem3A_366 = arith.remsi %add3A_326, %jit3A_349 : i32
      %ne3A_367 = arith.constant 0 : i32
      %ne3A_368 = arith.cmpi ne, %rem3A_366, %ne3A_367 : i32
      %and3A_369 = arith.andi %ne3A_365, %ne3A_368 : i1
      %sub3A_370 = arith.constant 1 : i32
      %sub3A_371 = arith.subi %div3A_350, %sub3A_370 : i32
      %select_n3A_372 = arith.select %and3A_369, %sub3A_371, %div3A_350 : i32
      %mul3A_373 = arith.constant 128 : i32
      %mul3A_374 = arith.muli %mul3A_373, %select_n3A_372 : i32
      %add3A_375 = arith.addi %mul3A_348, %mul3A_374 : i32
      %jit3A_376 = arith.constant 2 : i32
      %eq3A_377 = arith.constant 0 : i32
      %eq3A_378 = arith.cmpi eq, %jit3A_376, %eq3A_377 : i32
      %jit3A_379 = arith.constant 1 : i32
      %select_n3A_380 = arith.select %eq3A_378, %jit3A_379, %jit3A_376 : i32
      %rem3A_381 = arith.remsi %add3A_326, %select_n3A_380 : i32
      %ne3A_382 = arith.constant 0 : i32
      %ne3A_383 = arith.cmpi ne, %rem3A_381, %ne3A_382 : i32
      %lt3A_384 = arith.constant 0 : i32
      %lt3A_385 = arith.cmpi slt, %rem3A_381, %lt3A_384 : i32
      %lt3A_386 = arith.constant 0 : i32
      %lt3A_387 = arith.cmpi slt, %select_n3A_380, %lt3A_386 : i32
      %ne3A_388 = arith.xori %lt3A_385, %lt3A_387 : i1
      %and3A_389 = arith.andi %ne3A_388, %ne3A_383 : i1
      %add3A_390 = arith.addi %rem3A_381, %select_n3A_380 : i32
      %select_n3A_391 = arith.select %and3A_389, %add3A_390, %rem3A_381 : i32
      %mul3A_392 = arith.constant 64 : i32
      %mul3A_393 = arith.muli %mul3A_392, %select_n3A_391 : i32
      %dma_start3A_394 = tpu.memref_slice %arg4[%add3A_375, %mul3A_393] : memref<122880x128xf32, #tpu.memory_space<hbm>> -> memref<128x64xf32, #tpu.memory_space<hbm>>
      %dma_start3A_395 = tpu.memref_slice %arg4[%add3A_375, %mul3A_393] : memref<122880x128xf32, #tpu.memory_space<hbm>> -> memref<128x64xf32, #tpu.memory_space<hbm>>
      tpu.enqueue_dma source(%arg10 : memref<128x64xf32, #tpu.memory_space<vmem>>) target(%dma_start3A_395 : memref<128x64xf32, #tpu.memory_space<hbm>>) target_semaphore(%arg20 : memref<!tpu.dma_semaphore, #tpu.memory_space<semaphore_mem>>)
    }
    %scan3A_23 = arith.constant 12 : i32
    %mul3A_24 = arith.constant 30 : i32
    %mul3A_25 = arith.muli %mul3A_24, %add3A : i32
    %mul3A_26 = arith.constant 128 : i32
    %mul3A_27 = arith.muli %mul3A_26, %mul3A_25 : i32
    %add3A_28 = arith.constant 3712 : i32
    %add3A_29 = arith.addi %mul3A_27, %add3A_28 : i32
    %dma_wait3A = arith.constant 0 : i32
    %dma_wait3A_30 = tpu.memref_slice %arg4[%add3A_29, %dma_wait3A] : memref<122880x128xf32, #tpu.memory_space<hbm>> -> memref<128x64xf32, #tpu.memory_space<hbm>>
    %dma_wait3A_31 = arith.constant 0 : i32
    %dma_wait3A_32 = tpu.memref_slice %arg4[%add3A_29, %dma_wait3A_31] : memref<122880x128xf32, #tpu.memory_space<hbm>> -> memref<128x64xf32, #tpu.memory_space<hbm>>
    tpu.wait_dma2 semaphore(%arg19 : memref<!tpu.dma_semaphore, #tpu.memory_space<semaphore_mem>>) src(%arg9 : memref<128x64xf32, #tpu.memory_space<vmem>>) dst(%dma_wait3A_32 : memref<128x64xf32, #tpu.memory_space<hbm>>)
    %mul3A_33 = arith.constant 30 : i32
    %mul3A_34 = arith.muli %mul3A_33, %add3A : i32
    %mul3A_35 = arith.constant 128 : i32
    %mul3A_36 = arith.muli %mul3A_35, %mul3A_34 : i32
    %add3A_37 = arith.constant 3712 : i32
    %add3A_38 = arith.addi %mul3A_36, %add3A_37 : i32
    %dma_wait3A_39 = arith.constant 64 : i32
    %dma_wait3A_40 = tpu.memref_slice %arg4[%add3A_38, %dma_wait3A_39] : memref<122880x128xf32, #tpu.memory_space<hbm>> -> memref<128x64xf32, #tpu.memory_space<hbm>>
    %dma_wait3A_41 = arith.constant 64 : i32
    %dma_wait3A_42 = tpu.memref_slice %arg4[%add3A_38, %dma_wait3A_41] : memref<122880x128xf32, #tpu.memory_space<hbm>> -> memref<128x64xf32, #tpu.memory_space<hbm>>
    tpu.wait_dma2 semaphore(%arg20 : memref<!tpu.dma_semaphore, #tpu.memory_space<semaphore_mem>>) src(%arg10 : memref<128x64xf32, #tpu.memory_space<vmem>>) dst(%dma_wait3A_42 : memref<128x64xf32, #tpu.memory_space<hbm>>)
    return
  }
}

#map = affine_map<(d0, d1) -> (0)>
#map1 = affine_map<(d0, d1) -> (0, 0)>
module attributes {stable_mosaic.version = 14 : i64} {
  func.func @k(%arg0: i32, %arg1: i32, %arg2: memref<819200xi32, #tpu.memory_space<hbm>>, %arg3: memref<100352x64xf32, #tpu.memory_space<hbm>>, %arg4: memref<204800x128xf32, #tpu.memory_space<hbm>>, %arg5: memref<12800xi32, #tpu.memory_space<vmem>>, %arg6: memref<128x64xf32, #tpu.memory_space<vmem>>, %arg7: memref<128x64xf32, #tpu.memory_space<vmem>>, %arg8: memref<128x64xf32, #tpu.memory_space<vmem>>, %arg9: memref<128x64xf32, #tpu.memory_space<vmem>>, %arg10: memref<128x64xf32, #tpu.memory_space<vmem>>, %arg11: memref<!tpu.dma_semaphore, #tpu.memory_space<semaphore_mem>>, %arg12: memref<!tpu.dma_semaphore, #tpu.memory_space<semaphore_mem>>, %arg13: memref<!tpu.dma_semaphore, #tpu.memory_space<semaphore_mem>>, %arg14: memref<!tpu.dma_semaphore, #tpu.memory_space<semaphore_mem>>, %arg15: memref<!tpu.dma_semaphore, #tpu.memory_space<semaphore_mem>>, %arg16: memref<!tpu.dma_semaphore, #tpu.memory_space<semaphore_mem>>, %arg17: memref<!tpu.dma_semaphore, #tpu.memory_space<semaphore_mem>>, %arg18: memref<!tpu.dma_semaphore, #tpu.memory_space<semaphore_mem>>, %arg19: memref<!tpu.dma_semaphore, #tpu.memory_space<semaphore_mem>>, %arg20: memref<!tpu.dma_semaphore, #tpu.memory_space<semaphore_mem>>) attributes {dimension_semantics = [#tpu.dimension_semantics<core_parallel>, #tpu.dimension_semantics<subcore_parallel>], iteration_bounds = array<i64: 2, 16>, scalar_prefetch = 0 : i64, scratch_operands = 16 : i64, tpu.core_type = #tpu.core_type<sc_vector_subcore>, window_params = [{transform_indices = #map}, {transform_indices = #map1}, {transform_indices = #map1}]} {
    %mul3A = arith.constant 2 : i32
    %mul3A_0 = arith.muli %arg1, %mul3A : i32
    %add3A = arith.addi %mul3A_0, %arg0 : i32
    %mul3A_1 = arith.constant 12800 : i32
    %mul3A_2 = arith.muli %add3A, %mul3A_1 : i32
    %add3A_3 = arith.constant 409600 : i32
    %add3A_4 = arith.addi %add3A_3, %mul3A_2 : i32
    "tpu.region"() ({
      %run_scoped3A = tpu.sem_alloc : memref<!tpu.dma_semaphore, #tpu.memory_space<semaphore_mem>>
      %dma_start3A_43 = tpu.memref_slice %arg2[%add3A_4] : memref<819200xi32, #tpu.memory_space<hbm>> -> memref<12800xi32, #tpu.memory_space<hbm>>
      %dma_start3A_44 = tpu.memref_slice %arg2[%add3A_4] : memref<819200xi32, #tpu.memory_space<hbm>> -> memref<12800xi32, #tpu.memory_space<hbm>>
      tpu.enqueue_dma source(%dma_start3A_44 : memref<12800xi32, #tpu.memory_space<hbm>>) target(%arg5 : memref<12800xi32, #tpu.memory_space<vmem>>) target_semaphore(%run_scoped3A : memref<!tpu.dma_semaphore, #tpu.memory_space<semaphore_mem>>)
      %dma_wait3A_45 = tpu.memref_slice %arg2[%add3A_4] : memref<819200xi32, #tpu.memory_space<hbm>> -> memref<12800xi32, #tpu.memory_space<hbm>>
      %dma_wait3A_46 = tpu.memref_slice %arg2[%add3A_4] : memref<819200xi32, #tpu.memory_space<hbm>> -> memref<12800xi32, #tpu.memory_space<hbm>>
      tpu.wait_dma2 semaphore(%run_scoped3A : memref<!tpu.dma_semaphore, #tpu.memory_space<semaphore_mem>>) src(%dma_wait3A_46 : memref<12800xi32, #tpu.memory_space<hbm>>) dst(%arg5 : memref<12800xi32, #tpu.memory_space<vmem>>)
      tpu.yield
    }) : () -> ()
    %dma_start3A = arith.constant 0 : i32
    %dma_start3A_5 = tpu.memref_slice %arg5[%dma_start3A] : memref<12800xi32, #tpu.memory_space<vmem>> -> memref<128xi32, #tpu.memory_space<vmem>>
    %dma_start3A_6 = arith.constant 0 : i32
    %dma_start3A_7 = arith.constant 0 : i32
    %dma_start3A_8 = tpu.memref_slice %arg3[%dma_start3A_6, %dma_start3A_7] : memref<100352x64xf32, #tpu.memory_space<hbm>> -> memref<100352x64xf32, #tpu.memory_space<hbm>>
    tpu.enqueue_indirect_dma source(%dma_start3A_8 : memref<100352x64xf32, #tpu.memory_space<hbm>>) target(%arg6 : memref<128x64xf32, #tpu.memory_space<vmem>>) offsets(%dma_start3A_5 : memref<128xi32, #tpu.memory_space<vmem>>) semaphore(%arg11 : memref<!tpu.dma_semaphore, #tpu.memory_space<semaphore_mem>>)
    %dma_start3A_9 = arith.constant 128 : i32
    %dma_start3A_10 = tpu.memref_slice %arg5[%dma_start3A_9] : memref<12800xi32, #tpu.memory_space<vmem>> -> memref<128xi32, #tpu.memory_space<vmem>>
    %dma_start3A_11 = arith.constant 0 : i32
    %dma_start3A_12 = arith.constant 0 : i32
    %dma_start3A_13 = tpu.memref_slice %arg3[%dma_start3A_11, %dma_start3A_12] : memref<100352x64xf32, #tpu.memory_space<hbm>> -> memref<100352x64xf32, #tpu.memory_space<hbm>>
    tpu.enqueue_indirect_dma source(%dma_start3A_13 : memref<100352x64xf32, #tpu.memory_space<hbm>>) target(%arg7 : memref<128x64xf32, #tpu.memory_space<vmem>>) offsets(%dma_start3A_10 : memref<128xi32, #tpu.memory_space<vmem>>) semaphore(%arg12 : memref<!tpu.dma_semaphore, #tpu.memory_space<semaphore_mem>>)
    %dma_start3A_14 = arith.constant 256 : i32
    %dma_start3A_15 = tpu.memref_slice %arg5[%dma_start3A_14] : memref<12800xi32, #tpu.memory_space<vmem>> -> memref<128xi32, #tpu.memory_space<vmem>>
    %dma_start3A_16 = arith.constant 0 : i32
    %dma_start3A_17 = arith.constant 0 : i32
    %dma_start3A_18 = tpu.memref_slice %arg3[%dma_start3A_16, %dma_start3A_17] : memref<100352x64xf32, #tpu.memory_space<hbm>> -> memref<100352x64xf32, #tpu.memory_space<hbm>>
    tpu.enqueue_indirect_dma source(%dma_start3A_18 : memref<100352x64xf32, #tpu.memory_space<hbm>>) target(%arg8 : memref<128x64xf32, #tpu.memory_space<vmem>>) offsets(%dma_start3A_15 : memref<128xi32, #tpu.memory_space<vmem>>) semaphore(%arg13 : memref<!tpu.dma_semaphore, #tpu.memory_space<semaphore_mem>>)
    %scan3A = arith.constant 0 : i32
    %scan3A_19 = arith.constant 0 : i32
    %scan3A_20 = arith.constant 20 : i32
    %scan3A_21 = arith.addi %scan3A_19, %scan3A_20 : i32
    %scan3A_22 = arith.constant 1 : i32
    scf.for %scan3A_43 = %scan3A_19 to %scan3A_21 step %scan3A_22  : i32 {
      %mul3A_44 = arith.constant 5 : i32
      %mul3A_45 = arith.muli %mul3A_44, %scan3A_43 : i32
      %add3A_46 = arith.constant 0 : i32
      %add3A_47 = arith.addi %mul3A_45, %add3A_46 : i32
      %mul3A_48 = arith.constant 128 : i32
      %mul3A_49 = arith.muli %add3A_47, %mul3A_48 : i32
      %dma_wait3A_50 = tpu.memref_slice %arg5[%mul3A_49] : memref<12800xi32, #tpu.memory_space<vmem>> -> memref<128xi32, #tpu.memory_space<vmem>>
      %dma_wait3A_51 = arith.constant 0 : i32
      %dma_wait3A_52 = arith.constant 0 : i32
      %dma_wait3A_53 = tpu.memref_slice %arg3[%dma_wait3A_51, %dma_wait3A_52] : memref<100352x64xf32, #tpu.memory_space<hbm>> -> memref<100352x64xf32, #tpu.memory_space<hbm>>
      tpu.wait_indirect_dma semaphore(%arg11 : memref<!tpu.dma_semaphore, #tpu.memory_space<semaphore_mem>>) src(%dma_wait3A_53 : memref<100352x64xf32, #tpu.memory_space<hbm>>) dst(%arg6 : memref<128x64xf32, #tpu.memory_space<vmem>>)
      %ge3A = arith.constant 2 : i32
      %ge3A_54 = arith.cmpi sge, %add3A_47, %ge3A : i32
      %convert_element_type3A = arith.extui %ge3A_54 : i1 to i32
      %cond3A = arith.constant 0 : i32
      %cond3A_55 = arith.cmpi ne, %convert_element_type3A, %cond3A : i32
      scf.if %cond3A_55 {
        %sub3A_396 = arith.constant 2 : i32
        %sub3A_397 = arith.subi %add3A_47, %sub3A_396 : i32
        %mul3A_398 = arith.constant 50 : i32
        %mul3A_399 = arith.muli %mul3A_398, %add3A : i32
        %mul3A_400 = arith.constant 128 : i32
        %mul3A_401 = arith.muli %mul3A_400, %mul3A_399 : i32
        %jit3A_402 = arith.constant 2 : i32
        %div3A_403 = arith.divsi %sub3A_397, %jit3A_402 : i32
        %sign3A_404 = arith.constant 0 : i32
        %sign3A_405 = arith.cmpi sgt, %sub3A_397, %sign3A_404 : i32
        %sign3A_406 = arith.extui %sign3A_405 : i1 to i32
        %sign3A_407 = arith.constant 0 : i32
        %sign3A_408 = arith.cmpi slt, %sub3A_397, %sign3A_407 : i32
        %sign3A_409 = arith.extui %sign3A_408 : i1 to i32
        %sign3A_410 = arith.subi %sign3A_406, %sign3A_409 : i32
        %sign3A_411 = arith.constant 0 : i32
        %sign3A_412 = arith.cmpi sgt, %jit3A_402, %sign3A_411 : i32
        %sign3A_413 = arith.extui %sign3A_412 : i1 to i32
        %sign3A_414 = arith.constant 0 : i32
        %sign3A_415 = arith.cmpi slt, %jit3A_402, %sign3A_414 : i32
        %sign3A_416 = arith.extui %sign3A_415 : i1 to i32
        %sign3A_417 = arith.subi %sign3A_413, %sign3A_416 : i32
        %ne3A_418 = arith.cmpi ne, %sign3A_410, %sign3A_417 : i32
        %rem3A_419 = arith.remsi %sub3A_397, %jit3A_402 : i32
        %ne3A_420 = arith.constant 0 : i32
        %ne3A_421 = arith.cmpi ne, %rem3A_419, %ne3A_420 : i32
        %and3A_422 = arith.andi %ne3A_418, %ne3A_421 : i1
        %sub3A_423 = arith.constant 1 : i32
        %sub3A_424 = arith.subi %div3A_403, %sub3A_423 : i32
        %select_n3A_425 = arith.select %and3A_422, %sub3A_424, %div3A_403 : i32
        %mul3A_426 = arith.constant 128 : i32
        %mul3A_427 = arith.muli %mul3A_426, %select_n3A_425 : i32
        %add3A_428 = arith.addi %mul3A_401, %mul3A_427 : i32
        %jit3A_429 = arith.constant 2 : i32
        %eq3A_430 = arith.constant 0 : i32
        %eq3A_431 = arith.cmpi eq, %jit3A_429, %eq3A_430 : i32
        %jit3A_432 = arith.constant 1 : i32
        %select_n3A_433 = arith.select %eq3A_431, %jit3A_432, %jit3A_429 : i32
        %rem3A_434 = arith.remsi %sub3A_397, %select_n3A_433 : i32
        %ne3A_435 = arith.constant 0 : i32
        %ne3A_436 = arith.cmpi ne, %rem3A_434, %ne3A_435 : i32
        %lt3A_437 = arith.constant 0 : i32
        %lt3A_438 = arith.cmpi slt, %rem3A_434, %lt3A_437 : i32
        %lt3A_439 = arith.constant 0 : i32
        %lt3A_440 = arith.cmpi slt, %select_n3A_433, %lt3A_439 : i32
        %ne3A_441 = arith.xori %lt3A_438, %lt3A_440 : i1
        %and3A_442 = arith.andi %ne3A_441, %ne3A_436 : i1
        %add3A_443 = arith.addi %rem3A_434, %select_n3A_433 : i32
        %select_n3A_444 = arith.select %and3A_442, %add3A_443, %rem3A_434 : i32
        %mul3A_445 = arith.constant 64 : i32
        %mul3A_446 = arith.muli %mul3A_445, %select_n3A_444 : i32
        %dma_wait3A_447 = tpu.memref_slice %arg4[%add3A_428, %mul3A_446] : memref<204800x128xf32, #tpu.memory_space<hbm>> -> memref<128x64xf32, #tpu.memory_space<hbm>>
        %dma_wait3A_448 = tpu.memref_slice %arg4[%add3A_428, %mul3A_446] : memref<204800x128xf32, #tpu.memory_space<hbm>> -> memref<128x64xf32, #tpu.memory_space<hbm>>
        tpu.wait_dma2 semaphore(%arg19 : memref<!tpu.dma_semaphore, #tpu.memory_space<semaphore_mem>>) src(%arg9 : memref<128x64xf32, #tpu.memory_space<vmem>>) dst(%dma_wait3A_448 : memref<128x64xf32, #tpu.memory_space<hbm>>)
      } else {
      }
      %add3A_56 = arith.constant 3 : i32
      %add3A_57 = arith.addi %add3A_47, %add3A_56 : i32
      %lt3A = arith.constant 100 : i32
      %lt3A_58 = arith.cmpi slt, %add3A_57, %lt3A : i32
      %convert_element_type3A_59 = arith.extui %lt3A_58 : i1 to i32
      %cond3A_60 = arith.constant 0 : i32
      %cond3A_61 = arith.cmpi ne, %convert_element_type3A_59, %cond3A_60 : i32
      scf.if %cond3A_61 {
        %add3A_396 = arith.constant 3 : i32
        %add3A_397 = arith.addi %add3A_47, %add3A_396 : i32
        %mul3A_398 = arith.constant 128 : i32
        %mul3A_399 = arith.muli %add3A_397, %mul3A_398 : i32
        %dma_start3A_400 = tpu.memref_slice %arg5[%mul3A_399] : memref<12800xi32, #tpu.memory_space<vmem>> -> memref<128xi32, #tpu.memory_space<vmem>>
        %dma_start3A_401 = arith.constant 0 : i32
        %dma_start3A_402 = arith.constant 0 : i32
        %dma_start3A_403 = tpu.memref_slice %arg3[%dma_start3A_401, %dma_start3A_402] : memref<100352x64xf32, #tpu.memory_space<hbm>> -> memref<100352x64xf32, #tpu.memory_space<hbm>>
        tpu.enqueue_indirect_dma source(%dma_start3A_403 : memref<100352x64xf32, #tpu.memory_space<hbm>>) target(%arg9 : memref<128x64xf32, #tpu.memory_space<vmem>>) offsets(%dma_start3A_400 : memref<128xi32, #tpu.memory_space<vmem>>) semaphore(%arg14 : memref<!tpu.dma_semaphore, #tpu.memory_space<semaphore_mem>>)
      } else {
      }
      %mul3A_62 = arith.constant 50 : i32
      %mul3A_63 = arith.muli %mul3A_62, %add3A : i32
      %mul3A_64 = arith.constant 128 : i32
      %mul3A_65 = arith.muli %mul3A_64, %mul3A_63 : i32
      %jit3A = arith.constant 2 : i32
      %div3A = arith.divsi %add3A_47, %jit3A : i32
      %sign3A = arith.constant 0 : i32
      %sign3A_66 = arith.cmpi sgt, %add3A_47, %sign3A : i32
      %sign3A_67 = arith.extui %sign3A_66 : i1 to i32
      %sign3A_68 = arith.constant 0 : i32
      %sign3A_69 = arith.cmpi slt, %add3A_47, %sign3A_68 : i32
      %sign3A_70 = arith.extui %sign3A_69 : i1 to i32
      %sign3A_71 = arith.subi %sign3A_67, %sign3A_70 : i32
      %sign3A_72 = arith.constant 0 : i32
      %sign3A_73 = arith.cmpi sgt, %jit3A, %sign3A_72 : i32
      %sign3A_74 = arith.extui %sign3A_73 : i1 to i32
      %sign3A_75 = arith.constant 0 : i32
      %sign3A_76 = arith.cmpi slt, %jit3A, %sign3A_75 : i32
      %sign3A_77 = arith.extui %sign3A_76 : i1 to i32
      %sign3A_78 = arith.subi %sign3A_74, %sign3A_77 : i32
      %ne3A = arith.cmpi ne, %sign3A_71, %sign3A_78 : i32
      %rem3A = arith.remsi %add3A_47, %jit3A : i32
      %ne3A_79 = arith.constant 0 : i32
      %ne3A_80 = arith.cmpi ne, %rem3A, %ne3A_79 : i32
      %and3A = arith.andi %ne3A, %ne3A_80 : i1
      %sub3A = arith.constant 1 : i32
      %sub3A_81 = arith.subi %div3A, %sub3A : i32
      %select_n3A = arith.select %and3A, %sub3A_81, %div3A : i32
      %mul3A_82 = arith.constant 128 : i32
      %mul3A_83 = arith.muli %mul3A_82, %select_n3A : i32
      %add3A_84 = arith.addi %mul3A_65, %mul3A_83 : i32
      %jit3A_85 = arith.constant 2 : i32
      %eq3A = arith.constant 0 : i32
      %eq3A_86 = arith.cmpi eq, %jit3A_85, %eq3A : i32
      %jit3A_87 = arith.constant 1 : i32
      %select_n3A_88 = arith.select %eq3A_86, %jit3A_87, %jit3A_85 : i32
      %rem3A_89 = arith.remsi %add3A_47, %select_n3A_88 : i32
      %ne3A_90 = arith.constant 0 : i32
      %ne3A_91 = arith.cmpi ne, %rem3A_89, %ne3A_90 : i32
      %lt3A_92 = arith.constant 0 : i32
      %lt3A_93 = arith.cmpi slt, %rem3A_89, %lt3A_92 : i32
      %lt3A_94 = arith.constant 0 : i32
      %lt3A_95 = arith.cmpi slt, %select_n3A_88, %lt3A_94 : i32
      %ne3A_96 = arith.xori %lt3A_93, %lt3A_95 : i1
      %and3A_97 = arith.andi %ne3A_96, %ne3A_91 : i1
      %add3A_98 = arith.addi %rem3A_89, %select_n3A_88 : i32
      %select_n3A_99 = arith.select %and3A_97, %add3A_98, %rem3A_89 : i32
      %mul3A_100 = arith.constant 64 : i32
      %mul3A_101 = arith.muli %mul3A_100, %select_n3A_99 : i32
      %dma_start3A_102 = tpu.memref_slice %arg4[%add3A_84, %mul3A_101] : memref<204800x128xf32, #tpu.memory_space<hbm>> -> memref<128x64xf32, #tpu.memory_space<hbm>>
      %dma_start3A_103 = tpu.memref_slice %arg4[%add3A_84, %mul3A_101] : memref<204800x128xf32, #tpu.memory_space<hbm>> -> memref<128x64xf32, #tpu.memory_space<hbm>>
      tpu.enqueue_dma source(%arg6 : memref<128x64xf32, #tpu.memory_space<vmem>>) target(%dma_start3A_103 : memref<128x64xf32, #tpu.memory_space<hbm>>) target_semaphore(%arg16 : memref<!tpu.dma_semaphore, #tpu.memory_space<semaphore_mem>>)
      %mul3A_104 = arith.constant 5 : i32
      %mul3A_105 = arith.muli %mul3A_104, %scan3A_43 : i32
      %add3A_106 = arith.constant 1 : i32
      %add3A_107 = arith.addi %mul3A_105, %add3A_106 : i32
      %mul3A_108 = arith.constant 128 : i32
      %mul3A_109 = arith.muli %add3A_107, %mul3A_108 : i32
      %dma_wait3A_110 = tpu.memref_slice %arg5[%mul3A_109] : memref<12800xi32, #tpu.memory_space<vmem>> -> memref<128xi32, #tpu.memory_space<vmem>>
      %dma_wait3A_111 = arith.constant 0 : i32
      %dma_wait3A_112 = arith.constant 0 : i32
      %dma_wait3A_113 = tpu.memref_slice %arg3[%dma_wait3A_111, %dma_wait3A_112] : memref<100352x64xf32, #tpu.memory_space<hbm>> -> memref<100352x64xf32, #tpu.memory_space<hbm>>
      tpu.wait_indirect_dma semaphore(%arg12 : memref<!tpu.dma_semaphore, #tpu.memory_space<semaphore_mem>>) src(%dma_wait3A_113 : memref<100352x64xf32, #tpu.memory_space<hbm>>) dst(%arg7 : memref<128x64xf32, #tpu.memory_space<vmem>>)
      %ge3A_114 = arith.constant 2 : i32
      %ge3A_115 = arith.cmpi sge, %add3A_107, %ge3A_114 : i32
      %convert_element_type3A_116 = arith.extui %ge3A_115 : i1 to i32
      %cond3A_117 = arith.constant 0 : i32
      %cond3A_118 = arith.cmpi ne, %convert_element_type3A_116, %cond3A_117 : i32
      scf.if %cond3A_118 {
        %sub3A_396 = arith.constant 2 : i32
        %sub3A_397 = arith.subi %add3A_107, %sub3A_396 : i32
        %mul3A_398 = arith.constant 50 : i32
        %mul3A_399 = arith.muli %mul3A_398, %add3A : i32
        %mul3A_400 = arith.constant 128 : i32
        %mul3A_401 = arith.muli %mul3A_400, %mul3A_399 : i32
        %jit3A_402 = arith.constant 2 : i32
        %div3A_403 = arith.divsi %sub3A_397, %jit3A_402 : i32
        %sign3A_404 = arith.constant 0 : i32
        %sign3A_405 = arith.cmpi sgt, %sub3A_397, %sign3A_404 : i32
        %sign3A_406 = arith.extui %sign3A_405 : i1 to i32
        %sign3A_407 = arith.constant 0 : i32
        %sign3A_408 = arith.cmpi slt, %sub3A_397, %sign3A_407 : i32
        %sign3A_409 = arith.extui %sign3A_408 : i1 to i32
        %sign3A_410 = arith.subi %sign3A_406, %sign3A_409 : i32
        %sign3A_411 = arith.constant 0 : i32
        %sign3A_412 = arith.cmpi sgt, %jit3A_402, %sign3A_411 : i32
        %sign3A_413 = arith.extui %sign3A_412 : i1 to i32
        %sign3A_414 = arith.constant 0 : i32
        %sign3A_415 = arith.cmpi slt, %jit3A_402, %sign3A_414 : i32
        %sign3A_416 = arith.extui %sign3A_415 : i1 to i32
        %sign3A_417 = arith.subi %sign3A_413, %sign3A_416 : i32
        %ne3A_418 = arith.cmpi ne, %sign3A_410, %sign3A_417 : i32
        %rem3A_419 = arith.remsi %sub3A_397, %jit3A_402 : i32
        %ne3A_420 = arith.constant 0 : i32
        %ne3A_421 = arith.cmpi ne, %rem3A_419, %ne3A_420 : i32
        %and3A_422 = arith.andi %ne3A_418, %ne3A_421 : i1
        %sub3A_423 = arith.constant 1 : i32
        %sub3A_424 = arith.subi %div3A_403, %sub3A_423 : i32
        %select_n3A_425 = arith.select %and3A_422, %sub3A_424, %div3A_403 : i32
        %mul3A_426 = arith.constant 128 : i32
        %mul3A_427 = arith.muli %mul3A_426, %select_n3A_425 : i32
        %add3A_428 = arith.addi %mul3A_401, %mul3A_427 : i32
        %jit3A_429 = arith.constant 2 : i32
        %eq3A_430 = arith.constant 0 : i32
        %eq3A_431 = arith.cmpi eq, %jit3A_429, %eq3A_430 : i32
        %jit3A_432 = arith.constant 1 : i32
        %select_n3A_433 = arith.select %eq3A_431, %jit3A_432, %jit3A_429 : i32
        %rem3A_434 = arith.remsi %sub3A_397, %select_n3A_433 : i32
        %ne3A_435 = arith.constant 0 : i32
        %ne3A_436 = arith.cmpi ne, %rem3A_434, %ne3A_435 : i32
        %lt3A_437 = arith.constant 0 : i32
        %lt3A_438 = arith.cmpi slt, %rem3A_434, %lt3A_437 : i32
        %lt3A_439 = arith.constant 0 : i32
        %lt3A_440 = arith.cmpi slt, %select_n3A_433, %lt3A_439 : i32
        %ne3A_441 = arith.xori %lt3A_438, %lt3A_440 : i1
        %and3A_442 = arith.andi %ne3A_441, %ne3A_436 : i1
        %add3A_443 = arith.addi %rem3A_434, %select_n3A_433 : i32
        %select_n3A_444 = arith.select %and3A_442, %add3A_443, %rem3A_434 : i32
        %mul3A_445 = arith.constant 64 : i32
        %mul3A_446 = arith.muli %mul3A_445, %select_n3A_444 : i32
        %dma_wait3A_447 = tpu.memref_slice %arg4[%add3A_428, %mul3A_446] : memref<204800x128xf32, #tpu.memory_space<hbm>> -> memref<128x64xf32, #tpu.memory_space<hbm>>
        %dma_wait3A_448 = tpu.memref_slice %arg4[%add3A_428, %mul3A_446] : memref<204800x128xf32, #tpu.memory_space<hbm>> -> memref<128x64xf32, #tpu.memory_space<hbm>>
        tpu.wait_dma2 semaphore(%arg20 : memref<!tpu.dma_semaphore, #tpu.memory_space<semaphore_mem>>) src(%arg10 : memref<128x64xf32, #tpu.memory_space<vmem>>) dst(%dma_wait3A_448 : memref<128x64xf32, #tpu.memory_space<hbm>>)
      } else {
      }
      %add3A_119 = arith.constant 3 : i32
      %add3A_120 = arith.addi %add3A_107, %add3A_119 : i32
      %lt3A_121 = arith.constant 100 : i32
      %lt3A_122 = arith.cmpi slt, %add3A_120, %lt3A_121 : i32
      %convert_element_type3A_123 = arith.extui %lt3A_122 : i1 to i32
      %cond3A_124 = arith.constant 0 : i32
      %cond3A_125 = arith.cmpi ne, %convert_element_type3A_123, %cond3A_124 : i32
      scf.if %cond3A_125 {
        %add3A_396 = arith.constant 3 : i32
        %add3A_397 = arith.addi %add3A_107, %add3A_396 : i32
        %mul3A_398 = arith.constant 128 : i32
        %mul3A_399 = arith.muli %add3A_397, %mul3A_398 : i32
        %dma_start3A_400 = tpu.memref_slice %arg5[%mul3A_399] : memref<12800xi32, #tpu.memory_space<vmem>> -> memref<128xi32, #tpu.memory_space<vmem>>
        %dma_start3A_401 = arith.constant 0 : i32
        %dma_start3A_402 = arith.constant 0 : i32
        %dma_start3A_403 = tpu.memref_slice %arg3[%dma_start3A_401, %dma_start3A_402] : memref<100352x64xf32, #tpu.memory_space<hbm>> -> memref<100352x64xf32, #tpu.memory_space<hbm>>
        tpu.enqueue_indirect_dma source(%dma_start3A_403 : memref<100352x64xf32, #tpu.memory_space<hbm>>) target(%arg10 : memref<128x64xf32, #tpu.memory_space<vmem>>) offsets(%dma_start3A_400 : memref<128xi32, #tpu.memory_space<vmem>>) semaphore(%arg15 : memref<!tpu.dma_semaphore, #tpu.memory_space<semaphore_mem>>)
      } else {
      }
      %mul3A_126 = arith.constant 50 : i32
      %mul3A_127 = arith.muli %mul3A_126, %add3A : i32
      %mul3A_128 = arith.constant 128 : i32
      %mul3A_129 = arith.muli %mul3A_128, %mul3A_127 : i32
      %jit3A_130 = arith.constant 2 : i32
      %div3A_131 = arith.divsi %add3A_107, %jit3A_130 : i32
      %sign3A_132 = arith.constant 0 : i32
      %sign3A_133 = arith.cmpi sgt, %add3A_107, %sign3A_132 : i32
      %sign3A_134 = arith.extui %sign3A_133 : i1 to i32
      %sign3A_135 = arith.constant 0 : i32
      %sign3A_136 = arith.cmpi slt, %add3A_107, %sign3A_135 : i32
      %sign3A_137 = arith.extui %sign3A_136 : i1 to i32
      %sign3A_138 = arith.subi %sign3A_134, %sign3A_137 : i32
      %sign3A_139 = arith.constant 0 : i32
      %sign3A_140 = arith.cmpi sgt, %jit3A_130, %sign3A_139 : i32
      %sign3A_141 = arith.extui %sign3A_140 : i1 to i32
      %sign3A_142 = arith.constant 0 : i32
      %sign3A_143 = arith.cmpi slt, %jit3A_130, %sign3A_142 : i32
      %sign3A_144 = arith.extui %sign3A_143 : i1 to i32
      %sign3A_145 = arith.subi %sign3A_141, %sign3A_144 : i32
      %ne3A_146 = arith.cmpi ne, %sign3A_138, %sign3A_145 : i32
      %rem3A_147 = arith.remsi %add3A_107, %jit3A_130 : i32
      %ne3A_148 = arith.constant 0 : i32
      %ne3A_149 = arith.cmpi ne, %rem3A_147, %ne3A_148 : i32
      %and3A_150 = arith.andi %ne3A_146, %ne3A_149 : i1
      %sub3A_151 = arith.constant 1 : i32
      %sub3A_152 = arith.subi %div3A_131, %sub3A_151 : i32
      %select_n3A_153 = arith.select %and3A_150, %sub3A_152, %div3A_131 : i32
      %mul3A_154 = arith.constant 128 : i32
      %mul3A_155 = arith.muli %mul3A_154, %select_n3A_153 : i32
      %add3A_156 = arith.addi %mul3A_129, %mul3A_155 : i32
      %jit3A_157 = arith.constant 2 : i32
      %eq3A_158 = arith.constant 0 : i32
      %eq3A_159 = arith.cmpi eq, %jit3A_157, %eq3A_158 : i32
      %jit3A_160 = arith.constant 1 : i32
      %select_n3A_161 = arith.select %eq3A_159, %jit3A_160, %jit3A_157 : i32
      %rem3A_162 = arith.remsi %add3A_107, %select_n3A_161 : i32
      %ne3A_163 = arith.constant 0 : i32
      %ne3A_164 = arith.cmpi ne, %rem3A_162, %ne3A_163 : i32
      %lt3A_165 = arith.constant 0 : i32
      %lt3A_166 = arith.cmpi slt, %rem3A_162, %lt3A_165 : i32
      %lt3A_167 = arith.constant 0 : i32
      %lt3A_168 = arith.cmpi slt, %select_n3A_161, %lt3A_167 : i32
      %ne3A_169 = arith.xori %lt3A_166, %lt3A_168 : i1
      %and3A_170 = arith.andi %ne3A_169, %ne3A_164 : i1
      %add3A_171 = arith.addi %rem3A_162, %select_n3A_161 : i32
      %select_n3A_172 = arith.select %and3A_170, %add3A_171, %rem3A_162 : i32
      %mul3A_173 = arith.constant 64 : i32
      %mul3A_174 = arith.muli %mul3A_173, %select_n3A_172 : i32
      %dma_start3A_175 = tpu.memref_slice %arg4[%add3A_156, %mul3A_174] : memref<204800x128xf32, #tpu.memory_space<hbm>> -> memref<128x64xf32, #tpu.memory_space<hbm>>
      %dma_start3A_176 = tpu.memref_slice %arg4[%add3A_156, %mul3A_174] : memref<204800x128xf32, #tpu.memory_space<hbm>> -> memref<128x64xf32, #tpu.memory_space<hbm>>
      tpu.enqueue_dma source(%arg7 : memref<128x64xf32, #tpu.memory_space<vmem>>) target(%dma_start3A_176 : memref<128x64xf32, #tpu.memory_space<hbm>>) target_semaphore(%arg17 : memref<!tpu.dma_semaphore, #tpu.memory_space<semaphore_mem>>)
      %mul3A_177 = arith.constant 5 : i32
      %mul3A_178 = arith.muli %mul3A_177, %scan3A_43 : i32
      %add3A_179 = arith.constant 2 : i32
      %add3A_180 = arith.addi %mul3A_178, %add3A_179 : i32
      %mul3A_181 = arith.constant 128 : i32
      %mul3A_182 = arith.muli %add3A_180, %mul3A_181 : i32
      %dma_wait3A_183 = tpu.memref_slice %arg5[%mul3A_182] : memref<12800xi32, #tpu.memory_space<vmem>> -> memref<128xi32, #tpu.memory_space<vmem>>
      %dma_wait3A_184 = arith.constant 0 : i32
      %dma_wait3A_185 = arith.constant 0 : i32
      %dma_wait3A_186 = tpu.memref_slice %arg3[%dma_wait3A_184, %dma_wait3A_185] : memref<100352x64xf32, #tpu.memory_space<hbm>> -> memref<100352x64xf32, #tpu.memory_space<hbm>>
      tpu.wait_indirect_dma semaphore(%arg13 : memref<!tpu.dma_semaphore, #tpu.memory_space<semaphore_mem>>) src(%dma_wait3A_186 : memref<100352x64xf32, #tpu.memory_space<hbm>>) dst(%arg8 : memref<128x64xf32, #tpu.memory_space<vmem>>)
      %ge3A_187 = arith.constant 2 : i32
      %ge3A_188 = arith.cmpi sge, %add3A_180, %ge3A_187 : i32
      %convert_element_type3A_189 = arith.extui %ge3A_188 : i1 to i32
      %cond3A_190 = arith.constant 0 : i32
      %cond3A_191 = arith.cmpi ne, %convert_element_type3A_189, %cond3A_190 : i32
      scf.if %cond3A_191 {
        %sub3A_396 = arith.constant 2 : i32
        %sub3A_397 = arith.subi %add3A_180, %sub3A_396 : i32
        %mul3A_398 = arith.constant 50 : i32
        %mul3A_399 = arith.muli %mul3A_398, %add3A : i32
        %mul3A_400 = arith.constant 128 : i32
        %mul3A_401 = arith.muli %mul3A_400, %mul3A_399 : i32
        %jit3A_402 = arith.constant 2 : i32
        %div3A_403 = arith.divsi %sub3A_397, %jit3A_402 : i32
        %sign3A_404 = arith.constant 0 : i32
        %sign3A_405 = arith.cmpi sgt, %sub3A_397, %sign3A_404 : i32
        %sign3A_406 = arith.extui %sign3A_405 : i1 to i32
        %sign3A_407 = arith.constant 0 : i32
        %sign3A_408 = arith.cmpi slt, %sub3A_397, %sign3A_407 : i32
        %sign3A_409 = arith.extui %sign3A_408 : i1 to i32
        %sign3A_410 = arith.subi %sign3A_406, %sign3A_409 : i32
        %sign3A_411 = arith.constant 0 : i32
        %sign3A_412 = arith.cmpi sgt, %jit3A_402, %sign3A_411 : i32
        %sign3A_413 = arith.extui %sign3A_412 : i1 to i32
        %sign3A_414 = arith.constant 0 : i32
        %sign3A_415 = arith.cmpi slt, %jit3A_402, %sign3A_414 : i32
        %sign3A_416 = arith.extui %sign3A_415 : i1 to i32
        %sign3A_417 = arith.subi %sign3A_413, %sign3A_416 : i32
        %ne3A_418 = arith.cmpi ne, %sign3A_410, %sign3A_417 : i32
        %rem3A_419 = arith.remsi %sub3A_397, %jit3A_402 : i32
        %ne3A_420 = arith.constant 0 : i32
        %ne3A_421 = arith.cmpi ne, %rem3A_419, %ne3A_420 : i32
        %and3A_422 = arith.andi %ne3A_418, %ne3A_421 : i1
        %sub3A_423 = arith.constant 1 : i32
        %sub3A_424 = arith.subi %div3A_403, %sub3A_423 : i32
        %select_n3A_425 = arith.select %and3A_422, %sub3A_424, %div3A_403 : i32
        %mul3A_426 = arith.constant 128 : i32
        %mul3A_427 = arith.muli %mul3A_426, %select_n3A_425 : i32
        %add3A_428 = arith.addi %mul3A_401, %mul3A_427 : i32
        %jit3A_429 = arith.constant 2 : i32
        %eq3A_430 = arith.constant 0 : i32
        %eq3A_431 = arith.cmpi eq, %jit3A_429, %eq3A_430 : i32
        %jit3A_432 = arith.constant 1 : i32
        %select_n3A_433 = arith.select %eq3A_431, %jit3A_432, %jit3A_429 : i32
        %rem3A_434 = arith.remsi %sub3A_397, %select_n3A_433 : i32
        %ne3A_435 = arith.constant 0 : i32
        %ne3A_436 = arith.cmpi ne, %rem3A_434, %ne3A_435 : i32
        %lt3A_437 = arith.constant 0 : i32
        %lt3A_438 = arith.cmpi slt, %rem3A_434, %lt3A_437 : i32
        %lt3A_439 = arith.constant 0 : i32
        %lt3A_440 = arith.cmpi slt, %select_n3A_433, %lt3A_439 : i32
        %ne3A_441 = arith.xori %lt3A_438, %lt3A_440 : i1
        %and3A_442 = arith.andi %ne3A_441, %ne3A_436 : i1
        %add3A_443 = arith.addi %rem3A_434, %select_n3A_433 : i32
        %select_n3A_444 = arith.select %and3A_442, %add3A_443, %rem3A_434 : i32
        %mul3A_445 = arith.constant 64 : i32
        %mul3A_446 = arith.muli %mul3A_445, %select_n3A_444 : i32
        %dma_wait3A_447 = tpu.memref_slice %arg4[%add3A_428, %mul3A_446] : memref<204800x128xf32, #tpu.memory_space<hbm>> -> memref<128x64xf32, #tpu.memory_space<hbm>>
        %dma_wait3A_448 = tpu.memref_slice %arg4[%add3A_428, %mul3A_446] : memref<204800x128xf32, #tpu.memory_space<hbm>> -> memref<128x64xf32, #tpu.memory_space<hbm>>
        tpu.wait_dma2 semaphore(%arg16 : memref<!tpu.dma_semaphore, #tpu.memory_space<semaphore_mem>>) src(%arg6 : memref<128x64xf32, #tpu.memory_space<vmem>>) dst(%dma_wait3A_448 : memref<128x64xf32, #tpu.memory_space<hbm>>)
      } else {
      }
      %add3A_192 = arith.constant 3 : i32
      %add3A_193 = arith.addi %add3A_180, %add3A_192 : i32
      %lt3A_194 = arith.constant 100 : i32
      %lt3A_195 = arith.cmpi slt, %add3A_193, %lt3A_194 : i32
      %convert_element_type3A_196 = arith.extui %lt3A_195 : i1 to i32
      %cond3A_197 = arith.constant 0 : i32
      %cond3A_198 = arith.cmpi ne, %convert_element_type3A_196, %cond3A_197 : i32
      scf.if %cond3A_198 {
        %add3A_396 = arith.constant 3 : i32
        %add3A_397 = arith.addi %add3A_180, %add3A_396 : i32
        %mul3A_398 = arith.constant 128 : i32
        %mul3A_399 = arith.muli %add3A_397, %mul3A_398 : i32
        %dma_start3A_400 = tpu.memref_slice %arg5[%mul3A_399] : memref<12800xi32, #tpu.memory_space<vmem>> -> memref<128xi32, #tpu.memory_space<vmem>>
        %dma_start3A_401 = arith.constant 0 : i32
        %dma_start3A_402 = arith.constant 0 : i32
        %dma_start3A_403 = tpu.memref_slice %arg3[%dma_start3A_401, %dma_start3A_402] : memref<100352x64xf32, #tpu.memory_space<hbm>> -> memref<100352x64xf32, #tpu.memory_space<hbm>>
        tpu.enqueue_indirect_dma source(%dma_start3A_403 : memref<100352x64xf32, #tpu.memory_space<hbm>>) target(%arg6 : memref<128x64xf32, #tpu.memory_space<vmem>>) offsets(%dma_start3A_400 : memref<128xi32, #tpu.memory_space<vmem>>) semaphore(%arg11 : memref<!tpu.dma_semaphore, #tpu.memory_space<semaphore_mem>>)
      } else {
      }
      %mul3A_199 = arith.constant 50 : i32
      %mul3A_200 = arith.muli %mul3A_199, %add3A : i32
      %mul3A_201 = arith.constant 128 : i32
      %mul3A_202 = arith.muli %mul3A_201, %mul3A_200 : i32
      %jit3A_203 = arith.constant 2 : i32
      %div3A_204 = arith.divsi %add3A_180, %jit3A_203 : i32
      %sign3A_205 = arith.constant 0 : i32
      %sign3A_206 = arith.cmpi sgt, %add3A_180, %sign3A_205 : i32
      %sign3A_207 = arith.extui %sign3A_206 : i1 to i32
      %sign3A_208 = arith.constant 0 : i32
      %sign3A_209 = arith.cmpi slt, %add3A_180, %sign3A_208 : i32
      %sign3A_210 = arith.extui %sign3A_209 : i1 to i32
      %sign3A_211 = arith.subi %sign3A_207, %sign3A_210 : i32
      %sign3A_212 = arith.constant 0 : i32
      %sign3A_213 = arith.cmpi sgt, %jit3A_203, %sign3A_212 : i32
      %sign3A_214 = arith.extui %sign3A_213 : i1 to i32
      %sign3A_215 = arith.constant 0 : i32
      %sign3A_216 = arith.cmpi slt, %jit3A_203, %sign3A_215 : i32
      %sign3A_217 = arith.extui %sign3A_216 : i1 to i32
      %sign3A_218 = arith.subi %sign3A_214, %sign3A_217 : i32
      %ne3A_219 = arith.cmpi ne, %sign3A_211, %sign3A_218 : i32
      %rem3A_220 = arith.remsi %add3A_180, %jit3A_203 : i32
      %ne3A_221 = arith.constant 0 : i32
      %ne3A_222 = arith.cmpi ne, %rem3A_220, %ne3A_221 : i32
      %and3A_223 = arith.andi %ne3A_219, %ne3A_222 : i1
      %sub3A_224 = arith.constant 1 : i32
      %sub3A_225 = arith.subi %div3A_204, %sub3A_224 : i32
      %select_n3A_226 = arith.select %and3A_223, %sub3A_225, %div3A_204 : i32
      %mul3A_227 = arith.constant 128 : i32
      %mul3A_228 = arith.muli %mul3A_227, %select_n3A_226 : i32
      %add3A_229 = arith.addi %mul3A_202, %mul3A_228 : i32
      %jit3A_230 = arith.constant 2 : i32
      %eq3A_231 = arith.constant 0 : i32
      %eq3A_232 = arith.cmpi eq, %jit3A_230, %eq3A_231 : i32
      %jit3A_233 = arith.constant 1 : i32
      %select_n3A_234 = arith.select %eq3A_232, %jit3A_233, %jit3A_230 : i32
      %rem3A_235 = arith.remsi %add3A_180, %select_n3A_234 : i32
      %ne3A_236 = arith.constant 0 : i32
      %ne3A_237 = arith.cmpi ne, %rem3A_235, %ne3A_236 : i32
      %lt3A_238 = arith.constant 0 : i32
      %lt3A_239 = arith.cmpi slt, %rem3A_235, %lt3A_238 : i32
      %lt3A_240 = arith.constant 0 : i32
      %lt3A_241 = arith.cmpi slt, %select_n3A_234, %lt3A_240 : i32
      %ne3A_242 = arith.xori %lt3A_239, %lt3A_241 : i1
      %and3A_243 = arith.andi %ne3A_242, %ne3A_237 : i1
      %add3A_244 = arith.addi %rem3A_235, %select_n3A_234 : i32
      %select_n3A_245 = arith.select %and3A_243, %add3A_244, %rem3A_235 : i32
      %mul3A_246 = arith.constant 64 : i32
      %mul3A_247 = arith.muli %mul3A_246, %select_n3A_245 : i32
      %dma_start3A_248 = tpu.memref_slice %arg4[%add3A_229, %mul3A_247] : memref<204800x128xf32, #tpu.memory_space<hbm>> -> memref<128x64xf32, #tpu.memory_space<hbm>>
      %dma_start3A_249 = tpu.memref_slice %arg4[%add3A_229, %mul3A_247] : memref<204800x128xf32, #tpu.memory_space<hbm>> -> memref<128x64xf32, #tpu.memory_space<hbm>>
      tpu.enqueue_dma source(%arg8 : memref<128x64xf32, #tpu.memory_space<vmem>>) target(%dma_start3A_249 : memref<128x64xf32, #tpu.memory_space<hbm>>) target_semaphore(%arg18 : memref<!tpu.dma_semaphore, #tpu.memory_space<semaphore_mem>>)
      %mul3A_250 = arith.constant 5 : i32
      %mul3A_251 = arith.muli %mul3A_250, %scan3A_43 : i32
      %add3A_252 = arith.constant 3 : i32
      %add3A_253 = arith.addi %mul3A_251, %add3A_252 : i32
      %mul3A_254 = arith.constant 128 : i32
      %mul3A_255 = arith.muli %add3A_253, %mul3A_254 : i32
      %dma_wait3A_256 = tpu.memref_slice %arg5[%mul3A_255] : memref<12800xi32, #tpu.memory_space<vmem>> -> memref<128xi32, #tpu.memory_space<vmem>>
      %dma_wait3A_257 = arith.constant 0 : i32
      %dma_wait3A_258 = arith.constant 0 : i32
      %dma_wait3A_259 = tpu.memref_slice %arg3[%dma_wait3A_257, %dma_wait3A_258] : memref<100352x64xf32, #tpu.memory_space<hbm>> -> memref<100352x64xf32, #tpu.memory_space<hbm>>
      tpu.wait_indirect_dma semaphore(%arg14 : memref<!tpu.dma_semaphore, #tpu.memory_space<semaphore_mem>>) src(%dma_wait3A_259 : memref<100352x64xf32, #tpu.memory_space<hbm>>) dst(%arg9 : memref<128x64xf32, #tpu.memory_space<vmem>>)
      %ge3A_260 = arith.constant 2 : i32
      %ge3A_261 = arith.cmpi sge, %add3A_253, %ge3A_260 : i32
      %convert_element_type3A_262 = arith.extui %ge3A_261 : i1 to i32
      %cond3A_263 = arith.constant 0 : i32
      %cond3A_264 = arith.cmpi ne, %convert_element_type3A_262, %cond3A_263 : i32
      scf.if %cond3A_264 {
        %sub3A_396 = arith.constant 2 : i32
        %sub3A_397 = arith.subi %add3A_253, %sub3A_396 : i32
        %mul3A_398 = arith.constant 50 : i32
        %mul3A_399 = arith.muli %mul3A_398, %add3A : i32
        %mul3A_400 = arith.constant 128 : i32
        %mul3A_401 = arith.muli %mul3A_400, %mul3A_399 : i32
        %jit3A_402 = arith.constant 2 : i32
        %div3A_403 = arith.divsi %sub3A_397, %jit3A_402 : i32
        %sign3A_404 = arith.constant 0 : i32
        %sign3A_405 = arith.cmpi sgt, %sub3A_397, %sign3A_404 : i32
        %sign3A_406 = arith.extui %sign3A_405 : i1 to i32
        %sign3A_407 = arith.constant 0 : i32
        %sign3A_408 = arith.cmpi slt, %sub3A_397, %sign3A_407 : i32
        %sign3A_409 = arith.extui %sign3A_408 : i1 to i32
        %sign3A_410 = arith.subi %sign3A_406, %sign3A_409 : i32
        %sign3A_411 = arith.constant 0 : i32
        %sign3A_412 = arith.cmpi sgt, %jit3A_402, %sign3A_411 : i32
        %sign3A_413 = arith.extui %sign3A_412 : i1 to i32
        %sign3A_414 = arith.constant 0 : i32
        %sign3A_415 = arith.cmpi slt, %jit3A_402, %sign3A_414 : i32
        %sign3A_416 = arith.extui %sign3A_415 : i1 to i32
        %sign3A_417 = arith.subi %sign3A_413, %sign3A_416 : i32
        %ne3A_418 = arith.cmpi ne, %sign3A_410, %sign3A_417 : i32
        %rem3A_419 = arith.remsi %sub3A_397, %jit3A_402 : i32
        %ne3A_420 = arith.constant 0 : i32
        %ne3A_421 = arith.cmpi ne, %rem3A_419, %ne3A_420 : i32
        %and3A_422 = arith.andi %ne3A_418, %ne3A_421 : i1
        %sub3A_423 = arith.constant 1 : i32
        %sub3A_424 = arith.subi %div3A_403, %sub3A_423 : i32
        %select_n3A_425 = arith.select %and3A_422, %sub3A_424, %div3A_403 : i32
        %mul3A_426 = arith.constant 128 : i32
        %mul3A_427 = arith.muli %mul3A_426, %select_n3A_425 : i32
        %add3A_428 = arith.addi %mul3A_401, %mul3A_427 : i32
        %jit3A_429 = arith.constant 2 : i32
        %eq3A_430 = arith.constant 0 : i32
        %eq3A_431 = arith.cmpi eq, %jit3A_429, %eq3A_430 : i32
        %jit3A_432 = arith.constant 1 : i32
        %select_n3A_433 = arith.select %eq3A_431, %jit3A_432, %jit3A_429 : i32
        %rem3A_434 = arith.remsi %sub3A_397, %select_n3A_433 : i32
        %ne3A_435 = arith.constant 0 : i32
        %ne3A_436 = arith.cmpi ne, %rem3A_434, %ne3A_435 : i32
        %lt3A_437 = arith.constant 0 : i32
        %lt3A_438 = arith.cmpi slt, %rem3A_434, %lt3A_437 : i32
        %lt3A_439 = arith.constant 0 : i32
        %lt3A_440 = arith.cmpi slt, %select_n3A_433, %lt3A_439 : i32
        %ne3A_441 = arith.xori %lt3A_438, %lt3A_440 : i1
        %and3A_442 = arith.andi %ne3A_441, %ne3A_436 : i1
        %add3A_443 = arith.addi %rem3A_434, %select_n3A_433 : i32
        %select_n3A_444 = arith.select %and3A_442, %add3A_443, %rem3A_434 : i32
        %mul3A_445 = arith.constant 64 : i32
        %mul3A_446 = arith.muli %mul3A_445, %select_n3A_444 : i32
        %dma_wait3A_447 = tpu.memref_slice %arg4[%add3A_428, %mul3A_446] : memref<204800x128xf32, #tpu.memory_space<hbm>> -> memref<128x64xf32, #tpu.memory_space<hbm>>
        %dma_wait3A_448 = tpu.memref_slice %arg4[%add3A_428, %mul3A_446] : memref<204800x128xf32, #tpu.memory_space<hbm>> -> memref<128x64xf32, #tpu.memory_space<hbm>>
        tpu.wait_dma2 semaphore(%arg17 : memref<!tpu.dma_semaphore, #tpu.memory_space<semaphore_mem>>) src(%arg7 : memref<128x64xf32, #tpu.memory_space<vmem>>) dst(%dma_wait3A_448 : memref<128x64xf32, #tpu.memory_space<hbm>>)
      } else {
      }
      %add3A_265 = arith.constant 3 : i32
      %add3A_266 = arith.addi %add3A_253, %add3A_265 : i32
      %lt3A_267 = arith.constant 100 : i32
      %lt3A_268 = arith.cmpi slt, %add3A_266, %lt3A_267 : i32
      %convert_element_type3A_269 = arith.extui %lt3A_268 : i1 to i32
      %cond3A_270 = arith.constant 0 : i32
      %cond3A_271 = arith.cmpi ne, %convert_element_type3A_269, %cond3A_270 : i32
      scf.if %cond3A_271 {
        %add3A_396 = arith.constant 3 : i32
        %add3A_397 = arith.addi %add3A_253, %add3A_396 : i32
        %mul3A_398 = arith.constant 128 : i32
        %mul3A_399 = arith.muli %add3A_397, %mul3A_398 : i32
        %dma_start3A_400 = tpu.memref_slice %arg5[%mul3A_399] : memref<12800xi32, #tpu.memory_space<vmem>> -> memref<128xi32, #tpu.memory_space<vmem>>
        %dma_start3A_401 = arith.constant 0 : i32
        %dma_start3A_402 = arith.constant 0 : i32
        %dma_start3A_403 = tpu.memref_slice %arg3[%dma_start3A_401, %dma_start3A_402] : memref<100352x64xf32, #tpu.memory_space<hbm>> -> memref<100352x64xf32, #tpu.memory_space<hbm>>
        tpu.enqueue_indirect_dma source(%dma_start3A_403 : memref<100352x64xf32, #tpu.memory_space<hbm>>) target(%arg7 : memref<128x64xf32, #tpu.memory_space<vmem>>) offsets(%dma_start3A_400 : memref<128xi32, #tpu.memory_space<vmem>>) semaphore(%arg12 : memref<!tpu.dma_semaphore, #tpu.memory_space<semaphore_mem>>)
      } else {
      }
      %mul3A_272 = arith.constant 50 : i32
      %mul3A_273 = arith.muli %mul3A_272, %add3A : i32
      %mul3A_274 = arith.constant 128 : i32
      %mul3A_275 = arith.muli %mul3A_274, %mul3A_273 : i32
      %jit3A_276 = arith.constant 2 : i32
      %div3A_277 = arith.divsi %add3A_253, %jit3A_276 : i32
      %sign3A_278 = arith.constant 0 : i32
      %sign3A_279 = arith.cmpi sgt, %add3A_253, %sign3A_278 : i32
      %sign3A_280 = arith.extui %sign3A_279 : i1 to i32
      %sign3A_281 = arith.constant 0 : i32
      %sign3A_282 = arith.cmpi slt, %add3A_253, %sign3A_281 : i32
      %sign3A_283 = arith.extui %sign3A_282 : i1 to i32
      %sign3A_284 = arith.subi %sign3A_280, %sign3A_283 : i32
      %sign3A_285 = arith.constant 0 : i32
      %sign3A_286 = arith.cmpi sgt, %jit3A_276, %sign3A_285 : i32
      %sign3A_287 = arith.extui %sign3A_286 : i1 to i32
      %sign3A_288 = arith.constant 0 : i32
      %sign3A_289 = arith.cmpi slt, %jit3A_276, %sign3A_288 : i32
      %sign3A_290 = arith.extui %sign3A_289 : i1 to i32
      %sign3A_291 = arith.subi %sign3A_287, %sign3A_290 : i32
      %ne3A_292 = arith.cmpi ne, %sign3A_284, %sign3A_291 : i32
      %rem3A_293 = arith.remsi %add3A_253, %jit3A_276 : i32
      %ne3A_294 = arith.constant 0 : i32
      %ne3A_295 = arith.cmpi ne, %rem3A_293, %ne3A_294 : i32
      %and3A_296 = arith.andi %ne3A_292, %ne3A_295 : i1
      %sub3A_297 = arith.constant 1 : i32
      %sub3A_298 = arith.subi %div3A_277, %sub3A_297 : i32
      %select_n3A_299 = arith.select %and3A_296, %sub3A_298, %div3A_277 : i32
      %mul3A_300 = arith.constant 128 : i32
      %mul3A_301 = arith.muli %mul3A_300, %select_n3A_299 : i32
      %add3A_302 = arith.addi %mul3A_275, %mul3A_301 : i32
      %jit3A_303 = arith.constant 2 : i32
      %eq3A_304 = arith.constant 0 : i32
      %eq3A_305 = arith.cmpi eq, %jit3A_303, %eq3A_304 : i32
      %jit3A_306 = arith.constant 1 : i32
      %select_n3A_307 = arith.select %eq3A_305, %jit3A_306, %jit3A_303 : i32
      %rem3A_308 = arith.remsi %add3A_253, %select_n3A_307 : i32
      %ne3A_309 = arith.constant 0 : i32
      %ne3A_310 = arith.cmpi ne, %rem3A_308, %ne3A_309 : i32
      %lt3A_311 = arith.constant 0 : i32
      %lt3A_312 = arith.cmpi slt, %rem3A_308, %lt3A_311 : i32
      %lt3A_313 = arith.constant 0 : i32
      %lt3A_314 = arith.cmpi slt, %select_n3A_307, %lt3A_313 : i32
      %ne3A_315 = arith.xori %lt3A_312, %lt3A_314 : i1
      %and3A_316 = arith.andi %ne3A_315, %ne3A_310 : i1
      %add3A_317 = arith.addi %rem3A_308, %select_n3A_307 : i32
      %select_n3A_318 = arith.select %and3A_316, %add3A_317, %rem3A_308 : i32
      %mul3A_319 = arith.constant 64 : i32
      %mul3A_320 = arith.muli %mul3A_319, %select_n3A_318 : i32
      %dma_start3A_321 = tpu.memref_slice %arg4[%add3A_302, %mul3A_320] : memref<204800x128xf32, #tpu.memory_space<hbm>> -> memref<128x64xf32, #tpu.memory_space<hbm>>
      %dma_start3A_322 = tpu.memref_slice %arg4[%add3A_302, %mul3A_320] : memref<204800x128xf32, #tpu.memory_space<hbm>> -> memref<128x64xf32, #tpu.memory_space<hbm>>
      tpu.enqueue_dma source(%arg9 : memref<128x64xf32, #tpu.memory_space<vmem>>) target(%dma_start3A_322 : memref<128x64xf32, #tpu.memory_space<hbm>>) target_semaphore(%arg19 : memref<!tpu.dma_semaphore, #tpu.memory_space<semaphore_mem>>)
      %mul3A_323 = arith.constant 5 : i32
      %mul3A_324 = arith.muli %mul3A_323, %scan3A_43 : i32
      %add3A_325 = arith.constant 4 : i32
      %add3A_326 = arith.addi %mul3A_324, %add3A_325 : i32
      %mul3A_327 = arith.constant 128 : i32
      %mul3A_328 = arith.muli %add3A_326, %mul3A_327 : i32
      %dma_wait3A_329 = tpu.memref_slice %arg5[%mul3A_328] : memref<12800xi32, #tpu.memory_space<vmem>> -> memref<128xi32, #tpu.memory_space<vmem>>
      %dma_wait3A_330 = arith.constant 0 : i32
      %dma_wait3A_331 = arith.constant 0 : i32
      %dma_wait3A_332 = tpu.memref_slice %arg3[%dma_wait3A_330, %dma_wait3A_331] : memref<100352x64xf32, #tpu.memory_space<hbm>> -> memref<100352x64xf32, #tpu.memory_space<hbm>>
      tpu.wait_indirect_dma semaphore(%arg15 : memref<!tpu.dma_semaphore, #tpu.memory_space<semaphore_mem>>) src(%dma_wait3A_332 : memref<100352x64xf32, #tpu.memory_space<hbm>>) dst(%arg10 : memref<128x64xf32, #tpu.memory_space<vmem>>)
      %ge3A_333 = arith.constant 2 : i32
      %ge3A_334 = arith.cmpi sge, %add3A_326, %ge3A_333 : i32
      %convert_element_type3A_335 = arith.extui %ge3A_334 : i1 to i32
      %cond3A_336 = arith.constant 0 : i32
      %cond3A_337 = arith.cmpi ne, %convert_element_type3A_335, %cond3A_336 : i32
      scf.if %cond3A_337 {
        %sub3A_396 = arith.constant 2 : i32
        %sub3A_397 = arith.subi %add3A_326, %sub3A_396 : i32
        %mul3A_398 = arith.constant 50 : i32
        %mul3A_399 = arith.muli %mul3A_398, %add3A : i32
        %mul3A_400 = arith.constant 128 : i32
        %mul3A_401 = arith.muli %mul3A_400, %mul3A_399 : i32
        %jit3A_402 = arith.constant 2 : i32
        %div3A_403 = arith.divsi %sub3A_397, %jit3A_402 : i32
        %sign3A_404 = arith.constant 0 : i32
        %sign3A_405 = arith.cmpi sgt, %sub3A_397, %sign3A_404 : i32
        %sign3A_406 = arith.extui %sign3A_405 : i1 to i32
        %sign3A_407 = arith.constant 0 : i32
        %sign3A_408 = arith.cmpi slt, %sub3A_397, %sign3A_407 : i32
        %sign3A_409 = arith.extui %sign3A_408 : i1 to i32
        %sign3A_410 = arith.subi %sign3A_406, %sign3A_409 : i32
        %sign3A_411 = arith.constant 0 : i32
        %sign3A_412 = arith.cmpi sgt, %jit3A_402, %sign3A_411 : i32
        %sign3A_413 = arith.extui %sign3A_412 : i1 to i32
        %sign3A_414 = arith.constant 0 : i32
        %sign3A_415 = arith.cmpi slt, %jit3A_402, %sign3A_414 : i32
        %sign3A_416 = arith.extui %sign3A_415 : i1 to i32
        %sign3A_417 = arith.subi %sign3A_413, %sign3A_416 : i32
        %ne3A_418 = arith.cmpi ne, %sign3A_410, %sign3A_417 : i32
        %rem3A_419 = arith.remsi %sub3A_397, %jit3A_402 : i32
        %ne3A_420 = arith.constant 0 : i32
        %ne3A_421 = arith.cmpi ne, %rem3A_419, %ne3A_420 : i32
        %and3A_422 = arith.andi %ne3A_418, %ne3A_421 : i1
        %sub3A_423 = arith.constant 1 : i32
        %sub3A_424 = arith.subi %div3A_403, %sub3A_423 : i32
        %select_n3A_425 = arith.select %and3A_422, %sub3A_424, %div3A_403 : i32
        %mul3A_426 = arith.constant 128 : i32
        %mul3A_427 = arith.muli %mul3A_426, %select_n3A_425 : i32
        %add3A_428 = arith.addi %mul3A_401, %mul3A_427 : i32
        %jit3A_429 = arith.constant 2 : i32
        %eq3A_430 = arith.constant 0 : i32
        %eq3A_431 = arith.cmpi eq, %jit3A_429, %eq3A_430 : i32
        %jit3A_432 = arith.constant 1 : i32
        %select_n3A_433 = arith.select %eq3A_431, %jit3A_432, %jit3A_429 : i32
        %rem3A_434 = arith.remsi %sub3A_397, %select_n3A_433 : i32
        %ne3A_435 = arith.constant 0 : i32
        %ne3A_436 = arith.cmpi ne, %rem3A_434, %ne3A_435 : i32
        %lt3A_437 = arith.constant 0 : i32
        %lt3A_438 = arith.cmpi slt, %rem3A_434, %lt3A_437 : i32
        %lt3A_439 = arith.constant 0 : i32
        %lt3A_440 = arith.cmpi slt, %select_n3A_433, %lt3A_439 : i32
        %ne3A_441 = arith.xori %lt3A_438, %lt3A_440 : i1
        %and3A_442 = arith.andi %ne3A_441, %ne3A_436 : i1
        %add3A_443 = arith.addi %rem3A_434, %select_n3A_433 : i32
        %select_n3A_444 = arith.select %and3A_442, %add3A_443, %rem3A_434 : i32
        %mul3A_445 = arith.constant 64 : i32
        %mul3A_446 = arith.muli %mul3A_445, %select_n3A_444 : i32
        %dma_wait3A_447 = tpu.memref_slice %arg4[%add3A_428, %mul3A_446] : memref<204800x128xf32, #tpu.memory_space<hbm>> -> memref<128x64xf32, #tpu.memory_space<hbm>>
        %dma_wait3A_448 = tpu.memref_slice %arg4[%add3A_428, %mul3A_446] : memref<204800x128xf32, #tpu.memory_space<hbm>> -> memref<128x64xf32, #tpu.memory_space<hbm>>
        tpu.wait_dma2 semaphore(%arg18 : memref<!tpu.dma_semaphore, #tpu.memory_space<semaphore_mem>>) src(%arg8 : memref<128x64xf32, #tpu.memory_space<vmem>>) dst(%dma_wait3A_448 : memref<128x64xf32, #tpu.memory_space<hbm>>)
      } else {
      }
      %add3A_338 = arith.constant 3 : i32
      %add3A_339 = arith.addi %add3A_326, %add3A_338 : i32
      %lt3A_340 = arith.constant 100 : i32
      %lt3A_341 = arith.cmpi slt, %add3A_339, %lt3A_340 : i32
      %convert_element_type3A_342 = arith.extui %lt3A_341 : i1 to i32
      %cond3A_343 = arith.constant 0 : i32
      %cond3A_344 = arith.cmpi ne, %convert_element_type3A_342, %cond3A_343 : i32
      scf.if %cond3A_344 {
        %add3A_396 = arith.constant 3 : i32
        %add3A_397 = arith.addi %add3A_326, %add3A_396 : i32
        %mul3A_398 = arith.constant 128 : i32
        %mul3A_399 = arith.muli %add3A_397, %mul3A_398 : i32
        %dma_start3A_400 = tpu.memref_slice %arg5[%mul3A_399] : memref<12800xi32, #tpu.memory_space<vmem>> -> memref<128xi32, #tpu.memory_space<vmem>>
        %dma_start3A_401 = arith.constant 0 : i32
        %dma_start3A_402 = arith.constant 0 : i32
        %dma_start3A_403 = tpu.memref_slice %arg3[%dma_start3A_401, %dma_start3A_402] : memref<100352x64xf32, #tpu.memory_space<hbm>> -> memref<100352x64xf32, #tpu.memory_space<hbm>>
        tpu.enqueue_indirect_dma source(%dma_start3A_403 : memref<100352x64xf32, #tpu.memory_space<hbm>>) target(%arg8 : memref<128x64xf32, #tpu.memory_space<vmem>>) offsets(%dma_start3A_400 : memref<128xi32, #tpu.memory_space<vmem>>) semaphore(%arg13 : memref<!tpu.dma_semaphore, #tpu.memory_space<semaphore_mem>>)
      } else {
      }
      %mul3A_345 = arith.constant 50 : i32
      %mul3A_346 = arith.muli %mul3A_345, %add3A : i32
      %mul3A_347 = arith.constant 128 : i32
      %mul3A_348 = arith.muli %mul3A_347, %mul3A_346 : i32
      %jit3A_349 = arith.constant 2 : i32
      %div3A_350 = arith.divsi %add3A_326, %jit3A_349 : i32
      %sign3A_351 = arith.constant 0 : i32
      %sign3A_352 = arith.cmpi sgt, %add3A_326, %sign3A_351 : i32
      %sign3A_353 = arith.extui %sign3A_352 : i1 to i32
      %sign3A_354 = arith.constant 0 : i32
      %sign3A_355 = arith.cmpi slt, %add3A_326, %sign3A_354 : i32
      %sign3A_356 = arith.extui %sign3A_355 : i1 to i32
      %sign3A_357 = arith.subi %sign3A_353, %sign3A_356 : i32
      %sign3A_358 = arith.constant 0 : i32
      %sign3A_359 = arith.cmpi sgt, %jit3A_349, %sign3A_358 : i32
      %sign3A_360 = arith.extui %sign3A_359 : i1 to i32
      %sign3A_361 = arith.constant 0 : i32
      %sign3A_362 = arith.cmpi slt, %jit3A_349, %sign3A_361 : i32
      %sign3A_363 = arith.extui %sign3A_362 : i1 to i32
      %sign3A_364 = arith.subi %sign3A_360, %sign3A_363 : i32
      %ne3A_365 = arith.cmpi ne, %sign3A_357, %sign3A_364 : i32
      %rem3A_366 = arith.remsi %add3A_326, %jit3A_349 : i32
      %ne3A_367 = arith.constant 0 : i32
      %ne3A_368 = arith.cmpi ne, %rem3A_366, %ne3A_367 : i32
      %and3A_369 = arith.andi %ne3A_365, %ne3A_368 : i1
      %sub3A_370 = arith.constant 1 : i32
      %sub3A_371 = arith.subi %div3A_350, %sub3A_370 : i32
      %select_n3A_372 = arith.select %and3A_369, %sub3A_371, %div3A_350 : i32
      %mul3A_373 = arith.constant 128 : i32
      %mul3A_374 = arith.muli %mul3A_373, %select_n3A_372 : i32
      %add3A_375 = arith.addi %mul3A_348, %mul3A_374 : i32
      %jit3A_376 = arith.constant 2 : i32
      %eq3A_377 = arith.constant 0 : i32
      %eq3A_378 = arith.cmpi eq, %jit3A_376, %eq3A_377 : i32
      %jit3A_379 = arith.constant 1 : i32
      %select_n3A_380 = arith.select %eq3A_378, %jit3A_379, %jit3A_376 : i32
      %rem3A_381 = arith.remsi %add3A_326, %select_n3A_380 : i32
      %ne3A_382 = arith.constant 0 : i32
      %ne3A_383 = arith.cmpi ne, %rem3A_381, %ne3A_382 : i32
      %lt3A_384 = arith.constant 0 : i32
      %lt3A_385 = arith.cmpi slt, %rem3A_381, %lt3A_384 : i32
      %lt3A_386 = arith.constant 0 : i32
      %lt3A_387 = arith.cmpi slt, %select_n3A_380, %lt3A_386 : i32
      %ne3A_388 = arith.xori %lt3A_385, %lt3A_387 : i1
      %and3A_389 = arith.andi %ne3A_388, %ne3A_383 : i1
      %add3A_390 = arith.addi %rem3A_381, %select_n3A_380 : i32
      %select_n3A_391 = arith.select %and3A_389, %add3A_390, %rem3A_381 : i32
      %mul3A_392 = arith.constant 64 : i32
      %mul3A_393 = arith.muli %mul3A_392, %select_n3A_391 : i32
      %dma_start3A_394 = tpu.memref_slice %arg4[%add3A_375, %mul3A_393] : memref<204800x128xf32, #tpu.memory_space<hbm>> -> memref<128x64xf32, #tpu.memory_space<hbm>>
      %dma_start3A_395 = tpu.memref_slice %arg4[%add3A_375, %mul3A_393] : memref<204800x128xf32, #tpu.memory_space<hbm>> -> memref<128x64xf32, #tpu.memory_space<hbm>>
      tpu.enqueue_dma source(%arg10 : memref<128x64xf32, #tpu.memory_space<vmem>>) target(%dma_start3A_395 : memref<128x64xf32, #tpu.memory_space<hbm>>) target_semaphore(%arg20 : memref<!tpu.dma_semaphore, #tpu.memory_space<semaphore_mem>>)
    }
    %scan3A_23 = arith.constant 20 : i32
    %mul3A_24 = arith.constant 50 : i32
    %mul3A_25 = arith.muli %mul3A_24, %add3A : i32
    %mul3A_26 = arith.constant 128 : i32
    %mul3A_27 = arith.muli %mul3A_26, %mul3A_25 : i32
    %add3A_28 = arith.constant 6272 : i32
    %add3A_29 = arith.addi %mul3A_27, %add3A_28 : i32
    %dma_wait3A = arith.constant 0 : i32
    %dma_wait3A_30 = tpu.memref_slice %arg4[%add3A_29, %dma_wait3A] : memref<204800x128xf32, #tpu.memory_space<hbm>> -> memref<128x64xf32, #tpu.memory_space<hbm>>
    %dma_wait3A_31 = arith.constant 0 : i32
    %dma_wait3A_32 = tpu.memref_slice %arg4[%add3A_29, %dma_wait3A_31] : memref<204800x128xf32, #tpu.memory_space<hbm>> -> memref<128x64xf32, #tpu.memory_space<hbm>>
    tpu.wait_dma2 semaphore(%arg19 : memref<!tpu.dma_semaphore, #tpu.memory_space<semaphore_mem>>) src(%arg9 : memref<128x64xf32, #tpu.memory_space<vmem>>) dst(%dma_wait3A_32 : memref<128x64xf32, #tpu.memory_space<hbm>>)
    %mul3A_33 = arith.constant 50 : i32
    %mul3A_34 = arith.muli %mul3A_33, %add3A : i32
    %mul3A_35 = arith.constant 128 : i32
    %mul3A_36 = arith.muli %mul3A_35, %mul3A_34 : i32
    %add3A_37 = arith.constant 6272 : i32
    %add3A_38 = arith.addi %mul3A_36, %add3A_37 : i32
    %dma_wait3A_39 = arith.constant 64 : i32
    %dma_wait3A_40 = tpu.memref_slice %arg4[%add3A_38, %dma_wait3A_39] : memref<204800x128xf32, #tpu.memory_space<hbm>> -> memref<128x64xf32, #tpu.memory_space<hbm>>
    %dma_wait3A_41 = arith.constant 64 : i32
    %dma_wait3A_42 = tpu.memref_slice %arg4[%add3A_38, %dma_wait3A_41] : memref<204800x128xf32, #tpu.memory_space<hbm>> -> memref<128x64xf32, #tpu.memory_space<hbm>>
    tpu.wait_dma2 semaphore(%arg20 : memref<!tpu.dma_semaphore, #tpu.memory_space<semaphore_mem>>) src(%arg10 : memref<128x64xf32, #tpu.memory_space<vmem>>) dst(%dma_wait3A_42 : memref<128x64xf32, #tpu.memory_space<hbm>>)
    return
  }
}

#map = affine_map<(d0, d1) -> (0)>
#map1 = affine_map<(d0, d1) -> (0, 0)>
module attributes {stable_mosaic.version = 14 : i64} {
  func.func @k(%arg0: i32, %arg1: i32, %arg2: memref<819200xi32, #tpu.memory_space<hbm>>, %arg3: memref<100352x64xf32, #tpu.memory_space<hbm>>, %arg4: memref<81920x128xf32, #tpu.memory_space<hbm>>, %arg5: memref<5120xi32, #tpu.memory_space<vmem>>, %arg6: memref<128x64xf32, #tpu.memory_space<vmem>>, %arg7: memref<128x64xf32, #tpu.memory_space<vmem>>, %arg8: memref<128x64xf32, #tpu.memory_space<vmem>>, %arg9: memref<128x64xf32, #tpu.memory_space<vmem>>, %arg10: memref<128x64xf32, #tpu.memory_space<vmem>>, %arg11: memref<!tpu.dma_semaphore, #tpu.memory_space<semaphore_mem>>, %arg12: memref<!tpu.dma_semaphore, #tpu.memory_space<semaphore_mem>>, %arg13: memref<!tpu.dma_semaphore, #tpu.memory_space<semaphore_mem>>, %arg14: memref<!tpu.dma_semaphore, #tpu.memory_space<semaphore_mem>>, %arg15: memref<!tpu.dma_semaphore, #tpu.memory_space<semaphore_mem>>, %arg16: memref<!tpu.dma_semaphore, #tpu.memory_space<semaphore_mem>>, %arg17: memref<!tpu.dma_semaphore, #tpu.memory_space<semaphore_mem>>, %arg18: memref<!tpu.dma_semaphore, #tpu.memory_space<semaphore_mem>>, %arg19: memref<!tpu.dma_semaphore, #tpu.memory_space<semaphore_mem>>, %arg20: memref<!tpu.dma_semaphore, #tpu.memory_space<semaphore_mem>>) attributes {dimension_semantics = [#tpu.dimension_semantics<core_parallel>, #tpu.dimension_semantics<subcore_parallel>], iteration_bounds = array<i64: 2, 16>, scalar_prefetch = 0 : i64, scratch_operands = 16 : i64, tpu.core_type = #tpu.core_type<sc_vector_subcore>, window_params = [{transform_indices = #map}, {transform_indices = #map1}, {transform_indices = #map1}]} {
    %mul3A = arith.constant 2 : i32
    %mul3A_0 = arith.muli %arg1, %mul3A : i32
    %add3A = arith.addi %mul3A_0, %arg0 : i32
    %mul3A_1 = arith.constant 5120 : i32
    %mul3A_2 = arith.muli %add3A, %mul3A_1 : i32
    %add3A_3 = arith.constant 0 : i32
    %add3A_4 = arith.addi %add3A_3, %mul3A_2 : i32
    "tpu.region"() ({
      %run_scoped3A = tpu.sem_alloc : memref<!tpu.dma_semaphore, #tpu.memory_space<semaphore_mem>>
      %dma_start3A_43 = tpu.memref_slice %arg2[%add3A_4] : memref<819200xi32, #tpu.memory_space<hbm>> -> memref<5120xi32, #tpu.memory_space<hbm>>
      %dma_start3A_44 = tpu.memref_slice %arg2[%add3A_4] : memref<819200xi32, #tpu.memory_space<hbm>> -> memref<5120xi32, #tpu.memory_space<hbm>>
      tpu.enqueue_dma source(%dma_start3A_44 : memref<5120xi32, #tpu.memory_space<hbm>>) target(%arg5 : memref<5120xi32, #tpu.memory_space<vmem>>) target_semaphore(%run_scoped3A : memref<!tpu.dma_semaphore, #tpu.memory_space<semaphore_mem>>)
      %dma_wait3A_45 = tpu.memref_slice %arg2[%add3A_4] : memref<819200xi32, #tpu.memory_space<hbm>> -> memref<5120xi32, #tpu.memory_space<hbm>>
      %dma_wait3A_46 = tpu.memref_slice %arg2[%add3A_4] : memref<819200xi32, #tpu.memory_space<hbm>> -> memref<5120xi32, #tpu.memory_space<hbm>>
      tpu.wait_dma2 semaphore(%run_scoped3A : memref<!tpu.dma_semaphore, #tpu.memory_space<semaphore_mem>>) src(%dma_wait3A_46 : memref<5120xi32, #tpu.memory_space<hbm>>) dst(%arg5 : memref<5120xi32, #tpu.memory_space<vmem>>)
      tpu.yield
    }) : () -> ()
    %dma_start3A = arith.constant 0 : i32
    %dma_start3A_5 = tpu.memref_slice %arg5[%dma_start3A] : memref<5120xi32, #tpu.memory_space<vmem>> -> memref<128xi32, #tpu.memory_space<vmem>>
    %dma_start3A_6 = arith.constant 0 : i32
    %dma_start3A_7 = arith.constant 0 : i32
    %dma_start3A_8 = tpu.memref_slice %arg3[%dma_start3A_6, %dma_start3A_7] : memref<100352x64xf32, #tpu.memory_space<hbm>> -> memref<100352x64xf32, #tpu.memory_space<hbm>>
    tpu.enqueue_indirect_dma source(%dma_start3A_8 : memref<100352x64xf32, #tpu.memory_space<hbm>>) target(%arg6 : memref<128x64xf32, #tpu.memory_space<vmem>>) offsets(%dma_start3A_5 : memref<128xi32, #tpu.memory_space<vmem>>) semaphore(%arg11 : memref<!tpu.dma_semaphore, #tpu.memory_space<semaphore_mem>>)
    %dma_start3A_9 = arith.constant 128 : i32
    %dma_start3A_10 = tpu.memref_slice %arg5[%dma_start3A_9] : memref<5120xi32, #tpu.memory_space<vmem>> -> memref<128xi32, #tpu.memory_space<vmem>>
    %dma_start3A_11 = arith.constant 0 : i32
    %dma_start3A_12 = arith.constant 0 : i32
    %dma_start3A_13 = tpu.memref_slice %arg3[%dma_start3A_11, %dma_start3A_12] : memref<100352x64xf32, #tpu.memory_space<hbm>> -> memref<100352x64xf32, #tpu.memory_space<hbm>>
    tpu.enqueue_indirect_dma source(%dma_start3A_13 : memref<100352x64xf32, #tpu.memory_space<hbm>>) target(%arg7 : memref<128x64xf32, #tpu.memory_space<vmem>>) offsets(%dma_start3A_10 : memref<128xi32, #tpu.memory_space<vmem>>) semaphore(%arg12 : memref<!tpu.dma_semaphore, #tpu.memory_space<semaphore_mem>>)
    %dma_start3A_14 = arith.constant 256 : i32
    %dma_start3A_15 = tpu.memref_slice %arg5[%dma_start3A_14] : memref<5120xi32, #tpu.memory_space<vmem>> -> memref<128xi32, #tpu.memory_space<vmem>>
    %dma_start3A_16 = arith.constant 0 : i32
    %dma_start3A_17 = arith.constant 0 : i32
    %dma_start3A_18 = tpu.memref_slice %arg3[%dma_start3A_16, %dma_start3A_17] : memref<100352x64xf32, #tpu.memory_space<hbm>> -> memref<100352x64xf32, #tpu.memory_space<hbm>>
    tpu.enqueue_indirect_dma source(%dma_start3A_18 : memref<100352x64xf32, #tpu.memory_space<hbm>>) target(%arg8 : memref<128x64xf32, #tpu.memory_space<vmem>>) offsets(%dma_start3A_15 : memref<128xi32, #tpu.memory_space<vmem>>) semaphore(%arg13 : memref<!tpu.dma_semaphore, #tpu.memory_space<semaphore_mem>>)
    %scan3A = arith.constant 0 : i32
    %scan3A_19 = arith.constant 0 : i32
    %scan3A_20 = arith.constant 8 : i32
    %scan3A_21 = arith.addi %scan3A_19, %scan3A_20 : i32
    %scan3A_22 = arith.constant 1 : i32
    scf.for %scan3A_43 = %scan3A_19 to %scan3A_21 step %scan3A_22  : i32 {
      %mul3A_44 = arith.constant 5 : i32
      %mul3A_45 = arith.muli %mul3A_44, %scan3A_43 : i32
      %add3A_46 = arith.constant 0 : i32
      %add3A_47 = arith.addi %mul3A_45, %add3A_46 : i32
      %mul3A_48 = arith.constant 128 : i32
      %mul3A_49 = arith.muli %add3A_47, %mul3A_48 : i32
      %dma_wait3A_50 = tpu.memref_slice %arg5[%mul3A_49] : memref<5120xi32, #tpu.memory_space<vmem>> -> memref<128xi32, #tpu.memory_space<vmem>>
      %dma_wait3A_51 = arith.constant 0 : i32
      %dma_wait3A_52 = arith.constant 0 : i32
      %dma_wait3A_53 = tpu.memref_slice %arg3[%dma_wait3A_51, %dma_wait3A_52] : memref<100352x64xf32, #tpu.memory_space<hbm>> -> memref<100352x64xf32, #tpu.memory_space<hbm>>
      tpu.wait_indirect_dma semaphore(%arg11 : memref<!tpu.dma_semaphore, #tpu.memory_space<semaphore_mem>>) src(%dma_wait3A_53 : memref<100352x64xf32, #tpu.memory_space<hbm>>) dst(%arg6 : memref<128x64xf32, #tpu.memory_space<vmem>>)
      %ge3A = arith.constant 2 : i32
      %ge3A_54 = arith.cmpi sge, %add3A_47, %ge3A : i32
      %convert_element_type3A = arith.extui %ge3A_54 : i1 to i32
      %cond3A = arith.constant 0 : i32
      %cond3A_55 = arith.cmpi ne, %convert_element_type3A, %cond3A : i32
      scf.if %cond3A_55 {
        %sub3A_396 = arith.constant 2 : i32
        %sub3A_397 = arith.subi %add3A_47, %sub3A_396 : i32
        %mul3A_398 = arith.constant 20 : i32
        %mul3A_399 = arith.muli %mul3A_398, %add3A : i32
        %mul3A_400 = arith.constant 128 : i32
        %mul3A_401 = arith.muli %mul3A_400, %mul3A_399 : i32
        %jit3A_402 = arith.constant 2 : i32
        %div3A_403 = arith.divsi %sub3A_397, %jit3A_402 : i32
        %sign3A_404 = arith.constant 0 : i32
        %sign3A_405 = arith.cmpi sgt, %sub3A_397, %sign3A_404 : i32
        %sign3A_406 = arith.extui %sign3A_405 : i1 to i32
        %sign3A_407 = arith.constant 0 : i32
        %sign3A_408 = arith.cmpi slt, %sub3A_397, %sign3A_407 : i32
        %sign3A_409 = arith.extui %sign3A_408 : i1 to i32
        %sign3A_410 = arith.subi %sign3A_406, %sign3A_409 : i32
        %sign3A_411 = arith.constant 0 : i32
        %sign3A_412 = arith.cmpi sgt, %jit3A_402, %sign3A_411 : i32
        %sign3A_413 = arith.extui %sign3A_412 : i1 to i32
        %sign3A_414 = arith.constant 0 : i32
        %sign3A_415 = arith.cmpi slt, %jit3A_402, %sign3A_414 : i32
        %sign3A_416 = arith.extui %sign3A_415 : i1 to i32
        %sign3A_417 = arith.subi %sign3A_413, %sign3A_416 : i32
        %ne3A_418 = arith.cmpi ne, %sign3A_410, %sign3A_417 : i32
        %rem3A_419 = arith.remsi %sub3A_397, %jit3A_402 : i32
        %ne3A_420 = arith.constant 0 : i32
        %ne3A_421 = arith.cmpi ne, %rem3A_419, %ne3A_420 : i32
        %and3A_422 = arith.andi %ne3A_418, %ne3A_421 : i1
        %sub3A_423 = arith.constant 1 : i32
        %sub3A_424 = arith.subi %div3A_403, %sub3A_423 : i32
        %select_n3A_425 = arith.select %and3A_422, %sub3A_424, %div3A_403 : i32
        %mul3A_426 = arith.constant 128 : i32
        %mul3A_427 = arith.muli %mul3A_426, %select_n3A_425 : i32
        %add3A_428 = arith.addi %mul3A_401, %mul3A_427 : i32
        %jit3A_429 = arith.constant 2 : i32
        %eq3A_430 = arith.constant 0 : i32
        %eq3A_431 = arith.cmpi eq, %jit3A_429, %eq3A_430 : i32
        %jit3A_432 = arith.constant 1 : i32
        %select_n3A_433 = arith.select %eq3A_431, %jit3A_432, %jit3A_429 : i32
        %rem3A_434 = arith.remsi %sub3A_397, %select_n3A_433 : i32
        %ne3A_435 = arith.constant 0 : i32
        %ne3A_436 = arith.cmpi ne, %rem3A_434, %ne3A_435 : i32
        %lt3A_437 = arith.constant 0 : i32
        %lt3A_438 = arith.cmpi slt, %rem3A_434, %lt3A_437 : i32
        %lt3A_439 = arith.constant 0 : i32
        %lt3A_440 = arith.cmpi slt, %select_n3A_433, %lt3A_439 : i32
        %ne3A_441 = arith.xori %lt3A_438, %lt3A_440 : i1
        %and3A_442 = arith.andi %ne3A_441, %ne3A_436 : i1
        %add3A_443 = arith.addi %rem3A_434, %select_n3A_433 : i32
        %select_n3A_444 = arith.select %and3A_442, %add3A_443, %rem3A_434 : i32
        %mul3A_445 = arith.constant 64 : i32
        %mul3A_446 = arith.muli %mul3A_445, %select_n3A_444 : i32
        %dma_wait3A_447 = tpu.memref_slice %arg4[%add3A_428, %mul3A_446] : memref<81920x128xf32, #tpu.memory_space<hbm>> -> memref<128x64xf32, #tpu.memory_space<hbm>>
        %dma_wait3A_448 = tpu.memref_slice %arg4[%add3A_428, %mul3A_446] : memref<81920x128xf32, #tpu.memory_space<hbm>> -> memref<128x64xf32, #tpu.memory_space<hbm>>
        tpu.wait_dma2 semaphore(%arg19 : memref<!tpu.dma_semaphore, #tpu.memory_space<semaphore_mem>>) src(%arg9 : memref<128x64xf32, #tpu.memory_space<vmem>>) dst(%dma_wait3A_448 : memref<128x64xf32, #tpu.memory_space<hbm>>)
      } else {
      }
      %add3A_56 = arith.constant 3 : i32
      %add3A_57 = arith.addi %add3A_47, %add3A_56 : i32
      %lt3A = arith.constant 40 : i32
      %lt3A_58 = arith.cmpi slt, %add3A_57, %lt3A : i32
      %convert_element_type3A_59 = arith.extui %lt3A_58 : i1 to i32
      %cond3A_60 = arith.constant 0 : i32
      %cond3A_61 = arith.cmpi ne, %convert_element_type3A_59, %cond3A_60 : i32
      scf.if %cond3A_61 {
        %add3A_396 = arith.constant 3 : i32
        %add3A_397 = arith.addi %add3A_47, %add3A_396 : i32
        %mul3A_398 = arith.constant 128 : i32
        %mul3A_399 = arith.muli %add3A_397, %mul3A_398 : i32
        %dma_start3A_400 = tpu.memref_slice %arg5[%mul3A_399] : memref<5120xi32, #tpu.memory_space<vmem>> -> memref<128xi32, #tpu.memory_space<vmem>>
        %dma_start3A_401 = arith.constant 0 : i32
        %dma_start3A_402 = arith.constant 0 : i32
        %dma_start3A_403 = tpu.memref_slice %arg3[%dma_start3A_401, %dma_start3A_402] : memref<100352x64xf32, #tpu.memory_space<hbm>> -> memref<100352x64xf32, #tpu.memory_space<hbm>>
        tpu.enqueue_indirect_dma source(%dma_start3A_403 : memref<100352x64xf32, #tpu.memory_space<hbm>>) target(%arg9 : memref<128x64xf32, #tpu.memory_space<vmem>>) offsets(%dma_start3A_400 : memref<128xi32, #tpu.memory_space<vmem>>) semaphore(%arg14 : memref<!tpu.dma_semaphore, #tpu.memory_space<semaphore_mem>>)
      } else {
      }
      %mul3A_62 = arith.constant 20 : i32
      %mul3A_63 = arith.muli %mul3A_62, %add3A : i32
      %mul3A_64 = arith.constant 128 : i32
      %mul3A_65 = arith.muli %mul3A_64, %mul3A_63 : i32
      %jit3A = arith.constant 2 : i32
      %div3A = arith.divsi %add3A_47, %jit3A : i32
      %sign3A = arith.constant 0 : i32
      %sign3A_66 = arith.cmpi sgt, %add3A_47, %sign3A : i32
      %sign3A_67 = arith.extui %sign3A_66 : i1 to i32
      %sign3A_68 = arith.constant 0 : i32
      %sign3A_69 = arith.cmpi slt, %add3A_47, %sign3A_68 : i32
      %sign3A_70 = arith.extui %sign3A_69 : i1 to i32
      %sign3A_71 = arith.subi %sign3A_67, %sign3A_70 : i32
      %sign3A_72 = arith.constant 0 : i32
      %sign3A_73 = arith.cmpi sgt, %jit3A, %sign3A_72 : i32
      %sign3A_74 = arith.extui %sign3A_73 : i1 to i32
      %sign3A_75 = arith.constant 0 : i32
      %sign3A_76 = arith.cmpi slt, %jit3A, %sign3A_75 : i32
      %sign3A_77 = arith.extui %sign3A_76 : i1 to i32
      %sign3A_78 = arith.subi %sign3A_74, %sign3A_77 : i32
      %ne3A = arith.cmpi ne, %sign3A_71, %sign3A_78 : i32
      %rem3A = arith.remsi %add3A_47, %jit3A : i32
      %ne3A_79 = arith.constant 0 : i32
      %ne3A_80 = arith.cmpi ne, %rem3A, %ne3A_79 : i32
      %and3A = arith.andi %ne3A, %ne3A_80 : i1
      %sub3A = arith.constant 1 : i32
      %sub3A_81 = arith.subi %div3A, %sub3A : i32
      %select_n3A = arith.select %and3A, %sub3A_81, %div3A : i32
      %mul3A_82 = arith.constant 128 : i32
      %mul3A_83 = arith.muli %mul3A_82, %select_n3A : i32
      %add3A_84 = arith.addi %mul3A_65, %mul3A_83 : i32
      %jit3A_85 = arith.constant 2 : i32
      %eq3A = arith.constant 0 : i32
      %eq3A_86 = arith.cmpi eq, %jit3A_85, %eq3A : i32
      %jit3A_87 = arith.constant 1 : i32
      %select_n3A_88 = arith.select %eq3A_86, %jit3A_87, %jit3A_85 : i32
      %rem3A_89 = arith.remsi %add3A_47, %select_n3A_88 : i32
      %ne3A_90 = arith.constant 0 : i32
      %ne3A_91 = arith.cmpi ne, %rem3A_89, %ne3A_90 : i32
      %lt3A_92 = arith.constant 0 : i32
      %lt3A_93 = arith.cmpi slt, %rem3A_89, %lt3A_92 : i32
      %lt3A_94 = arith.constant 0 : i32
      %lt3A_95 = arith.cmpi slt, %select_n3A_88, %lt3A_94 : i32
      %ne3A_96 = arith.xori %lt3A_93, %lt3A_95 : i1
      %and3A_97 = arith.andi %ne3A_96, %ne3A_91 : i1
      %add3A_98 = arith.addi %rem3A_89, %select_n3A_88 : i32
      %select_n3A_99 = arith.select %and3A_97, %add3A_98, %rem3A_89 : i32
      %mul3A_100 = arith.constant 64 : i32
      %mul3A_101 = arith.muli %mul3A_100, %select_n3A_99 : i32
      %dma_start3A_102 = tpu.memref_slice %arg4[%add3A_84, %mul3A_101] : memref<81920x128xf32, #tpu.memory_space<hbm>> -> memref<128x64xf32, #tpu.memory_space<hbm>>
      %dma_start3A_103 = tpu.memref_slice %arg4[%add3A_84, %mul3A_101] : memref<81920x128xf32, #tpu.memory_space<hbm>> -> memref<128x64xf32, #tpu.memory_space<hbm>>
      tpu.enqueue_dma source(%arg6 : memref<128x64xf32, #tpu.memory_space<vmem>>) target(%dma_start3A_103 : memref<128x64xf32, #tpu.memory_space<hbm>>) target_semaphore(%arg16 : memref<!tpu.dma_semaphore, #tpu.memory_space<semaphore_mem>>)
      %mul3A_104 = arith.constant 5 : i32
      %mul3A_105 = arith.muli %mul3A_104, %scan3A_43 : i32
      %add3A_106 = arith.constant 1 : i32
      %add3A_107 = arith.addi %mul3A_105, %add3A_106 : i32
      %mul3A_108 = arith.constant 128 : i32
      %mul3A_109 = arith.muli %add3A_107, %mul3A_108 : i32
      %dma_wait3A_110 = tpu.memref_slice %arg5[%mul3A_109] : memref<5120xi32, #tpu.memory_space<vmem>> -> memref<128xi32, #tpu.memory_space<vmem>>
      %dma_wait3A_111 = arith.constant 0 : i32
      %dma_wait3A_112 = arith.constant 0 : i32
      %dma_wait3A_113 = tpu.memref_slice %arg3[%dma_wait3A_111, %dma_wait3A_112] : memref<100352x64xf32, #tpu.memory_space<hbm>> -> memref<100352x64xf32, #tpu.memory_space<hbm>>
      tpu.wait_indirect_dma semaphore(%arg12 : memref<!tpu.dma_semaphore, #tpu.memory_space<semaphore_mem>>) src(%dma_wait3A_113 : memref<100352x64xf32, #tpu.memory_space<hbm>>) dst(%arg7 : memref<128x64xf32, #tpu.memory_space<vmem>>)
      %ge3A_114 = arith.constant 2 : i32
      %ge3A_115 = arith.cmpi sge, %add3A_107, %ge3A_114 : i32
      %convert_element_type3A_116 = arith.extui %ge3A_115 : i1 to i32
      %cond3A_117 = arith.constant 0 : i32
      %cond3A_118 = arith.cmpi ne, %convert_element_type3A_116, %cond3A_117 : i32
      scf.if %cond3A_118 {
        %sub3A_396 = arith.constant 2 : i32
        %sub3A_397 = arith.subi %add3A_107, %sub3A_396 : i32
        %mul3A_398 = arith.constant 20 : i32
        %mul3A_399 = arith.muli %mul3A_398, %add3A : i32
        %mul3A_400 = arith.constant 128 : i32
        %mul3A_401 = arith.muli %mul3A_400, %mul3A_399 : i32
        %jit3A_402 = arith.constant 2 : i32
        %div3A_403 = arith.divsi %sub3A_397, %jit3A_402 : i32
        %sign3A_404 = arith.constant 0 : i32
        %sign3A_405 = arith.cmpi sgt, %sub3A_397, %sign3A_404 : i32
        %sign3A_406 = arith.extui %sign3A_405 : i1 to i32
        %sign3A_407 = arith.constant 0 : i32
        %sign3A_408 = arith.cmpi slt, %sub3A_397, %sign3A_407 : i32
        %sign3A_409 = arith.extui %sign3A_408 : i1 to i32
        %sign3A_410 = arith.subi %sign3A_406, %sign3A_409 : i32
        %sign3A_411 = arith.constant 0 : i32
        %sign3A_412 = arith.cmpi sgt, %jit3A_402, %sign3A_411 : i32
        %sign3A_413 = arith.extui %sign3A_412 : i1 to i32
        %sign3A_414 = arith.constant 0 : i32
        %sign3A_415 = arith.cmpi slt, %jit3A_402, %sign3A_414 : i32
        %sign3A_416 = arith.extui %sign3A_415 : i1 to i32
        %sign3A_417 = arith.subi %sign3A_413, %sign3A_416 : i32
        %ne3A_418 = arith.cmpi ne, %sign3A_410, %sign3A_417 : i32
        %rem3A_419 = arith.remsi %sub3A_397, %jit3A_402 : i32
        %ne3A_420 = arith.constant 0 : i32
        %ne3A_421 = arith.cmpi ne, %rem3A_419, %ne3A_420 : i32
        %and3A_422 = arith.andi %ne3A_418, %ne3A_421 : i1
        %sub3A_423 = arith.constant 1 : i32
        %sub3A_424 = arith.subi %div3A_403, %sub3A_423 : i32
        %select_n3A_425 = arith.select %and3A_422, %sub3A_424, %div3A_403 : i32
        %mul3A_426 = arith.constant 128 : i32
        %mul3A_427 = arith.muli %mul3A_426, %select_n3A_425 : i32
        %add3A_428 = arith.addi %mul3A_401, %mul3A_427 : i32
        %jit3A_429 = arith.constant 2 : i32
        %eq3A_430 = arith.constant 0 : i32
        %eq3A_431 = arith.cmpi eq, %jit3A_429, %eq3A_430 : i32
        %jit3A_432 = arith.constant 1 : i32
        %select_n3A_433 = arith.select %eq3A_431, %jit3A_432, %jit3A_429 : i32
        %rem3A_434 = arith.remsi %sub3A_397, %select_n3A_433 : i32
        %ne3A_435 = arith.constant 0 : i32
        %ne3A_436 = arith.cmpi ne, %rem3A_434, %ne3A_435 : i32
        %lt3A_437 = arith.constant 0 : i32
        %lt3A_438 = arith.cmpi slt, %rem3A_434, %lt3A_437 : i32
        %lt3A_439 = arith.constant 0 : i32
        %lt3A_440 = arith.cmpi slt, %select_n3A_433, %lt3A_439 : i32
        %ne3A_441 = arith.xori %lt3A_438, %lt3A_440 : i1
        %and3A_442 = arith.andi %ne3A_441, %ne3A_436 : i1
        %add3A_443 = arith.addi %rem3A_434, %select_n3A_433 : i32
        %select_n3A_444 = arith.select %and3A_442, %add3A_443, %rem3A_434 : i32
        %mul3A_445 = arith.constant 64 : i32
        %mul3A_446 = arith.muli %mul3A_445, %select_n3A_444 : i32
        %dma_wait3A_447 = tpu.memref_slice %arg4[%add3A_428, %mul3A_446] : memref<81920x128xf32, #tpu.memory_space<hbm>> -> memref<128x64xf32, #tpu.memory_space<hbm>>
        %dma_wait3A_448 = tpu.memref_slice %arg4[%add3A_428, %mul3A_446] : memref<81920x128xf32, #tpu.memory_space<hbm>> -> memref<128x64xf32, #tpu.memory_space<hbm>>
        tpu.wait_dma2 semaphore(%arg20 : memref<!tpu.dma_semaphore, #tpu.memory_space<semaphore_mem>>) src(%arg10 : memref<128x64xf32, #tpu.memory_space<vmem>>) dst(%dma_wait3A_448 : memref<128x64xf32, #tpu.memory_space<hbm>>)
      } else {
      }
      %add3A_119 = arith.constant 3 : i32
      %add3A_120 = arith.addi %add3A_107, %add3A_119 : i32
      %lt3A_121 = arith.constant 40 : i32
      %lt3A_122 = arith.cmpi slt, %add3A_120, %lt3A_121 : i32
      %convert_element_type3A_123 = arith.extui %lt3A_122 : i1 to i32
      %cond3A_124 = arith.constant 0 : i32
      %cond3A_125 = arith.cmpi ne, %convert_element_type3A_123, %cond3A_124 : i32
      scf.if %cond3A_125 {
        %add3A_396 = arith.constant 3 : i32
        %add3A_397 = arith.addi %add3A_107, %add3A_396 : i32
        %mul3A_398 = arith.constant 128 : i32
        %mul3A_399 = arith.muli %add3A_397, %mul3A_398 : i32
        %dma_start3A_400 = tpu.memref_slice %arg5[%mul3A_399] : memref<5120xi32, #tpu.memory_space<vmem>> -> memref<128xi32, #tpu.memory_space<vmem>>
        %dma_start3A_401 = arith.constant 0 : i32
        %dma_start3A_402 = arith.constant 0 : i32
        %dma_start3A_403 = tpu.memref_slice %arg3[%dma_start3A_401, %dma_start3A_402] : memref<100352x64xf32, #tpu.memory_space<hbm>> -> memref<100352x64xf32, #tpu.memory_space<hbm>>
        tpu.enqueue_indirect_dma source(%dma_start3A_403 : memref<100352x64xf32, #tpu.memory_space<hbm>>) target(%arg10 : memref<128x64xf32, #tpu.memory_space<vmem>>) offsets(%dma_start3A_400 : memref<128xi32, #tpu.memory_space<vmem>>) semaphore(%arg15 : memref<!tpu.dma_semaphore, #tpu.memory_space<semaphore_mem>>)
      } else {
      }
      %mul3A_126 = arith.constant 20 : i32
      %mul3A_127 = arith.muli %mul3A_126, %add3A : i32
      %mul3A_128 = arith.constant 128 : i32
      %mul3A_129 = arith.muli %mul3A_128, %mul3A_127 : i32
      %jit3A_130 = arith.constant 2 : i32
      %div3A_131 = arith.divsi %add3A_107, %jit3A_130 : i32
      %sign3A_132 = arith.constant 0 : i32
      %sign3A_133 = arith.cmpi sgt, %add3A_107, %sign3A_132 : i32
      %sign3A_134 = arith.extui %sign3A_133 : i1 to i32
      %sign3A_135 = arith.constant 0 : i32
      %sign3A_136 = arith.cmpi slt, %add3A_107, %sign3A_135 : i32
      %sign3A_137 = arith.extui %sign3A_136 : i1 to i32
      %sign3A_138 = arith.subi %sign3A_134, %sign3A_137 : i32
      %sign3A_139 = arith.constant 0 : i32
      %sign3A_140 = arith.cmpi sgt, %jit3A_130, %sign3A_139 : i32
      %sign3A_141 = arith.extui %sign3A_140 : i1 to i32
      %sign3A_142 = arith.constant 0 : i32
      %sign3A_143 = arith.cmpi slt, %jit3A_130, %sign3A_142 : i32
      %sign3A_144 = arith.extui %sign3A_143 : i1 to i32
      %sign3A_145 = arith.subi %sign3A_141, %sign3A_144 : i32
      %ne3A_146 = arith.cmpi ne, %sign3A_138, %sign3A_145 : i32
      %rem3A_147 = arith.remsi %add3A_107, %jit3A_130 : i32
      %ne3A_148 = arith.constant 0 : i32
      %ne3A_149 = arith.cmpi ne, %rem3A_147, %ne3A_148 : i32
      %and3A_150 = arith.andi %ne3A_146, %ne3A_149 : i1
      %sub3A_151 = arith.constant 1 : i32
      %sub3A_152 = arith.subi %div3A_131, %sub3A_151 : i32
      %select_n3A_153 = arith.select %and3A_150, %sub3A_152, %div3A_131 : i32
      %mul3A_154 = arith.constant 128 : i32
      %mul3A_155 = arith.muli %mul3A_154, %select_n3A_153 : i32
      %add3A_156 = arith.addi %mul3A_129, %mul3A_155 : i32
      %jit3A_157 = arith.constant 2 : i32
      %eq3A_158 = arith.constant 0 : i32
      %eq3A_159 = arith.cmpi eq, %jit3A_157, %eq3A_158 : i32
      %jit3A_160 = arith.constant 1 : i32
      %select_n3A_161 = arith.select %eq3A_159, %jit3A_160, %jit3A_157 : i32
      %rem3A_162 = arith.remsi %add3A_107, %select_n3A_161 : i32
      %ne3A_163 = arith.constant 0 : i32
      %ne3A_164 = arith.cmpi ne, %rem3A_162, %ne3A_163 : i32
      %lt3A_165 = arith.constant 0 : i32
      %lt3A_166 = arith.cmpi slt, %rem3A_162, %lt3A_165 : i32
      %lt3A_167 = arith.constant 0 : i32
      %lt3A_168 = arith.cmpi slt, %select_n3A_161, %lt3A_167 : i32
      %ne3A_169 = arith.xori %lt3A_166, %lt3A_168 : i1
      %and3A_170 = arith.andi %ne3A_169, %ne3A_164 : i1
      %add3A_171 = arith.addi %rem3A_162, %select_n3A_161 : i32
      %select_n3A_172 = arith.select %and3A_170, %add3A_171, %rem3A_162 : i32
      %mul3A_173 = arith.constant 64 : i32
      %mul3A_174 = arith.muli %mul3A_173, %select_n3A_172 : i32
      %dma_start3A_175 = tpu.memref_slice %arg4[%add3A_156, %mul3A_174] : memref<81920x128xf32, #tpu.memory_space<hbm>> -> memref<128x64xf32, #tpu.memory_space<hbm>>
      %dma_start3A_176 = tpu.memref_slice %arg4[%add3A_156, %mul3A_174] : memref<81920x128xf32, #tpu.memory_space<hbm>> -> memref<128x64xf32, #tpu.memory_space<hbm>>
      tpu.enqueue_dma source(%arg7 : memref<128x64xf32, #tpu.memory_space<vmem>>) target(%dma_start3A_176 : memref<128x64xf32, #tpu.memory_space<hbm>>) target_semaphore(%arg17 : memref<!tpu.dma_semaphore, #tpu.memory_space<semaphore_mem>>)
      %mul3A_177 = arith.constant 5 : i32
      %mul3A_178 = arith.muli %mul3A_177, %scan3A_43 : i32
      %add3A_179 = arith.constant 2 : i32
      %add3A_180 = arith.addi %mul3A_178, %add3A_179 : i32
      %mul3A_181 = arith.constant 128 : i32
      %mul3A_182 = arith.muli %add3A_180, %mul3A_181 : i32
      %dma_wait3A_183 = tpu.memref_slice %arg5[%mul3A_182] : memref<5120xi32, #tpu.memory_space<vmem>> -> memref<128xi32, #tpu.memory_space<vmem>>
      %dma_wait3A_184 = arith.constant 0 : i32
      %dma_wait3A_185 = arith.constant 0 : i32
      %dma_wait3A_186 = tpu.memref_slice %arg3[%dma_wait3A_184, %dma_wait3A_185] : memref<100352x64xf32, #tpu.memory_space<hbm>> -> memref<100352x64xf32, #tpu.memory_space<hbm>>
      tpu.wait_indirect_dma semaphore(%arg13 : memref<!tpu.dma_semaphore, #tpu.memory_space<semaphore_mem>>) src(%dma_wait3A_186 : memref<100352x64xf32, #tpu.memory_space<hbm>>) dst(%arg8 : memref<128x64xf32, #tpu.memory_space<vmem>>)
      %ge3A_187 = arith.constant 2 : i32
      %ge3A_188 = arith.cmpi sge, %add3A_180, %ge3A_187 : i32
      %convert_element_type3A_189 = arith.extui %ge3A_188 : i1 to i32
      %cond3A_190 = arith.constant 0 : i32
      %cond3A_191 = arith.cmpi ne, %convert_element_type3A_189, %cond3A_190 : i32
      scf.if %cond3A_191 {
        %sub3A_396 = arith.constant 2 : i32
        %sub3A_397 = arith.subi %add3A_180, %sub3A_396 : i32
        %mul3A_398 = arith.constant 20 : i32
        %mul3A_399 = arith.muli %mul3A_398, %add3A : i32
        %mul3A_400 = arith.constant 128 : i32
        %mul3A_401 = arith.muli %mul3A_400, %mul3A_399 : i32
        %jit3A_402 = arith.constant 2 : i32
        %div3A_403 = arith.divsi %sub3A_397, %jit3A_402 : i32
        %sign3A_404 = arith.constant 0 : i32
        %sign3A_405 = arith.cmpi sgt, %sub3A_397, %sign3A_404 : i32
        %sign3A_406 = arith.extui %sign3A_405 : i1 to i32
        %sign3A_407 = arith.constant 0 : i32
        %sign3A_408 = arith.cmpi slt, %sub3A_397, %sign3A_407 : i32
        %sign3A_409 = arith.extui %sign3A_408 : i1 to i32
        %sign3A_410 = arith.subi %sign3A_406, %sign3A_409 : i32
        %sign3A_411 = arith.constant 0 : i32
        %sign3A_412 = arith.cmpi sgt, %jit3A_402, %sign3A_411 : i32
        %sign3A_413 = arith.extui %sign3A_412 : i1 to i32
        %sign3A_414 = arith.constant 0 : i32
        %sign3A_415 = arith.cmpi slt, %jit3A_402, %sign3A_414 : i32
        %sign3A_416 = arith.extui %sign3A_415 : i1 to i32
        %sign3A_417 = arith.subi %sign3A_413, %sign3A_416 : i32
        %ne3A_418 = arith.cmpi ne, %sign3A_410, %sign3A_417 : i32
        %rem3A_419 = arith.remsi %sub3A_397, %jit3A_402 : i32
        %ne3A_420 = arith.constant 0 : i32
        %ne3A_421 = arith.cmpi ne, %rem3A_419, %ne3A_420 : i32
        %and3A_422 = arith.andi %ne3A_418, %ne3A_421 : i1
        %sub3A_423 = arith.constant 1 : i32
        %sub3A_424 = arith.subi %div3A_403, %sub3A_423 : i32
        %select_n3A_425 = arith.select %and3A_422, %sub3A_424, %div3A_403 : i32
        %mul3A_426 = arith.constant 128 : i32
        %mul3A_427 = arith.muli %mul3A_426, %select_n3A_425 : i32
        %add3A_428 = arith.addi %mul3A_401, %mul3A_427 : i32
        %jit3A_429 = arith.constant 2 : i32
        %eq3A_430 = arith.constant 0 : i32
        %eq3A_431 = arith.cmpi eq, %jit3A_429, %eq3A_430 : i32
        %jit3A_432 = arith.constant 1 : i32
        %select_n3A_433 = arith.select %eq3A_431, %jit3A_432, %jit3A_429 : i32
        %rem3A_434 = arith.remsi %sub3A_397, %select_n3A_433 : i32
        %ne3A_435 = arith.constant 0 : i32
        %ne3A_436 = arith.cmpi ne, %rem3A_434, %ne3A_435 : i32
        %lt3A_437 = arith.constant 0 : i32
        %lt3A_438 = arith.cmpi slt, %rem3A_434, %lt3A_437 : i32
        %lt3A_439 = arith.constant 0 : i32
        %lt3A_440 = arith.cmpi slt, %select_n3A_433, %lt3A_439 : i32
        %ne3A_441 = arith.xori %lt3A_438, %lt3A_440 : i1
        %and3A_442 = arith.andi %ne3A_441, %ne3A_436 : i1
        %add3A_443 = arith.addi %rem3A_434, %select_n3A_433 : i32
        %select_n3A_444 = arith.select %and3A_442, %add3A_443, %rem3A_434 : i32
        %mul3A_445 = arith.constant 64 : i32
        %mul3A_446 = arith.muli %mul3A_445, %select_n3A_444 : i32
        %dma_wait3A_447 = tpu.memref_slice %arg4[%add3A_428, %mul3A_446] : memref<81920x128xf32, #tpu.memory_space<hbm>> -> memref<128x64xf32, #tpu.memory_space<hbm>>
        %dma_wait3A_448 = tpu.memref_slice %arg4[%add3A_428, %mul3A_446] : memref<81920x128xf32, #tpu.memory_space<hbm>> -> memref<128x64xf32, #tpu.memory_space<hbm>>
        tpu.wait_dma2 semaphore(%arg16 : memref<!tpu.dma_semaphore, #tpu.memory_space<semaphore_mem>>) src(%arg6 : memref<128x64xf32, #tpu.memory_space<vmem>>) dst(%dma_wait3A_448 : memref<128x64xf32, #tpu.memory_space<hbm>>)
      } else {
      }
      %add3A_192 = arith.constant 3 : i32
      %add3A_193 = arith.addi %add3A_180, %add3A_192 : i32
      %lt3A_194 = arith.constant 40 : i32
      %lt3A_195 = arith.cmpi slt, %add3A_193, %lt3A_194 : i32
      %convert_element_type3A_196 = arith.extui %lt3A_195 : i1 to i32
      %cond3A_197 = arith.constant 0 : i32
      %cond3A_198 = arith.cmpi ne, %convert_element_type3A_196, %cond3A_197 : i32
      scf.if %cond3A_198 {
        %add3A_396 = arith.constant 3 : i32
        %add3A_397 = arith.addi %add3A_180, %add3A_396 : i32
        %mul3A_398 = arith.constant 128 : i32
        %mul3A_399 = arith.muli %add3A_397, %mul3A_398 : i32
        %dma_start3A_400 = tpu.memref_slice %arg5[%mul3A_399] : memref<5120xi32, #tpu.memory_space<vmem>> -> memref<128xi32, #tpu.memory_space<vmem>>
        %dma_start3A_401 = arith.constant 0 : i32
        %dma_start3A_402 = arith.constant 0 : i32
        %dma_start3A_403 = tpu.memref_slice %arg3[%dma_start3A_401, %dma_start3A_402] : memref<100352x64xf32, #tpu.memory_space<hbm>> -> memref<100352x64xf32, #tpu.memory_space<hbm>>
        tpu.enqueue_indirect_dma source(%dma_start3A_403 : memref<100352x64xf32, #tpu.memory_space<hbm>>) target(%arg6 : memref<128x64xf32, #tpu.memory_space<vmem>>) offsets(%dma_start3A_400 : memref<128xi32, #tpu.memory_space<vmem>>) semaphore(%arg11 : memref<!tpu.dma_semaphore, #tpu.memory_space<semaphore_mem>>)
      } else {
      }
      %mul3A_199 = arith.constant 20 : i32
      %mul3A_200 = arith.muli %mul3A_199, %add3A : i32
      %mul3A_201 = arith.constant 128 : i32
      %mul3A_202 = arith.muli %mul3A_201, %mul3A_200 : i32
      %jit3A_203 = arith.constant 2 : i32
      %div3A_204 = arith.divsi %add3A_180, %jit3A_203 : i32
      %sign3A_205 = arith.constant 0 : i32
      %sign3A_206 = arith.cmpi sgt, %add3A_180, %sign3A_205 : i32
      %sign3A_207 = arith.extui %sign3A_206 : i1 to i32
      %sign3A_208 = arith.constant 0 : i32
      %sign3A_209 = arith.cmpi slt, %add3A_180, %sign3A_208 : i32
      %sign3A_210 = arith.extui %sign3A_209 : i1 to i32
      %sign3A_211 = arith.subi %sign3A_207, %sign3A_210 : i32
      %sign3A_212 = arith.constant 0 : i32
      %sign3A_213 = arith.cmpi sgt, %jit3A_203, %sign3A_212 : i32
      %sign3A_214 = arith.extui %sign3A_213 : i1 to i32
      %sign3A_215 = arith.constant 0 : i32
      %sign3A_216 = arith.cmpi slt, %jit3A_203, %sign3A_215 : i32
      %sign3A_217 = arith.extui %sign3A_216 : i1 to i32
      %sign3A_218 = arith.subi %sign3A_214, %sign3A_217 : i32
      %ne3A_219 = arith.cmpi ne, %sign3A_211, %sign3A_218 : i32
      %rem3A_220 = arith.remsi %add3A_180, %jit3A_203 : i32
      %ne3A_221 = arith.constant 0 : i32
      %ne3A_222 = arith.cmpi ne, %rem3A_220, %ne3A_221 : i32
      %and3A_223 = arith.andi %ne3A_219, %ne3A_222 : i1
      %sub3A_224 = arith.constant 1 : i32
      %sub3A_225 = arith.subi %div3A_204, %sub3A_224 : i32
      %select_n3A_226 = arith.select %and3A_223, %sub3A_225, %div3A_204 : i32
      %mul3A_227 = arith.constant 128 : i32
      %mul3A_228 = arith.muli %mul3A_227, %select_n3A_226 : i32
      %add3A_229 = arith.addi %mul3A_202, %mul3A_228 : i32
      %jit3A_230 = arith.constant 2 : i32
      %eq3A_231 = arith.constant 0 : i32
      %eq3A_232 = arith.cmpi eq, %jit3A_230, %eq3A_231 : i32
      %jit3A_233 = arith.constant 1 : i32
      %select_n3A_234 = arith.select %eq3A_232, %jit3A_233, %jit3A_230 : i32
      %rem3A_235 = arith.remsi %add3A_180, %select_n3A_234 : i32
      %ne3A_236 = arith.constant 0 : i32
      %ne3A_237 = arith.cmpi ne, %rem3A_235, %ne3A_236 : i32
      %lt3A_238 = arith.constant 0 : i32
      %lt3A_239 = arith.cmpi slt, %rem3A_235, %lt3A_238 : i32
      %lt3A_240 = arith.constant 0 : i32
      %lt3A_241 = arith.cmpi slt, %select_n3A_234, %lt3A_240 : i32
      %ne3A_242 = arith.xori %lt3A_239, %lt3A_241 : i1
      %and3A_243 = arith.andi %ne3A_242, %ne3A_237 : i1
      %add3A_244 = arith.addi %rem3A_235, %select_n3A_234 : i32
      %select_n3A_245 = arith.select %and3A_243, %add3A_244, %rem3A_235 : i32
      %mul3A_246 = arith.constant 64 : i32
      %mul3A_247 = arith.muli %mul3A_246, %select_n3A_245 : i32
      %dma_start3A_248 = tpu.memref_slice %arg4[%add3A_229, %mul3A_247] : memref<81920x128xf32, #tpu.memory_space<hbm>> -> memref<128x64xf32, #tpu.memory_space<hbm>>
      %dma_start3A_249 = tpu.memref_slice %arg4[%add3A_229, %mul3A_247] : memref<81920x128xf32, #tpu.memory_space<hbm>> -> memref<128x64xf32, #tpu.memory_space<hbm>>
      tpu.enqueue_dma source(%arg8 : memref<128x64xf32, #tpu.memory_space<vmem>>) target(%dma_start3A_249 : memref<128x64xf32, #tpu.memory_space<hbm>>) target_semaphore(%arg18 : memref<!tpu.dma_semaphore, #tpu.memory_space<semaphore_mem>>)
      %mul3A_250 = arith.constant 5 : i32
      %mul3A_251 = arith.muli %mul3A_250, %scan3A_43 : i32
      %add3A_252 = arith.constant 3 : i32
      %add3A_253 = arith.addi %mul3A_251, %add3A_252 : i32
      %mul3A_254 = arith.constant 128 : i32
      %mul3A_255 = arith.muli %add3A_253, %mul3A_254 : i32
      %dma_wait3A_256 = tpu.memref_slice %arg5[%mul3A_255] : memref<5120xi32, #tpu.memory_space<vmem>> -> memref<128xi32, #tpu.memory_space<vmem>>
      %dma_wait3A_257 = arith.constant 0 : i32
      %dma_wait3A_258 = arith.constant 0 : i32
      %dma_wait3A_259 = tpu.memref_slice %arg3[%dma_wait3A_257, %dma_wait3A_258] : memref<100352x64xf32, #tpu.memory_space<hbm>> -> memref<100352x64xf32, #tpu.memory_space<hbm>>
      tpu.wait_indirect_dma semaphore(%arg14 : memref<!tpu.dma_semaphore, #tpu.memory_space<semaphore_mem>>) src(%dma_wait3A_259 : memref<100352x64xf32, #tpu.memory_space<hbm>>) dst(%arg9 : memref<128x64xf32, #tpu.memory_space<vmem>>)
      %ge3A_260 = arith.constant 2 : i32
      %ge3A_261 = arith.cmpi sge, %add3A_253, %ge3A_260 : i32
      %convert_element_type3A_262 = arith.extui %ge3A_261 : i1 to i32
      %cond3A_263 = arith.constant 0 : i32
      %cond3A_264 = arith.cmpi ne, %convert_element_type3A_262, %cond3A_263 : i32
      scf.if %cond3A_264 {
        %sub3A_396 = arith.constant 2 : i32
        %sub3A_397 = arith.subi %add3A_253, %sub3A_396 : i32
        %mul3A_398 = arith.constant 20 : i32
        %mul3A_399 = arith.muli %mul3A_398, %add3A : i32
        %mul3A_400 = arith.constant 128 : i32
        %mul3A_401 = arith.muli %mul3A_400, %mul3A_399 : i32
        %jit3A_402 = arith.constant 2 : i32
        %div3A_403 = arith.divsi %sub3A_397, %jit3A_402 : i32
        %sign3A_404 = arith.constant 0 : i32
        %sign3A_405 = arith.cmpi sgt, %sub3A_397, %sign3A_404 : i32
        %sign3A_406 = arith.extui %sign3A_405 : i1 to i32
        %sign3A_407 = arith.constant 0 : i32
        %sign3A_408 = arith.cmpi slt, %sub3A_397, %sign3A_407 : i32
        %sign3A_409 = arith.extui %sign3A_408 : i1 to i32
        %sign3A_410 = arith.subi %sign3A_406, %sign3A_409 : i32
        %sign3A_411 = arith.constant 0 : i32
        %sign3A_412 = arith.cmpi sgt, %jit3A_402, %sign3A_411 : i32
        %sign3A_413 = arith.extui %sign3A_412 : i1 to i32
        %sign3A_414 = arith.constant 0 : i32
        %sign3A_415 = arith.cmpi slt, %jit3A_402, %sign3A_414 : i32
        %sign3A_416 = arith.extui %sign3A_415 : i1 to i32
        %sign3A_417 = arith.subi %sign3A_413, %sign3A_416 : i32
        %ne3A_418 = arith.cmpi ne, %sign3A_410, %sign3A_417 : i32
        %rem3A_419 = arith.remsi %sub3A_397, %jit3A_402 : i32
        %ne3A_420 = arith.constant 0 : i32
        %ne3A_421 = arith.cmpi ne, %rem3A_419, %ne3A_420 : i32
        %and3A_422 = arith.andi %ne3A_418, %ne3A_421 : i1
        %sub3A_423 = arith.constant 1 : i32
        %sub3A_424 = arith.subi %div3A_403, %sub3A_423 : i32
        %select_n3A_425 = arith.select %and3A_422, %sub3A_424, %div3A_403 : i32
        %mul3A_426 = arith.constant 128 : i32
        %mul3A_427 = arith.muli %mul3A_426, %select_n3A_425 : i32
        %add3A_428 = arith.addi %mul3A_401, %mul3A_427 : i32
        %jit3A_429 = arith.constant 2 : i32
        %eq3A_430 = arith.constant 0 : i32
        %eq3A_431 = arith.cmpi eq, %jit3A_429, %eq3A_430 : i32
        %jit3A_432 = arith.constant 1 : i32
        %select_n3A_433 = arith.select %eq3A_431, %jit3A_432, %jit3A_429 : i32
        %rem3A_434 = arith.remsi %sub3A_397, %select_n3A_433 : i32
        %ne3A_435 = arith.constant 0 : i32
        %ne3A_436 = arith.cmpi ne, %rem3A_434, %ne3A_435 : i32
        %lt3A_437 = arith.constant 0 : i32
        %lt3A_438 = arith.cmpi slt, %rem3A_434, %lt3A_437 : i32
        %lt3A_439 = arith.constant 0 : i32
        %lt3A_440 = arith.cmpi slt, %select_n3A_433, %lt3A_439 : i32
        %ne3A_441 = arith.xori %lt3A_438, %lt3A_440 : i1
        %and3A_442 = arith.andi %ne3A_441, %ne3A_436 : i1
        %add3A_443 = arith.addi %rem3A_434, %select_n3A_433 : i32
        %select_n3A_444 = arith.select %and3A_442, %add3A_443, %rem3A_434 : i32
        %mul3A_445 = arith.constant 64 : i32
        %mul3A_446 = arith.muli %mul3A_445, %select_n3A_444 : i32
        %dma_wait3A_447 = tpu.memref_slice %arg4[%add3A_428, %mul3A_446] : memref<81920x128xf32, #tpu.memory_space<hbm>> -> memref<128x64xf32, #tpu.memory_space<hbm>>
        %dma_wait3A_448 = tpu.memref_slice %arg4[%add3A_428, %mul3A_446] : memref<81920x128xf32, #tpu.memory_space<hbm>> -> memref<128x64xf32, #tpu.memory_space<hbm>>
        tpu.wait_dma2 semaphore(%arg17 : memref<!tpu.dma_semaphore, #tpu.memory_space<semaphore_mem>>) src(%arg7 : memref<128x64xf32, #tpu.memory_space<vmem>>) dst(%dma_wait3A_448 : memref<128x64xf32, #tpu.memory_space<hbm>>)
      } else {
      }
      %add3A_265 = arith.constant 3 : i32
      %add3A_266 = arith.addi %add3A_253, %add3A_265 : i32
      %lt3A_267 = arith.constant 40 : i32
      %lt3A_268 = arith.cmpi slt, %add3A_266, %lt3A_267 : i32
      %convert_element_type3A_269 = arith.extui %lt3A_268 : i1 to i32
      %cond3A_270 = arith.constant 0 : i32
      %cond3A_271 = arith.cmpi ne, %convert_element_type3A_269, %cond3A_270 : i32
      scf.if %cond3A_271 {
        %add3A_396 = arith.constant 3 : i32
        %add3A_397 = arith.addi %add3A_253, %add3A_396 : i32
        %mul3A_398 = arith.constant 128 : i32
        %mul3A_399 = arith.muli %add3A_397, %mul3A_398 : i32
        %dma_start3A_400 = tpu.memref_slice %arg5[%mul3A_399] : memref<5120xi32, #tpu.memory_space<vmem>> -> memref<128xi32, #tpu.memory_space<vmem>>
        %dma_start3A_401 = arith.constant 0 : i32
        %dma_start3A_402 = arith.constant 0 : i32
        %dma_start3A_403 = tpu.memref_slice %arg3[%dma_start3A_401, %dma_start3A_402] : memref<100352x64xf32, #tpu.memory_space<hbm>> -> memref<100352x64xf32, #tpu.memory_space<hbm>>
        tpu.enqueue_indirect_dma source(%dma_start3A_403 : memref<100352x64xf32, #tpu.memory_space<hbm>>) target(%arg7 : memref<128x64xf32, #tpu.memory_space<vmem>>) offsets(%dma_start3A_400 : memref<128xi32, #tpu.memory_space<vmem>>) semaphore(%arg12 : memref<!tpu.dma_semaphore, #tpu.memory_space<semaphore_mem>>)
      } else {
      }
      %mul3A_272 = arith.constant 20 : i32
      %mul3A_273 = arith.muli %mul3A_272, %add3A : i32
      %mul3A_274 = arith.constant 128 : i32
      %mul3A_275 = arith.muli %mul3A_274, %mul3A_273 : i32
      %jit3A_276 = arith.constant 2 : i32
      %div3A_277 = arith.divsi %add3A_253, %jit3A_276 : i32
      %sign3A_278 = arith.constant 0 : i32
      %sign3A_279 = arith.cmpi sgt, %add3A_253, %sign3A_278 : i32
      %sign3A_280 = arith.extui %sign3A_279 : i1 to i32
      %sign3A_281 = arith.constant 0 : i32
      %sign3A_282 = arith.cmpi slt, %add3A_253, %sign3A_281 : i32
      %sign3A_283 = arith.extui %sign3A_282 : i1 to i32
      %sign3A_284 = arith.subi %sign3A_280, %sign3A_283 : i32
      %sign3A_285 = arith.constant 0 : i32
      %sign3A_286 = arith.cmpi sgt, %jit3A_276, %sign3A_285 : i32
      %sign3A_287 = arith.extui %sign3A_286 : i1 to i32
      %sign3A_288 = arith.constant 0 : i32
      %sign3A_289 = arith.cmpi slt, %jit3A_276, %sign3A_288 : i32
      %sign3A_290 = arith.extui %sign3A_289 : i1 to i32
      %sign3A_291 = arith.subi %sign3A_287, %sign3A_290 : i32
      %ne3A_292 = arith.cmpi ne, %sign3A_284, %sign3A_291 : i32
      %rem3A_293 = arith.remsi %add3A_253, %jit3A_276 : i32
      %ne3A_294 = arith.constant 0 : i32
      %ne3A_295 = arith.cmpi ne, %rem3A_293, %ne3A_294 : i32
      %and3A_296 = arith.andi %ne3A_292, %ne3A_295 : i1
      %sub3A_297 = arith.constant 1 : i32
      %sub3A_298 = arith.subi %div3A_277, %sub3A_297 : i32
      %select_n3A_299 = arith.select %and3A_296, %sub3A_298, %div3A_277 : i32
      %mul3A_300 = arith.constant 128 : i32
      %mul3A_301 = arith.muli %mul3A_300, %select_n3A_299 : i32
      %add3A_302 = arith.addi %mul3A_275, %mul3A_301 : i32
      %jit3A_303 = arith.constant 2 : i32
      %eq3A_304 = arith.constant 0 : i32
      %eq3A_305 = arith.cmpi eq, %jit3A_303, %eq3A_304 : i32
      %jit3A_306 = arith.constant 1 : i32
      %select_n3A_307 = arith.select %eq3A_305, %jit3A_306, %jit3A_303 : i32
      %rem3A_308 = arith.remsi %add3A_253, %select_n3A_307 : i32
      %ne3A_309 = arith.constant 0 : i32
      %ne3A_310 = arith.cmpi ne, %rem3A_308, %ne3A_309 : i32
      %lt3A_311 = arith.constant 0 : i32
      %lt3A_312 = arith.cmpi slt, %rem3A_308, %lt3A_311 : i32
      %lt3A_313 = arith.constant 0 : i32
      %lt3A_314 = arith.cmpi slt, %select_n3A_307, %lt3A_313 : i32
      %ne3A_315 = arith.xori %lt3A_312, %lt3A_314 : i1
      %and3A_316 = arith.andi %ne3A_315, %ne3A_310 : i1
      %add3A_317 = arith.addi %rem3A_308, %select_n3A_307 : i32
      %select_n3A_318 = arith.select %and3A_316, %add3A_317, %rem3A_308 : i32
      %mul3A_319 = arith.constant 64 : i32
      %mul3A_320 = arith.muli %mul3A_319, %select_n3A_318 : i32
      %dma_start3A_321 = tpu.memref_slice %arg4[%add3A_302, %mul3A_320] : memref<81920x128xf32, #tpu.memory_space<hbm>> -> memref<128x64xf32, #tpu.memory_space<hbm>>
      %dma_start3A_322 = tpu.memref_slice %arg4[%add3A_302, %mul3A_320] : memref<81920x128xf32, #tpu.memory_space<hbm>> -> memref<128x64xf32, #tpu.memory_space<hbm>>
      tpu.enqueue_dma source(%arg9 : memref<128x64xf32, #tpu.memory_space<vmem>>) target(%dma_start3A_322 : memref<128x64xf32, #tpu.memory_space<hbm>>) target_semaphore(%arg19 : memref<!tpu.dma_semaphore, #tpu.memory_space<semaphore_mem>>)
      %mul3A_323 = arith.constant 5 : i32
      %mul3A_324 = arith.muli %mul3A_323, %scan3A_43 : i32
      %add3A_325 = arith.constant 4 : i32
      %add3A_326 = arith.addi %mul3A_324, %add3A_325 : i32
      %mul3A_327 = arith.constant 128 : i32
      %mul3A_328 = arith.muli %add3A_326, %mul3A_327 : i32
      %dma_wait3A_329 = tpu.memref_slice %arg5[%mul3A_328] : memref<5120xi32, #tpu.memory_space<vmem>> -> memref<128xi32, #tpu.memory_space<vmem>>
      %dma_wait3A_330 = arith.constant 0 : i32
      %dma_wait3A_331 = arith.constant 0 : i32
      %dma_wait3A_332 = tpu.memref_slice %arg3[%dma_wait3A_330, %dma_wait3A_331] : memref<100352x64xf32, #tpu.memory_space<hbm>> -> memref<100352x64xf32, #tpu.memory_space<hbm>>
      tpu.wait_indirect_dma semaphore(%arg15 : memref<!tpu.dma_semaphore, #tpu.memory_space<semaphore_mem>>) src(%dma_wait3A_332 : memref<100352x64xf32, #tpu.memory_space<hbm>>) dst(%arg10 : memref<128x64xf32, #tpu.memory_space<vmem>>)
      %ge3A_333 = arith.constant 2 : i32
      %ge3A_334 = arith.cmpi sge, %add3A_326, %ge3A_333 : i32
      %convert_element_type3A_335 = arith.extui %ge3A_334 : i1 to i32
      %cond3A_336 = arith.constant 0 : i32
      %cond3A_337 = arith.cmpi ne, %convert_element_type3A_335, %cond3A_336 : i32
      scf.if %cond3A_337 {
        %sub3A_396 = arith.constant 2 : i32
        %sub3A_397 = arith.subi %add3A_326, %sub3A_396 : i32
        %mul3A_398 = arith.constant 20 : i32
        %mul3A_399 = arith.muli %mul3A_398, %add3A : i32
        %mul3A_400 = arith.constant 128 : i32
        %mul3A_401 = arith.muli %mul3A_400, %mul3A_399 : i32
        %jit3A_402 = arith.constant 2 : i32
        %div3A_403 = arith.divsi %sub3A_397, %jit3A_402 : i32
        %sign3A_404 = arith.constant 0 : i32
        %sign3A_405 = arith.cmpi sgt, %sub3A_397, %sign3A_404 : i32
        %sign3A_406 = arith.extui %sign3A_405 : i1 to i32
        %sign3A_407 = arith.constant 0 : i32
        %sign3A_408 = arith.cmpi slt, %sub3A_397, %sign3A_407 : i32
        %sign3A_409 = arith.extui %sign3A_408 : i1 to i32
        %sign3A_410 = arith.subi %sign3A_406, %sign3A_409 : i32
        %sign3A_411 = arith.constant 0 : i32
        %sign3A_412 = arith.cmpi sgt, %jit3A_402, %sign3A_411 : i32
        %sign3A_413 = arith.extui %sign3A_412 : i1 to i32
        %sign3A_414 = arith.constant 0 : i32
        %sign3A_415 = arith.cmpi slt, %jit3A_402, %sign3A_414 : i32
        %sign3A_416 = arith.extui %sign3A_415 : i1 to i32
        %sign3A_417 = arith.subi %sign3A_413, %sign3A_416 : i32
        %ne3A_418 = arith.cmpi ne, %sign3A_410, %sign3A_417 : i32
        %rem3A_419 = arith.remsi %sub3A_397, %jit3A_402 : i32
        %ne3A_420 = arith.constant 0 : i32
        %ne3A_421 = arith.cmpi ne, %rem3A_419, %ne3A_420 : i32
        %and3A_422 = arith.andi %ne3A_418, %ne3A_421 : i1
        %sub3A_423 = arith.constant 1 : i32
        %sub3A_424 = arith.subi %div3A_403, %sub3A_423 : i32
        %select_n3A_425 = arith.select %and3A_422, %sub3A_424, %div3A_403 : i32
        %mul3A_426 = arith.constant 128 : i32
        %mul3A_427 = arith.muli %mul3A_426, %select_n3A_425 : i32
        %add3A_428 = arith.addi %mul3A_401, %mul3A_427 : i32
        %jit3A_429 = arith.constant 2 : i32
        %eq3A_430 = arith.constant 0 : i32
        %eq3A_431 = arith.cmpi eq, %jit3A_429, %eq3A_430 : i32
        %jit3A_432 = arith.constant 1 : i32
        %select_n3A_433 = arith.select %eq3A_431, %jit3A_432, %jit3A_429 : i32
        %rem3A_434 = arith.remsi %sub3A_397, %select_n3A_433 : i32
        %ne3A_435 = arith.constant 0 : i32
        %ne3A_436 = arith.cmpi ne, %rem3A_434, %ne3A_435 : i32
        %lt3A_437 = arith.constant 0 : i32
        %lt3A_438 = arith.cmpi slt, %rem3A_434, %lt3A_437 : i32
        %lt3A_439 = arith.constant 0 : i32
        %lt3A_440 = arith.cmpi slt, %select_n3A_433, %lt3A_439 : i32
        %ne3A_441 = arith.xori %lt3A_438, %lt3A_440 : i1
        %and3A_442 = arith.andi %ne3A_441, %ne3A_436 : i1
        %add3A_443 = arith.addi %rem3A_434, %select_n3A_433 : i32
        %select_n3A_444 = arith.select %and3A_442, %add3A_443, %rem3A_434 : i32
        %mul3A_445 = arith.constant 64 : i32
        %mul3A_446 = arith.muli %mul3A_445, %select_n3A_444 : i32
        %dma_wait3A_447 = tpu.memref_slice %arg4[%add3A_428, %mul3A_446] : memref<81920x128xf32, #tpu.memory_space<hbm>> -> memref<128x64xf32, #tpu.memory_space<hbm>>
        %dma_wait3A_448 = tpu.memref_slice %arg4[%add3A_428, %mul3A_446] : memref<81920x128xf32, #tpu.memory_space<hbm>> -> memref<128x64xf32, #tpu.memory_space<hbm>>
        tpu.wait_dma2 semaphore(%arg18 : memref<!tpu.dma_semaphore, #tpu.memory_space<semaphore_mem>>) src(%arg8 : memref<128x64xf32, #tpu.memory_space<vmem>>) dst(%dma_wait3A_448 : memref<128x64xf32, #tpu.memory_space<hbm>>)
      } else {
      }
      %add3A_338 = arith.constant 3 : i32
      %add3A_339 = arith.addi %add3A_326, %add3A_338 : i32
      %lt3A_340 = arith.constant 40 : i32
      %lt3A_341 = arith.cmpi slt, %add3A_339, %lt3A_340 : i32
      %convert_element_type3A_342 = arith.extui %lt3A_341 : i1 to i32
      %cond3A_343 = arith.constant 0 : i32
      %cond3A_344 = arith.cmpi ne, %convert_element_type3A_342, %cond3A_343 : i32
      scf.if %cond3A_344 {
        %add3A_396 = arith.constant 3 : i32
        %add3A_397 = arith.addi %add3A_326, %add3A_396 : i32
        %mul3A_398 = arith.constant 128 : i32
        %mul3A_399 = arith.muli %add3A_397, %mul3A_398 : i32
        %dma_start3A_400 = tpu.memref_slice %arg5[%mul3A_399] : memref<5120xi32, #tpu.memory_space<vmem>> -> memref<128xi32, #tpu.memory_space<vmem>>
        %dma_start3A_401 = arith.constant 0 : i32
        %dma_start3A_402 = arith.constant 0 : i32
        %dma_start3A_403 = tpu.memref_slice %arg3[%dma_start3A_401, %dma_start3A_402] : memref<100352x64xf32, #tpu.memory_space<hbm>> -> memref<100352x64xf32, #tpu.memory_space<hbm>>
        tpu.enqueue_indirect_dma source(%dma_start3A_403 : memref<100352x64xf32, #tpu.memory_space<hbm>>) target(%arg8 : memref<128x64xf32, #tpu.memory_space<vmem>>) offsets(%dma_start3A_400 : memref<128xi32, #tpu.memory_space<vmem>>) semaphore(%arg13 : memref<!tpu.dma_semaphore, #tpu.memory_space<semaphore_mem>>)
      } else {
      }
      %mul3A_345 = arith.constant 20 : i32
      %mul3A_346 = arith.muli %mul3A_345, %add3A : i32
      %mul3A_347 = arith.constant 128 : i32
      %mul3A_348 = arith.muli %mul3A_347, %mul3A_346 : i32
      %jit3A_349 = arith.constant 2 : i32
      %div3A_350 = arith.divsi %add3A_326, %jit3A_349 : i32
      %sign3A_351 = arith.constant 0 : i32
      %sign3A_352 = arith.cmpi sgt, %add3A_326, %sign3A_351 : i32
      %sign3A_353 = arith.extui %sign3A_352 : i1 to i32
      %sign3A_354 = arith.constant 0 : i32
      %sign3A_355 = arith.cmpi slt, %add3A_326, %sign3A_354 : i32
      %sign3A_356 = arith.extui %sign3A_355 : i1 to i32
      %sign3A_357 = arith.subi %sign3A_353, %sign3A_356 : i32
      %sign3A_358 = arith.constant 0 : i32
      %sign3A_359 = arith.cmpi sgt, %jit3A_349, %sign3A_358 : i32
      %sign3A_360 = arith.extui %sign3A_359 : i1 to i32
      %sign3A_361 = arith.constant 0 : i32
      %sign3A_362 = arith.cmpi slt, %jit3A_349, %sign3A_361 : i32
      %sign3A_363 = arith.extui %sign3A_362 : i1 to i32
      %sign3A_364 = arith.subi %sign3A_360, %sign3A_363 : i32
      %ne3A_365 = arith.cmpi ne, %sign3A_357, %sign3A_364 : i32
      %rem3A_366 = arith.remsi %add3A_326, %jit3A_349 : i32
      %ne3A_367 = arith.constant 0 : i32
      %ne3A_368 = arith.cmpi ne, %rem3A_366, %ne3A_367 : i32
      %and3A_369 = arith.andi %ne3A_365, %ne3A_368 : i1
      %sub3A_370 = arith.constant 1 : i32
      %sub3A_371 = arith.subi %div3A_350, %sub3A_370 : i32
      %select_n3A_372 = arith.select %and3A_369, %sub3A_371, %div3A_350 : i32
      %mul3A_373 = arith.constant 128 : i32
      %mul3A_374 = arith.muli %mul3A_373, %select_n3A_372 : i32
      %add3A_375 = arith.addi %mul3A_348, %mul3A_374 : i32
      %jit3A_376 = arith.constant 2 : i32
      %eq3A_377 = arith.constant 0 : i32
      %eq3A_378 = arith.cmpi eq, %jit3A_376, %eq3A_377 : i32
      %jit3A_379 = arith.constant 1 : i32
      %select_n3A_380 = arith.select %eq3A_378, %jit3A_379, %jit3A_376 : i32
      %rem3A_381 = arith.remsi %add3A_326, %select_n3A_380 : i32
      %ne3A_382 = arith.constant 0 : i32
      %ne3A_383 = arith.cmpi ne, %rem3A_381, %ne3A_382 : i32
      %lt3A_384 = arith.constant 0 : i32
      %lt3A_385 = arith.cmpi slt, %rem3A_381, %lt3A_384 : i32
      %lt3A_386 = arith.constant 0 : i32
      %lt3A_387 = arith.cmpi slt, %select_n3A_380, %lt3A_386 : i32
      %ne3A_388 = arith.xori %lt3A_385, %lt3A_387 : i1
      %and3A_389 = arith.andi %ne3A_388, %ne3A_383 : i1
      %add3A_390 = arith.addi %rem3A_381, %select_n3A_380 : i32
      %select_n3A_391 = arith.select %and3A_389, %add3A_390, %rem3A_381 : i32
      %mul3A_392 = arith.constant 64 : i32
      %mul3A_393 = arith.muli %mul3A_392, %select_n3A_391 : i32
      %dma_start3A_394 = tpu.memref_slice %arg4[%add3A_375, %mul3A_393] : memref<81920x128xf32, #tpu.memory_space<hbm>> -> memref<128x64xf32, #tpu.memory_space<hbm>>
      %dma_start3A_395 = tpu.memref_slice %arg4[%add3A_375, %mul3A_393] : memref<81920x128xf32, #tpu.memory_space<hbm>> -> memref<128x64xf32, #tpu.memory_space<hbm>>
      tpu.enqueue_dma source(%arg10 : memref<128x64xf32, #tpu.memory_space<vmem>>) target(%dma_start3A_395 : memref<128x64xf32, #tpu.memory_space<hbm>>) target_semaphore(%arg20 : memref<!tpu.dma_semaphore, #tpu.memory_space<semaphore_mem>>)
    }
    %scan3A_23 = arith.constant 8 : i32
    %mul3A_24 = arith.constant 20 : i32
    %mul3A_25 = arith.muli %mul3A_24, %add3A : i32
    %mul3A_26 = arith.constant 128 : i32
    %mul3A_27 = arith.muli %mul3A_26, %mul3A_25 : i32
    %add3A_28 = arith.constant 2432 : i32
    %add3A_29 = arith.addi %mul3A_27, %add3A_28 : i32
    %dma_wait3A = arith.constant 0 : i32
    %dma_wait3A_30 = tpu.memref_slice %arg4[%add3A_29, %dma_wait3A] : memref<81920x128xf32, #tpu.memory_space<hbm>> -> memref<128x64xf32, #tpu.memory_space<hbm>>
    %dma_wait3A_31 = arith.constant 0 : i32
    %dma_wait3A_32 = tpu.memref_slice %arg4[%add3A_29, %dma_wait3A_31] : memref<81920x128xf32, #tpu.memory_space<hbm>> -> memref<128x64xf32, #tpu.memory_space<hbm>>
    tpu.wait_dma2 semaphore(%arg19 : memref<!tpu.dma_semaphore, #tpu.memory_space<semaphore_mem>>) src(%arg9 : memref<128x64xf32, #tpu.memory_space<vmem>>) dst(%dma_wait3A_32 : memref<128x64xf32, #tpu.memory_space<hbm>>)
    %mul3A_33 = arith.constant 20 : i32
    %mul3A_34 = arith.muli %mul3A_33, %add3A : i32
    %mul3A_35 = arith.constant 128 : i32
    %mul3A_36 = arith.muli %mul3A_35, %mul3A_34 : i32
    %add3A_37 = arith.constant 2432 : i32
    %add3A_38 = arith.addi %mul3A_36, %add3A_37 : i32
    %dma_wait3A_39 = arith.constant 64 : i32
    %dma_wait3A_40 = tpu.memref_slice %arg4[%add3A_38, %dma_wait3A_39] : memref<81920x128xf32, #tpu.memory_space<hbm>> -> memref<128x64xf32, #tpu.memory_space<hbm>>
    %dma_wait3A_41 = arith.constant 64 : i32
    %dma_wait3A_42 = tpu.memref_slice %arg4[%add3A_38, %dma_wait3A_41] : memref<81920x128xf32, #tpu.memory_space<hbm>> -> memref<128x64xf32, #tpu.memory_space<hbm>>
    tpu.wait_dma2 semaphore(%arg20 : memref<!tpu.dma_semaphore, #tpu.memory_space<semaphore_mem>>) src(%arg10 : memref<128x64xf32, #tpu.memory_space<vmem>>) dst(%dma_wait3A_42 : memref<128x64xf32, #tpu.memory_space<hbm>>)
    return
  }
}

module attributes {stable_mosaic.version = 14 : i64} {
  func.func @body(%arg0: i32, %arg1: memref<64x1024xf32, #tpu.memory_space<vmem>>, %arg2: memref<64x1024xf32, #tpu.memory_space<vmem>>, %arg3: memref<1024x128xf32, #tpu.memory_space<vmem>>) attributes {dimension_semantics = [#tpu.dimension_semantics<arbitrary>], iteration_bounds = array<i64: 49>, scalar_prefetch = 0 : i64, scratch_operands = 0 : i64, tpu.core_type = #tpu.core_type<tc>, window_params = [{transform_indices = @transform_0, window_bounds = array<i64: 64, 1024>}, {transform_indices = @transform_1, window_bounds = array<i64: 64, 1024>}, {transform_indices = @transform_2, window_bounds = array<i64: 1024, 128>}]} {
    %get3A = arith.constant 0 : index
    %get3A_0 = arith.constant 0 : index
    %get3A_1 = vector.load %arg1[%get3A, %get3A_0] : memref<64x1024xf32, #tpu.memory_space<vmem>>, vector<64x1024xf32>
    %transpose3A = tpu.transpose %get3A_1, [1, 0] : vector<64x1024xf32> -> vector<1024x64xf32>
    %get3A_2 = arith.constant 0 : index
    %get3A_3 = arith.constant 0 : index
    %get3A_4 = vector.load %arg2[%get3A_2, %get3A_3] : memref<64x1024xf32, #tpu.memory_space<vmem>>, vector<64x1024xf32>
    %transpose3A_5 = tpu.transpose %get3A_4, [1, 0] : vector<64x1024xf32> -> vector<1024x64xf32>
    %concatenate3A = tpu.concatenate %transpose3A, %transpose3A_5 in 1 : vector<1024x64xf32>, vector<1024x64xf32> -> vector<1024x128xf32>
    %swap3A = arith.constant 0 : index
    %swap3A_6 = arith.constant 0 : index
    %swap3A_7 = vector.load %arg3[%swap3A, %swap3A_6] : memref<1024x128xf32, #tpu.memory_space<vmem>>, vector<1024x128xf32>
    tpu.vector_store %arg3[%swap3A, %swap3A_6], %concatenate3A {strides = array<i32>} : memref<1024x128xf32, #tpu.memory_space<vmem>>, vector<1024x128xf32>,
    return
  }
  func.func @transform_0(%arg0: i32) -> (i32, i32) {
    %mul3A = arith.constant 2 : i32
    %mul3A_0 = arith.muli %mul3A, %arg0 : i32
    %c0_i32 = arith.constant 0 : i32
    %c0_i32_1 = arith.constant 0 : i32
    return %c0_i32, %mul3A_0 : i32, i32
  }
  func.func @transform_1(%arg0: i32) -> (i32, i32) {
    %mul3A = arith.constant 2 : i32
    %mul3A_0 = arith.muli %mul3A, %arg0 : i32
    %add3A = arith.constant 1 : i32
    %add3A_1 = arith.addi %mul3A_0, %add3A : i32
    %c0_i32 = arith.constant 0 : i32
    %c0_i32_2 = arith.constant 0 : i32
    return %c0_i32, %add3A_1 : i32, i32
  }
  func.func @transform_2(%arg0: i32) -> (i32, i32) {
    %c0_i32 = arith.constant 0 : i32
    %c0_i32_0 = arith.constant 0 : i32
    return %arg0, %c0_i32 : i32, i32
  }
}

module attributes {stable_mosaic.version = 14 : i64} {
  func.func @body(%arg0: i32, %arg1: memref<8192x128xf32, #tpu.memory_space<vmem>>, %arg2: memref<1x4x64xf32, #tpu.memory_space<vmem>>, %arg3: memref<4x64x4096xf32, #tpu.memory_space<vmem>>) attributes {dimension_semantics = [#tpu.dimension_semantics<arbitrary>], iteration_bounds = array<i64: 10>, scalar_prefetch = 0 : i64, scratch_operands = 0 : i64, tpu.core_type = #tpu.core_type<tc>, window_params = [{transform_indices = @transform_0, window_bounds = array<i64: 8192, 128>}, {transform_indices = @transform_1, window_bounds = array<i64: 1, 4, 64>}, {transform_indices = @transform_2, window_bounds = array<i64: 4, 64, 4096>}]} {
    %get3A = arith.constant 0 : index
    %get3A_0 = arith.constant 0 : index
    %get3A_1 = vector.load %arg1[%get3A, %get3A_0] : memref<8192x128xf32, #tpu.memory_space<vmem>>, vector<8192x128xf32>
    %slice3A = vector.extract_strided_slice %get3A_1 {offsets = [0, 0], sizes = [8192, 64], strides = [1, 1]} : vector<8192x128xf32> to vector<8192x64xf32>
    %reshape3A = vector.shape_cast %slice3A : vector<8192x64xf32> to vector<64x128x64xf32>
    %slice3A_2 = vector.extract_strided_slice %get3A_1 {offsets = [0, 64], sizes = [8192, 64], strides = [1, 1]} : vector<8192x128xf32> to vector<8192x64xf32>
    %reshape3A_3 = vector.shape_cast %slice3A_2 : vector<8192x64xf32> to vector<64x128x64xf32>
    %concatenate3A = tpu.concatenate %reshape3A, %reshape3A_3 in 1 : vector<64x128x64xf32>, vector<64x128x64xf32> -> vector<64x256x64xf32>
    %reshape3A_4 = vector.shape_cast %concatenate3A : vector<64x256x64xf32> to vector<4x4096x64xf32>
    %transpose3A = tpu.transpose %reshape3A_4, [0, 2, 1] : vector<4x4096x64xf32> -> vector<4x64x4096xf32>
    %get3A_5 = arith.constant 0 : index
    %get3A_6 = arith.constant 0 : index
    %get3A_7 = arith.constant 0 : index
    %get3A_8 = vector.load %arg2[%get3A_5, %get3A_6, %get3A_7] : memref<1x4x64xf32, #tpu.memory_space<vmem>>, vector<1x4x64xf32>
    %get3A_9 = vector.shape_cast %get3A_8 : vector<1x4x64xf32> to vector<4x64xf32>
    %broadcast_in_dim3A = vector.shape_cast %get3A_9 : vector<4x64xf32> to vector<4x64x1xf32>
    %add3A = vector.broadcast %broadcast_in_dim3A : vector<4x64x1xf32> to vector<4x64x4096xf32>
    %add3A_10 = arith.addf %transpose3A, %add3A : vector<4x64x4096xf32>
    %swap3A = arith.constant 0 : index
    %swap3A_11 = arith.constant 0 : index
    %swap3A_12 = arith.constant 0 : index
    %swap3A_13 = vector.load %arg3[%swap3A, %swap3A_11, %swap3A_12] : memref<4x64x4096xf32, #tpu.memory_space<vmem>>, vector<4x64x4096xf32>
    tpu.vector_store %arg3[%swap3A, %swap3A_11, %swap3A_12], %add3A_10 {strides = array<i32>} : memref<4x64x4096xf32, #tpu.memory_space<vmem>>, vector<4x64x4096xf32>,
    return
  }
  func.func @transform_0(%arg0: i32) -> (i32, i32) {
    %c0_i32 = arith.constant 0 : i32
    %c0_i32_0 = arith.constant 0 : i32
    return %arg0, %c0_i32 : i32, i32
  }
  func.func @transform_1(%arg0: i32) -> (i32, i32, i32) {
    %add3A = arith.constant 0 : i32
    %add3A_0 = arith.addi %add3A, %arg0 : i32
    %c0_i32 = arith.constant 0 : i32
    %c0_i32_1 = arith.constant 0 : i32
    %c0_i32_2 = arith.constant 0 : i32
    return %add3A_0, %c0_i32, %c0_i32_1 : i32, i32, i32
  }
  func.func @transform_2(%arg0: i32) -> (i32, i32, i32) {
    %add3A = arith.constant 0 : i32
    %add3A_0 = arith.addi %add3A, %arg0 : i32
    %c0_i32 = arith.constant 0 : i32
    %c0_i32_1 = arith.constant 0 : i32
    %c0_i32_2 = arith.constant 0 : i32
    return %add3A_0, %c0_i32, %c0_i32_1 : i32, i32, i32
  }
}

module attributes {stable_mosaic.version = 14 : i64} {
  func.func @body(%arg0: i32, %arg1: memref<200x64x4096xf32, #tpu.memory_space<any>>, %arg2: memref<8192x128xf32, #tpu.memory_space<vmem>>, %arg3: memref<1x4x64xf32, #tpu.memory_space<vmem>>, %arg4: memref<4x64x4096xf32, #tpu.memory_space<vmem>>) attributes {dimension_semantics = [#tpu.dimension_semantics<arbitrary>], iteration_bounds = array<i64: 15>, scalar_prefetch = 0 : i64, scratch_operands = 0 : i64, tpu.core_type = #tpu.core_type<tc>, window_params = [{}, {transform_indices = @transform_1, window_bounds = array<i64: 8192, 128>}, {transform_indices = @transform_2, window_bounds = array<i64: 1, 4, 64>}, {transform_indices = @transform_3, window_bounds = array<i64: 4, 64, 4096>}]} {
    %get3A = arith.constant 0 : index
    %get3A_0 = arith.constant 0 : index
    %get3A_1 = vector.load %arg2[%get3A, %get3A_0] : memref<8192x128xf32, #tpu.memory_space<vmem>>, vector<8192x128xf32>
    %slice3A = vector.extract_strided_slice %get3A_1 {offsets = [0, 0], sizes = [8192, 64], strides = [1, 1]} : vector<8192x128xf32> to vector<8192x64xf32>
    %reshape3A = vector.shape_cast %slice3A : vector<8192x64xf32> to vector<64x128x64xf32>
    %slice3A_2 = vector.extract_strided_slice %get3A_1 {offsets = [0, 64], sizes = [8192, 64], strides = [1, 1]} : vector<8192x128xf32> to vector<8192x64xf32>
    %reshape3A_3 = vector.shape_cast %slice3A_2 : vector<8192x64xf32> to vector<64x128x64xf32>
    %concatenate3A = tpu.concatenate %reshape3A, %reshape3A_3 in 1 : vector<64x128x64xf32>, vector<64x128x64xf32> -> vector<64x256x64xf32>
    %reshape3A_4 = vector.shape_cast %concatenate3A : vector<64x256x64xf32> to vector<4x4096x64xf32>
    %transpose3A = tpu.transpose %reshape3A_4, [0, 2, 1] : vector<4x4096x64xf32> -> vector<4x64x4096xf32>
    %get3A_5 = arith.constant 0 : index
    %get3A_6 = arith.constant 0 : index
    %get3A_7 = arith.constant 0 : index
    %get3A_8 = vector.load %arg3[%get3A_5, %get3A_6, %get3A_7] : memref<1x4x64xf32, #tpu.memory_space<vmem>>, vector<1x4x64xf32>
    %get3A_9 = vector.shape_cast %get3A_8 : vector<1x4x64xf32> to vector<4x64xf32>
    %broadcast_in_dim3A = vector.shape_cast %get3A_9 : vector<4x64xf32> to vector<4x64x1xf32>
    %add3A = vector.broadcast %broadcast_in_dim3A : vector<4x64x1xf32> to vector<4x64x4096xf32>
    %add3A_10 = arith.addf %transpose3A, %add3A : vector<4x64x4096xf32>
    %swap3A = arith.constant 0 : index
    %swap3A_11 = arith.constant 0 : index
    %swap3A_12 = arith.constant 0 : index
    %swap3A_13 = vector.load %arg4[%swap3A, %swap3A_11, %swap3A_12] : memref<4x64x4096xf32, #tpu.memory_space<vmem>>, vector<4x64x4096xf32>
    tpu.vector_store %arg4[%swap3A, %swap3A_11, %swap3A_12], %add3A_10 {strides = array<i32>} : memref<4x64x4096xf32, #tpu.memory_space<vmem>>, vector<4x64x4096xf32>,
    return
  }
  func.func @transform_1(%arg0: i32) -> (i32, i32) {
    %c0_i32 = arith.constant 0 : i32
    %c0_i32_0 = arith.constant 0 : i32
    return %arg0, %c0_i32 : i32, i32
  }
  func.func @transform_2(%arg0: i32) -> (i32, i32, i32) {
    %add3A = arith.constant 10 : i32
    %add3A_0 = arith.addi %add3A, %arg0 : i32
    %c0_i32 = arith.constant 0 : i32
    %c0_i32_1 = arith.constant 0 : i32
    %c0_i32_2 = arith.constant 0 : i32
    return %add3A_0, %c0_i32, %c0_i32_1 : i32, i32, i32
  }
  func.func @transform_3(%arg0: i32) -> (i32, i32, i32) {
    %add3A = arith.constant 10 : i32
    %add3A_0 = arith.addi %add3A, %arg0 : i32
    %c0_i32 = arith.constant 0 : i32
    %c0_i32_1 = arith.constant 0 : i32
    %c0_i32_2 = arith.constant 0 : i32
    return %add3A_0, %c0_i32, %c0_i32_1 : i32, i32, i32
  }
}

module attributes {stable_mosaic.version = 14 : i64} {
  func.func @body(%arg0: i32, %arg1: memref<200x64x4096xf32, #tpu.memory_space<any>>, %arg2: memref<8192x128xf32, #tpu.memory_space<vmem>>, %arg3: memref<1x4x64xf32, #tpu.memory_space<vmem>>, %arg4: memref<4x64x4096xf32, #tpu.memory_space<vmem>>) attributes {dimension_semantics = [#tpu.dimension_semantics<arbitrary>], iteration_bounds = array<i64: 25>, scalar_prefetch = 0 : i64, scratch_operands = 0 : i64, tpu.core_type = #tpu.core_type<tc>, window_params = [{}, {transform_indices = @transform_1, window_bounds = array<i64: 8192, 128>}, {transform_indices = @transform_2, window_bounds = array<i64: 1, 4, 64>}, {transform_indices = @transform_3, window_bounds = array<i64: 4, 64, 4096>}]} {
    %get3A = arith.constant 0 : index
    %get3A_0 = arith.constant 0 : index
    %get3A_1 = vector.load %arg2[%get3A, %get3A_0] : memref<8192x128xf32, #tpu.memory_space<vmem>>, vector<8192x128xf32>
    %slice3A = vector.extract_strided_slice %get3A_1 {offsets = [0, 0], sizes = [8192, 64], strides = [1, 1]} : vector<8192x128xf32> to vector<8192x64xf32>
    %reshape3A = vector.shape_cast %slice3A : vector<8192x64xf32> to vector<64x128x64xf32>
    %slice3A_2 = vector.extract_strided_slice %get3A_1 {offsets = [0, 64], sizes = [8192, 64], strides = [1, 1]} : vector<8192x128xf32> to vector<8192x64xf32>
    %reshape3A_3 = vector.shape_cast %slice3A_2 : vector<8192x64xf32> to vector<64x128x64xf32>
    %concatenate3A = tpu.concatenate %reshape3A, %reshape3A_3 in 1 : vector<64x128x64xf32>, vector<64x128x64xf32> -> vector<64x256x64xf32>
    %reshape3A_4 = vector.shape_cast %concatenate3A : vector<64x256x64xf32> to vector<4x4096x64xf32>
    %transpose3A = tpu.transpose %reshape3A_4, [0, 2, 1] : vector<4x4096x64xf32> -> vector<4x64x4096xf32>
    %get3A_5 = arith.constant 0 : index
    %get3A_6 = arith.constant 0 : index
    %get3A_7 = arith.constant 0 : index
    %get3A_8 = vector.load %arg3[%get3A_5, %get3A_6, %get3A_7] : memref<1x4x64xf32, #tpu.memory_space<vmem>>, vector<1x4x64xf32>
    %get3A_9 = vector.shape_cast %get3A_8 : vector<1x4x64xf32> to vector<4x64xf32>
    %broadcast_in_dim3A = vector.shape_cast %get3A_9 : vector<4x64xf32> to vector<4x64x1xf32>
    %add3A = vector.broadcast %broadcast_in_dim3A : vector<4x64x1xf32> to vector<4x64x4096xf32>
    %add3A_10 = arith.addf %transpose3A, %add3A : vector<4x64x4096xf32>
    %swap3A = arith.constant 0 : index
    %swap3A_11 = arith.constant 0 : index
    %swap3A_12 = arith.constant 0 : index
    %swap3A_13 = vector.load %arg4[%swap3A, %swap3A_11, %swap3A_12] : memref<4x64x4096xf32, #tpu.memory_space<vmem>>, vector<4x64x4096xf32>
    tpu.vector_store %arg4[%swap3A, %swap3A_11, %swap3A_12], %add3A_10 {strides = array<i32>} : memref<4x64x4096xf32, #tpu.memory_space<vmem>>, vector<4x64x4096xf32>,
    return
  }
  func.func @transform_1(%arg0: i32) -> (i32, i32) {
    %c0_i32 = arith.constant 0 : i32
    %c0_i32_0 = arith.constant 0 : i32
    return %arg0, %c0_i32 : i32, i32
  }
  func.func @transform_2(%arg0: i32) -> (i32, i32, i32) {
    %add3A = arith.constant 25 : i32
    %add3A_0 = arith.addi %add3A, %arg0 : i32
    %c0_i32 = arith.constant 0 : i32
    %c0_i32_1 = arith.constant 0 : i32
    %c0_i32_2 = arith.constant 0 : i32
    return %add3A_0, %c0_i32, %c0_i32_1 : i32, i32, i32
  }
  func.func @transform_3(%arg0: i32) -> (i32, i32, i32) {
    %add3A = arith.constant 25 : i32
    %add3A_0 = arith.addi %add3A, %arg0 : i32
    %c0_i32 = arith.constant 0 : i32
    %c0_i32_1 = arith.constant 0 : i32
    %c0_i32_2 = arith.constant 0 : i32
    return %add3A_0, %c0_i32, %c0_i32_1 : i32, i32, i32
  }
}

</mosaic_0001>

<sc_bundles>
// kernel: kernel.12.cloned.1.call-start
scs
__scs_entry_jumppad:
0x0: {  	(pc) =	sbr.rel $0x88, $3  }
0x1: {  	(tag) =	ssettag $0x0;
	lr =	simm.s32 $0x1  }
0x2: {  	[smem:$0x3F9E] =	sst lr;
	_ =	strace $0xD0000000  }
0x3: {  	_ = 	snop  }
0x4: {  	_ = 	snop  }
0x5: {  	_ = 	snop  }
0x6: {  	_ = 	snop  }
0x7: {  	_ = 	snop  }
__scs_overlays_trampoline_lowered:
0x8: {  	[smem:$0x3FAD] =	sst s0  }
0x9: {  	[smem:$0x3FAE] =	sst s1  }
0xa: {  	[smem:$0x3FAF] =	sst s2  }
0xb: {  	[smem:$0x3FB0] =	sst s3  }
0xc: {  	[smem:$0x3FB1] =	sst s4  }
0xd: {  	[smem:$0x3FB2] =	sst s5  }
0xe: {  	[smem:$0x3FB3] =	sst s6  }
0xf: {  	[smem:$0x3FB4] =	sst s7  }
0x10: {  	[smem:$0x3FB5] =	sst s8  }
0x11: {  	[smem:$0x3FB6] =	sst s9;
	s0 =	simm.s32 @!p0 $0x0  }
0x12: {  	s1 =	sld [smem:$0x3F9C];
	s0 =	simm.s32 @p0 $0x1  }
0x13: {  	[smem:$0x3FB7] =	sst s0;
	s0 =	simm.s32 @!p1 $0x0  }
0x14: {  	s2 =	sld [smem:$0x3F9B];
	s0 =	simm.s32 @p1 $0x1  }
0x15: {  	[smem:$0x3FB8] =	sst s0;
	s0 =	simm.s32 @!p2 $0x0  }
0x16: {  	s3 =	sld [smem:$0x3FDB];
	s0 =	simm.s32 @p2 $0x1  }
0x17: {  	s4 =	simm.s32 $0x1BF5;
	[smem:$0x3FBA] =	sst s0  }
0x18: {  	s0 =	sld [smem:$0x3F9D];
	_ =	swait.ge [sflag:s4], $0x0  }
0x19: {  	s7 =	sld [smem:$0x3F9E]  }
0x1a: {  	s8 =	sadd.s32 $0xFFFFE003, lr  }
0x1b: {  	s9 =	sadd.s32 $0xFFFFFEF7, lr;
	s5 =	simm.s32 $0xFFFFFFFF;
	p2 =	slt.u32 s8, $0xFFFFF086  }
0x1c: {  	p1 =	slt.u32 s9, $0xF7A;
	s5 =	simm.s32 @!p2 $0x0  }
0x1d: {  	s5 =	simm.s32 @p1 $0x1;
	p0 =	seq.s32 s7, s2  }
0x1e: {  	s7 =	smul.u32 @!p0 $0xF7A, s2;
	p2 =	seq.s32 @!p0 s5, $0x0  }
0x1f: {  	s9 =	smul.u32 $0xF7A, s1;
	s8 =	simm.s32 @!p0 $0x1BF5;
	p2 =	por !p2, p0  }
0x20: {  	[sflag:s8] =	ssyncset.s32 @!p0 $0xFFFFF086;
	s6 =	sadd.s32 @!p0 s3, s7;
	s7 =	simm.s32 @!p0 $0x108  }
0x21: {  	s3 =	sadd.s32 s3, s9;
	s6 =	sadd.s32 @!p0 $0x88, s6;
	s7 =	simm.s32 @p2 $0x1082  }
0x22: {  	[simem:s7], [sflag:s8] =	dma.local @!p0 [hbm:s6], $0xF7A  }
0x23: {  	s9 =	sor.u32 $0xD0000000, s2;
	s6 =	simm.s32 $0x108;
	_ =	swait.ge @!p0 [sflag:s8], $0x0  }
0x24: {  	s3 =	sadd.s32 $0x88, s3;
	s6 =	simm.s32 @!p1 $0x1082;
	[sflag:s4] =	ssyncset.s32 $0xFFFFF086  }
0x25: {  	[simem:s6], [sflag:s4] =	dma.local [hbm:s3], $0xF7A  }
0x26: {  	[smem:$0x3F9E] =	sst s1;
	(tag) =	ssettag s2;
	_ =	strace s9  }
0x27: {  	s1 =	sld [smem:$0x3FAE]  }
0x28: {  	s2 =	sld [smem:$0x3FAF]  }
0x29: {  	s4 =	sld [smem:$0x3FB1]  }
0x2a: {  	p0 =	seq.s32 s5, $0x0;
	s5 =	sld [smem:$0x3FB2]  }
0x2b: {  	s6 =	sld [smem:$0x3FB3]  }
0x2c: {  	s7 =	sld [smem:$0x3FB4]  }
0x2d: {  	s3 =	simm.s32 $0x108;
	s8 =	sld [smem:$0x3FB5]  }
0x2e: {  	s3 =	simm.s32 @!p0 $0x1082;
	s9 =	sld [smem:$0x3FB6]  }
0x2f: {  	lr =	sadd.s32 s0, s3;
	s0 =	sld [smem:$0x3FAD]  }
0x30: {  	s3 =	sld [smem:$0x3FB0]  }
0x31: {  	[smem:$0x3FB9] =	sst s10  }
0x32: {  	s10 =	sld [smem:$0x3FB7];
	_ =	sdelay $0x3  }
0x33: {  	p0 =	seq.s32 s10, $0x1;
	s10 =	sld [smem:$0x3FB9];
	_ =	sdelay $0x3  }
0x34: {  	[smem:$0x3FB9] =	sst s10  }
0x35: {  	s10 =	sld [smem:$0x3FB8];
	_ =	sdelay $0x3  }
0x36: {  	p1 =	seq.s32 s10, $0x1;
	s10 =	sld [smem:$0x3FB9];
	_ =	sdelay $0x3  }
0x37: {  	[smem:$0x3FB9] =	sst s10  }
0x38: {  	s10 =	sld [smem:$0x3FBA]  }
0x39: {  	_ = 	snop;
	(pc) =	sbr.ind lr, $3  }
0x3a: {  	_ = 	snop  }
0x3b: {  	_ = 	snop  }
0x3c: {  	p2 =	seq.s32 s10, $0x1;
	s10 =	sld [smem:$0x3FB9]  }
0x3d: {  	_ =	shalt  }
0x3e: {  	_ =	shalt  }
0x3f: {  	_ =	shalt  }
0x40: {  	_ =	shalt  }
0x41: {  	_ =	shalt  }
0x42: {  	_ =	shalt  }
0x43: {  	_ =	shalt  }
0x44: {  	_ =	shalt  }
0x45: {  	_ =	shalt  }
0x46: {  	_ =	shalt  }
0x47: {  	_ =	shalt  }
0x48: {  	_ =	shalt  }
0x49: {  	_ =	shalt  }
0x4a: {  	_ =	shalt  }
0x4b: {  	_ =	shalt  }
0x4c: {  	_ =	shalt  }
0x4d: {  	_ =	shalt  }
0x4e: {  	_ =	shalt  }
0x4f: {  	_ =	shalt  }
0x50: {  	_ =	shalt  }
0x51: {  	_ =	shalt  }
0x52: {  	_ =	shalt  }
0x53: {  	_ =	shalt  }
0x54: {  	_ =	shalt  }
0x55: {  	_ =	shalt  }
0x56: {  	_ =	shalt  }
0x57: {  	_ =	shalt  }
0x58: {  	_ =	shalt  }
0x59: {  	_ =	shalt  }
0x5a: {  	_ =	shalt  }
0x5b: {  	_ =	shalt  }
0x5c: {  	_ =	shalt  }
0x5d: {  	_ =	shalt  }
0x5e: {  	_ =	shalt  }
0x5f: {  	_ =	shalt  }
0x60: {  	_ =	shalt  }
0x61: {  	_ =	shalt  }
0x62: {  	_ =	shalt  }
0x63: {  	_ =	shalt  }
0x64: {  	_ =	shalt  }
0x65: {  	_ =	shalt  }
0x66: {  	_ =	shalt  }
0x67: {  	_ =	shalt  }
0x68: {  	_ =	shalt  }
0x69: {  	_ =	shalt  }
0x6a: {  	_ =	shalt  }
0x6b: {  	_ =	shalt  }
0x6c: {  	_ =	shalt  }
0x6d: {  	_ =	shalt  }
0x6e: {  	_ =	shalt  }
0x6f: {  	_ =	shalt  }
0x70: {  	_ =	shalt  }
0x71: {  	_ =	shalt  }
0x72: {  	_ =	shalt  }
0x73: {  	_ =	shalt  }
0x74: {  	_ =	shalt  }
0x75: {  	_ =	shalt  }
0x76: {  	_ =	shalt  }
0x77: {  	_ =	shalt  }
0x78: {  	_ =	shalt  }
0x79: {  	_ =	shalt  }
0x7a: {  	_ =	shalt  }
0x7b: {  	_ =	shalt  }
0x7c: {  	_ =	shalt  }
0x7d: {  	_ =	shalt  }
0x7e: {  	_ =	shalt  }
0x7f: {  	_ =	shalt  }
0x80: {  	_ =	shalt  }
0x81: {  	_ =	shalt  }
0x82: {  	_ =	shalt  }
0x83: {  	_ =	shalt  }
0x84: {  	_ =	shalt  }
0x85: {  	_ =	shalt  }
0x86: {  	_ =	shalt  }
0x87: {  	_ =	shalt  }
.Lfunc_end0:
.L_simem_size_0:
called_computation.1_lowered:
.L_overlay_start_0:
0x88: {  	s2 =	sld [smem:$0x3FD9]  }
0x89: {  	s3 =	sld [smem:$0x3FFE];
	_ =	sdelay $0x1  }
0x8a: {  	s1 =	srdreg.scid  }
0x8b: {  	s0 =	sand.u32 $0x1, s1  }
0x8c: {  	s17 =	sshll.u32 s0, $0xA;
	s2 =	sadd.s32 s3, s2  }
0x8d: {  	s2 =	sadd.s32 s2, s17  }
0x8e: {  	[smem:$0x3FC5] =	sst s2  }
0x8f: {  	_ = 	snop  }
0x90: {  	(tm) =	ssettm $0x1  }
0x91: {  	s18 =	sld [smem:$0x3FFB];
	_ =	sdelay $0x3  }
0x92: {  	_ =	strace s18  }
0x93: {  	s2 =	sld [smem:$0x3FFC];
	_ =	sdelay $0x3  }
0x94: {  	_ =	strace s2  }
0x95: {  	s2 =	sld [smem:$0x3FFD];
	_ =	sdelay $0x3  }
0x96: {  	_ =	strace s2  }
0x97: {  	_ =	strace $0x8FFFFFFF  }
0x98: {  	s19 =	sld [smem:$0x3FDB];
	_ =	sdelay $0x1  }
0x99: {  	s20 =	simm.s32 $_scs_section_size  }
0x9a: {  	s4 =	simm.s32 $_size__tile_overlayer_lowered;
	s5 =	simm.s32 $_tile_overlayer_lowered  }
0x9b: {  	s6 =	simm.s32 $0x1BFF;
	s21 =	sshll.u32 s5, $0x1;
	s3 =	sadd.s32 s20, s19  }
0x9c: {  	s22 =	simm.s32 $0x0;
	s4 =	sshll.u32 s4, $0x1;
	s5 =	sadd.s32 s21, s3  }
0x9d: {  	[timem:s22], [sflag:s6] =	dma.local [hbm:s5], s4  }
0x9e: {  	_ =	swait.ge [sflag:s6], s4  }
0x9f: {  	s4 =	ssub.s32 $0x0, s4;
	[sflag:s6] =	ssyncset.done $0x0  }
0xa0: {  	[sflag:s6] =	ssyncadd.s32 s4;
	_ =	sdelay $0x1  }
0xa1: {  	s23 =	simm.s32 $0x1B8B  }
0xa2: {  	_ =	swait.ge [sflag:s23], $0x1  }
0xa3: {  	[sflag:s23] =	ssyncset.done $0x0  }
0xa4: {  	[sflag:s23] =	ssyncadd.s32 $0xFFFFFFFF  }
0xa5: {  	s4 =	sld [smem:$0x0]  }
0xa6: {  	s5 =	sand.u32 $0xFFFFFFFE, s1  }
0xa7: {  	p0 =	sne.s32 s1, s5  }
0xa8: {  	s5 =	sshll.u32 @p0 s5, $0xE  }
0xa9: {  	s5 =	sadd.s32 @p0 $0x11B8D, s5;
	s6 =	sshll.u32 @p0 s4, $0x11  }
0xaa: {  	s5 =	sor.u32 @p0 s6, s5  }
0xab: {  	[sflag:s5] =	ssyncadd.remote.s32 @p0 $0x1;
	_ =	sdelay $0x1  }
0xac: {  	s5 =	simm.s32 @p0 $0x1B8D  }
0xad: {  	_ =	swait.eq @p0 [sflag:s5], $0x1  }
0xae: {  	[sflag:s5] =	ssyncadd.s32 @p0 $0xFFFFFFFF  }
0xaf: {  	s6 =	sshll.u32 @!p0 s1, $0xE  }
0xb0: {  	s6 =	sor.u32 @!p0 $0x4000, s6;
	s5 =	simm.s32 @!p0 $0x1B8D  }
0xb1: {  	s4 =	sshll.u32 @!p0 s4, $0x11;
	s6 =	sadd.s32 @!p0 $0x11B8D, s6;
	_ =	swait.eq @!p0 [sflag:s5], $0x1  }
0xb2: {  	s4 =	sor.u32 @!p0 s4, s6;
	[sflag:s5] =	ssyncadd.s32 @!p0 $0xFFFFFFFF  }
0xb3: {  	s25 =	simm.s32 $0x1B8E;
	s24 =	sld [smem:$0x3FFE];
	[sflag:s4] =	ssyncadd.remote.s32 @!p0 $0x1  }
0xb4: {  	s26 =	simm.s32 $execute0_lowered;
	[smem:$0x3FD2] =	sst s25  }
0xb5: {  	s5 =	sshll.u32 s26, $0x1;
	_ =	strace $0x80000049;
	[dreg:$0x1] =	wrdreg $0xFFFFFFFF  }
0xb6: {  	s28 =	simm.s32 $_size_execute0_lowered;
	s3 =	sadd.s32 s3, s5;
	[dreg:$0x0] =	wrdreg $0x0  }
0xb7: {  	s5 =	sshll.u32 s28, $0x1;
	[dreg:$0x2] =	wrdreg s3  }
0xb8: {  	[dreg:$0x3] =	wrdreg s5  }
0xb9: {  	[dreg:$0x4] =	wrdreg $0xC0  }
0xba: {  	_ =	task [dreg:s22], $0x5FFFF  }
0xbb: {  	[dreg:$0x1] =	wrdreg $0xFFFFFFFF  }
0xbc: {  	[dreg:$0x0] =	wrdreg $0x60  }
0xbd: {  	[dreg:$0x2] =	wrdreg s24  }
0xbe: {  	[dreg:$0x3] =	wrdreg $0xA  }
0xbf: {  	_ =	task.clear_ibuf [dreg:s22], $0x4FFFF;
	_ =	strace $0x90000049  }
0xc0: {  	s29 =	simm.s32 $0xA;
	_ =	strace $0x8000004B  }
0xc1: {  	_ =	swait.ge [sflag:s29], $0x1  }
0xc2: {  	[sflag:s29] =	ssyncadd.s32 $0xFFFFFFFF  }
0xc3: {  	_ =	strace $0x9000004B  }
0xc4: {  	_ =	sfence  }
0xc5: {  	s30 =	sld [smem:$0x0];
	_ =	sdelay $0x2  }
0xc6: {  	s31 =	sshll.u32 s1, $0xD;
	s1 =	sshrl.u32 s1, $0x2  }
0xc7: {  	s4 =	sand.u32 $0x4000, s31;
	s1 =	sadd.s32 s1, s30  }
0xc8: {  	s0 =	sor.u32 s4, s0;
	s1 =	sshll.u32 s1, $0x11  }
0xc9: {  	s0 =	sor.u32 s1, s0  }
0xca: {  	s0 =	sadd.s32 $0x8F2B, s0  }
0xcb: {  	[sflag:s0] =	ssyncadd.remote.s32 $0x1  }
0xcc: {  	_ =	sfence.sel $0xFFFF  }
0xcd: {  	[dreg:$0x0] =	wrdreg $0xFFFFFFFF;
	(pc) =	sbr.abs _section_cstart, $3  }
0xce: {  	[dreg:$0x1] =	wrdreg $0xFFFFFFFF  }
0xcf: {  	_ =	task.clear_ibuf [dreg:s22], $0x2FFFF;
	_ =	strace $0x9FFFFFFF  }
0xd0: {  	(tm) =	ssettm $0x7FFFFFFF  }
0xd1: {  	_ =	shalt  }
tec
execute0_lowered:
.L_overlay_start_1:
0x0: {  	(tag) =	ssettag $0x1  }
0x1: {  	s0 =	srdreg.scid;
	s2 =	stileid.u32  }
0x2: {  	s1 =	rddreg [dreg:$0x0];
	s31 =	simm.s32 $0x0;
	s9 =	simm.s32 $0x80  }
0x3: {  	s10 =	simm.s32 $0x1E00;
	s11 =	simm.s32 $0x3E00;
	s13 =	simm.s32 $0x5E00  }
0x4: {  	s14 =	simm.s32 $0x1;
	s15 =	simm.s32 $0x7E00;
	s16 =	simm.s32 $0x40  }
0x5: {  	s17 =	simm.s32 $0x2;
	s18 =	simm.s32 $0x9E00;
	s19 =	simm.s32 $0x3  }
0x6: {  	s20 =	simm.s32 $0x6;
	s0 =	sand.u32 $0x1, s0;
	s3 =	sshll.u32 s2, $0x1  }
0x7: {  	s21 =	simm.s32 $0x4;
	s22 =	simm.s32 $0x7;
	s5 =	sor.u32 s0, s3  }
0x8: {  	s23 =	simm.s32 $0x5;
	s0 =	ssub.s32 $0x2, s0;
	s4 =	smul.u32 $0x1E00, s5  }
0x9: {  	s24 =	simm.s32 $0x8;
	[smem:$0x7FF] =	sst s31;
	s7 =	sshrl.u32 s0, $0x1  }
0xa: {  	s3 =	sadd.s32 $0x1000, s1;
	s0 =	ssub.s32 s0, s7;
	s6 =	sshrl.u32 s4, $0x3  }
0xb: {  	s4 =	sadd.s32 $0x21E000, s1;
	s0 =	smax.u32 s0, $0x1;
	s1 =	sadd.s32 s1, s6  }
0xc: {  	_ =	strace $0x8000004A;
	[dreg:$0x3] =	wrdreg s0;
	s1 =	sadd.s32 $0xCA000, s1  }
0xd: {  	s28 =	simm.s32 $0x0;
	s6 =	smul.u32 $0x78000, s5;
	[dreg:$0x2] =	wrdreg s1  }
.LBB2_1:
0xe: {  	s2 =	simm.s32 $0x0;
	s0 =	rddreg [dreg:$0x2];
	s1 =	simm.s32 $0xB  }
0xf: {  	[tilespmem:s2], [sflag:$0xB] =	stream.linear.gather [hbm4b:s0+s2], $0x1E00, $0x38;
	[tilespmem:$0xBE00] =	vst v63  }
0x10: {  	_ =	swait.ge [sflag:s1], $0x1E00  }
0x11: {  	[sflag:s1] =	ssyncset.done $0x0  }
0x12: {  	[sflag:s1] =	ssyncadd.s32 $0xFFFFE200  }
0x13: {  	[tilespmem:s10], [sflag:$0x1] =	stream.indirect.gather [hbm4b:s3+s9], $0x40, s2, s9, $0xb8;
	[tilespmem:$0xBE00] =	vst v63  }
0x14: {  	_ = 	snop  }
0x15: {  	[tilespmem:s11], [sflag:$0x2] =	stream.indirect.gather [hbm4b:s3+s9], $0x40, s9, s9, $0xb8;
	[tilespmem:$0xBE00] =	vst v63  }
0x16: {  	s5 =	simm.s32 $0x100  }
0x17: {  	[tilespmem:s13], [sflag:$0x3] =	stream.indirect.gather [hbm4b:s3+s9], $0x40, s5, s9, $0xb8;
	[tilespmem:$0xBE00] =	vst v63  }
0x18: {  	_ =	swait.ge [sflag:s14], $0x2000  }
0x19: {  	p0 =	por $0x1, $0x1;
	s7 =	simm.s32 $0x0;
	[sflag:s14] =	ssyncset.done $0x0  }
0x1a: {  	s1 =	simm.s32 @!p0 $0x9;
	s5 =	sand.u32 $0xFC000, s7;
	[sflag:s14] =	ssyncadd.s32 $0xFFFFE000  }
0x1b: {  	s0 =	sand.u32 $0x40, s2;
	s5 =	sadd.s32 s6, s5;
	_ =	swait.ge @!p0 [sflag:s1], $0x2000  }
0x1c: {  	s5 =	sor.u32 s0, s5;
	[sflag:s1] =	ssyncset.done @!p0 $0x0  }
0x1d: {  	s12 =	simm.s32 $0x180;
	s8 =	sshrl.u32 s5, $0x3;
	[sflag:s1] =	ssyncadd.s32 @!p0 $0xFFFFE000  }
0x1e: {  	[tilespmem:s15], [sflag:$0x4] =	stream.indirect.gather [hbm4b:s3+s9], $0x40, s12, s9, $0xb8;
	[tilespmem:$0xBE00] =	vst v63  }
0x1f: {  	s1 =	sadd.s32 s4, s8  }
0x20: {  	[hbm4b:s1+s16] =	stream.strided.scatter [tilespmem:s10], [sflag:$0x6], $0x2000, s9, s16, $0x38;
	[tilespmem:$0xBE00] =	vst v63  }
0x21: {  	_ =	swait.ge [sflag:s17], $0x2000  }
0x22: {  	s25 =	simm.s32 $0x2000;
	s26 =	simm.s32 $0x40;
	[sflag:s17] =	ssyncset.done $0x0  }
0x23: {  	s5 =	sand.u32 $0x1FC000, s25;
	s1 =	simm.s32 @!p0 $0xA;
	[sflag:s17] =	ssyncadd.s32 $0xFFFFE000  }
0x24: {  	s5 =	sadd.s32 s6, s5;
	s12 =	sand.u32 $0x40, s26;
	_ =	swait.ge @!p0 [sflag:s1], $0x2000  }
0x25: {  	s5 =	sor.u32 s12, s5;
	[sflag:s1] =	ssyncset.done @!p0 $0x0  }
0x26: {  	s2 =	simm.s32 $0x200;
	s5 =	sshrl.u32 s5, $0x3;
	[sflag:s1] =	ssyncadd.s32 @!p0 $0xFFFFE000  }
0x27: {  	[tilespmem:s18], [sflag:$0x5] =	stream.indirect.gather [hbm4b:s3+s9], $0x40, s2, s9, $0xb8;
	[tilespmem:$0xBE00] =	vst v63  }
0x28: {  	s7 =	sadd.s32 s4, s5  }
0x29: {  	[hbm4b:s7+s16] =	stream.strided.scatter [tilespmem:s11], [sflag:$0x7], $0x2000, s9, s16, $0x38;
	[tilespmem:$0xBE00] =	vst v63  }
0x2a: {  	_ =	swait.ge [sflag:s19], $0x2000  }
0x2b: {  	s8 =	simm.s32 $0x4000;
	[sflag:s19] =	ssyncset.done $0x0  }
0x2c: {  	s1 =	sand.u32 $0x1FC000, s8;
	p0 =	por $0x0, $0x0;
	[sflag:s19] =	ssyncadd.s32 $0xFFFFE000  }
0x2d: {  	s1 =	sadd.s32 s6, s1;
	s5 =	simm.s32 @!p0 $0x280;
	_ =	swait.ge [sflag:s20], $0x2000  }
0x2e: {  	s12 =	simm.s32 @!p0 $0x1E00;
	s1 =	sor.u32 s0, s1;
	[sflag:s20] =	ssyncset.done $0x0  }
0x2f: {  	s29 =	simm.s32 @!p0 $0x80;
	s1 =	sshrl.u32 s1, $0x3;
	[sflag:s20] =	ssyncadd.s32 $0xFFFFE000  }
0x30: {  	[tilespmem:s12], [sflag:$0x1] =	stream.indirect.gather @!p0 [hbm4b:s3+s29], $0x40, s5, s29, $0xb8;
	[tilespmem:$0xBE00] =	vst v63  }
0x31: {  	s1 =	sadd.s32 s4, s1  }
0x32: {  	[hbm4b:s1+s16] =	stream.strided.scatter [tilespmem:s13], [sflag:$0x8], $0x2000, s9, s16, $0x38;
	[tilespmem:$0xBE00] =	vst v63  }
0x33: {  	_ =	swait.ge [sflag:s21], $0x2000  }
0x34: {  	s12 =	simm.s32 $0x6000;
	[sflag:s21] =	ssyncset.done $0x0  }
0x35: {  	s25 =	simm.s32 $0xC0;
	s1 =	sand.u32 $0x1FC000, s12;
	[sflag:s21] =	ssyncadd.s32 $0xFFFFE000  }
0x36: {  	s5 =	sand.u32 $0x40, s25;
	s1 =	sadd.s32 s6, s1;
	_ =	swait.ge [sflag:s22], $0x2000  }
0x37: {  	s12 =	simm.s32 @!p0 $0x300;
	s1 =	sor.u32 s5, s1;
	[sflag:s22] =	ssyncset.done $0x0  }
0x38: {  	s5 =	simm.s32 @!p0 $0x3E00;
	s1 =	sshrl.u32 s1, $0x3;
	[sflag:s22] =	ssyncadd.s32 $0xFFFFE000  }
0x39: {  	[tilespmem:s5], [sflag:$0x2] =	stream.indirect.gather @!p0 [hbm4b:s3+s29], $0x40, s12, s29, $0xb8;
	[tilespmem:$0xBE00] =	vst v63  }
0x3a: {  	s1 =	sadd.s32 s4, s1  }
0x3b: {  	[hbm4b:s1+s16] =	stream.strided.scatter [tilespmem:s15], [sflag:$0x9], $0x2000, s9, s16, $0x38;
	[tilespmem:$0xBE00] =	vst v63  }
0x3c: {  	_ =	swait.ge [sflag:s23], $0x2000  }
0x3d: {  	s26 =	simm.s32 $0x8000;
	[sflag:s23] =	ssyncset.done $0x0  }
0x3e: {  	s30 =	simm.s32 $0x200;
	s1 =	sand.u32 $0x1FC000, s26;
	[sflag:s23] =	ssyncadd.s32 $0xFFFFE000  }
0x3f: {  	s31 =	simm.s32 $0x40;
	s1 =	sadd.s32 s6, s1;
	_ =	swait.ge [sflag:s24], $0x2000  }
0x40: {  	s5 =	simm.s32 $0x380;
	s0 =	sor.u32 s0, s1;
	[sflag:s24] =	ssyncset.done $0x0  }
0x41: {  	s1 =	simm.s32 @!p0 $0x5E00;
	s0 =	sshrl.u32 s0, $0x3;
	[sflag:s24] =	ssyncadd.s32 $0xFFFFE000  }
0x42: {  	[tilespmem:s1], [sflag:$0x3] =	stream.indirect.gather @!p0 [hbm4b:s3+s29], $0x40, s5, s29, $0xb8;
	[tilespmem:$0xBE00] =	vst v63  }
0x43: {  	s29 =	simm.s32 $0x12000;
	s5 =	sadd.s32 s4, s0;
	s1 =	simm.s32 $0x600  }
.LBB2_2:
0x44: {  	s7 =	sadd.s32 $0xFFFFFE00, s1;
	s2 =	sand.u32 $0x40, s31  }
0x45: {  	s8 =	sand.u32 $0x1FC000, s29;
	s12 =	smov.u32 s29;
	s0 =	smov.u32 s1  }
0x46: {  	[hbm4b:s5+s16] =	stream.strided.scatter [tilespmem:s18], [sflag:$0xA], $0x2000, s9, s16, $0x38;
	[tilespmem:$0xBE00] =	vst v63  }
0x47: {  	p1 =	seq.s32 s29, $0x8000;
	s5 =	sadd.s32 s6, s8;
	_ =	swait.ge [sflag:s14], $0x2000  }
0x48: {  	s25 =	sadd.s32 $0xFFFF8000, s29;
	s8 =	simm.s32 @!p1 $0x9;
	[sflag:s14] =	ssyncset.done $0x0  }
0x49: {  	s26 =	sadd.s32 $0xFFFFC000, s29;
	s25 =	sand.u32 $0xFC000, s25;
	[sflag:s14] =	ssyncadd.s32 $0xFFFFE000  }
0x4a: {  	s26 =	sand.u32 $0x1FC000, s26;
	s25 =	sadd.s32 s6, s25;
	_ =	swait.ge @!p1 [sflag:s8], $0x2000  }
0x4b: {  	s26 =	sadd.s32 s6, s26;
	s25 =	sor.u32 s2, s25;
	[sflag:s8] =	ssyncset.done @!p1 $0x0  }
0x4c: {  	[sflag:s8] =	ssyncadd.s32 @!p1 $0xFFFFE000;
	s8 =	sshrl.u32 s25, $0x3;
	s25 =	sor.u32 s2, s26  }
0x4d: {  	[tilespmem:s15], [sflag:$0x4] =	stream.indirect.gather [hbm4b:s3+s9], $0x40, s7, s9, $0xb8;
	[tilespmem:$0xBE00] =	vst v63  }
0x4e: {  	s2 =	sor.u32 s2, s5;
	s7 =	sadd.s32 s4, s8;
	s8 =	sshrl.u32 s25, $0x3  }
0x4f: {  	[hbm4b:s7+s16] =	stream.strided.scatter [tilespmem:s10], [sflag:$0x6], $0x2000, s9, s16, $0x38;
	[tilespmem:$0xBE00] =	vst v63  }
0x50: {  	s29 =	sadd.s32 $0xA000, s29;
	s5 =	sshrl.u32 s2, $0x3;
	_ =	swait.ge [sflag:s17], $0x2000  }
0x51: {  	s2 =	simm.s32 @!p1 $0xA;
	s7 =	sadd.s32 $0xFFFFA000, s12;
	[sflag:s17] =	ssyncset.done $0x0  }
0x52: {  	s25 =	sadd.s32 $0xFFFFFF80, s30;
	s7 =	sand.u32 $0x1FC000, s7;
	[sflag:s17] =	ssyncadd.s32 $0xFFFFE000  }
0x53: {  	s25 =	sand.u32 $0x40, s25;
	s7 =	sadd.s32 s6, s7;
	_ =	swait.ge @!p1 [sflag:s2], $0x2000  }
0x54: {  	p0 =	sne.s32 s29, $0x80000;
	s7 =	sor.u32 s25, s7;
	[sflag:s2] =	ssyncset.done @!p1 $0x0  }
0x55: {  	s7 =	sshrl.u32 s7, $0x3;
	[sflag:s2] =	ssyncadd.s32 @!p1 $0xFFFFE000;
	s2 =	sadd.s32 $0xFFFFFE80, s1  }
0x56: {  	[tilespmem:s18], [sflag:$0x5] =	stream.indirect.gather [hbm4b:s3+s9], $0x40, s2, s9, $0xb8;
	[tilespmem:$0xBE00] =	vst v63  }
0x57: {  	s2 =	sadd.s32 s4, s7  }
0x58: {  	[hbm4b:s2+s16] =	stream.strided.scatter [tilespmem:s11], [sflag:$0x7], $0x2000, s9, s16, $0x38;
	[tilespmem:$0xBE00] =	vst v63  }
0x59: {  	_ =	swait.ge [sflag:s19], $0x2000  }
0x5a: {  	[sflag:s19] =	ssyncset.done $0x0  }
0x5b: {  	[sflag:s19] =	ssyncadd.s32 $0xFFFFE000  }
0x5c: {  	p1 =	seq.s32 s12, $0x76000;
	_ =	swait.ge [sflag:s20], $0x2000  }
0x5d: {  	s7 =	simm.s32 @!p1 $0x1E00;
	s2 =	sadd.s32 @!p1 $0xFFFFFF00, s1;
	[sflag:s20] =	ssyncset.done $0x0  }
0x5e: {  	s8 =	sadd.s32 s4, s8;
	s25 =	simm.s32 @!p1 $0x80;
	[sflag:s20] =	ssyncadd.s32 $0xFFFFE000  }
0x5f: {  	[tilespmem:s7], [sflag:$0x1] =	stream.indirect.gather @!p1 [hbm4b:s3+s25], $0x40, s2, s25, $0xb8;
	[tilespmem:$0xBE00] =	vst v63  }
0x60: {  	_ = 	snop  }
0x61: {  	[hbm4b:s8+s16] =	stream.strided.scatter [tilespmem:s13], [sflag:$0x8], $0x2000, s9, s16, $0x38;
	[tilespmem:$0xBE00] =	vst v63  }
0x62: {  	_ =	swait.ge [sflag:s21], $0x2000  }
0x63: {  	s2 =	sadd.s32 $0xFFFFE000, s12;
	[sflag:s21] =	ssyncset.done $0x0  }
0x64: {  	s2 =	sand.u32 $0x1FC000, s2;
	[sflag:s21] =	ssyncadd.s32 $0xFFFFE000  }
0x65: {  	s7 =	sand.u32 $0x40, s30;
	s2 =	sadd.s32 s6, s2;
	_ =	swait.ge [sflag:s22], $0x2000  }
0x66: {  	s8 =	sadd.s32 @!p1 $0xFFFFFF80, s1;
	s2 =	sor.u32 s7, s2;
	[sflag:s22] =	ssyncset.done $0x0  }
0x67: {  	s7 =	simm.s32 @!p1 $0x3E00;
	s2 =	sshrl.u32 s2, $0x3;
	[sflag:s22] =	ssyncadd.s32 $0xFFFFE000  }
0x68: {  	[tilespmem:s7], [sflag:$0x2] =	stream.indirect.gather @!p1 [hbm4b:s3+s25], $0x40, s8, s25, $0xb8;
	[tilespmem:$0xBE00] =	vst v63  }
0x69: {  	s2 =	sadd.s32 s4, s2  }
0x6a: {  	[hbm4b:s2+s16] =	stream.strided.scatter [tilespmem:s15], [sflag:$0x9], $0x2000, s9, s16, $0x38;
	[tilespmem:$0xBE00] =	vst v63  }
0x6b: {  	_ =	swait.ge [sflag:s23], $0x2000  }
0x6c: {  	[sflag:s23] =	ssyncset.done $0x0  }
.Ltmp0:
0x6d: {  	[sflag:s23] =	ssyncadd.s32 $0xFFFFE000;
	(pc) =	sbr.rel @p0 .LBB2_2-.Ltmp0, $4  }
0x6e: {  	s30 =	sadd.s32 $0x140, s30;
	_ =	swait.ge [sflag:s24], $0x2000  }
0x6f: {  	s31 =	sadd.s32 $0x40, s31;
	s2 =	simm.s32 @!p1 $0x5E00;
	[sflag:s24] =	ssyncset.done $0x0  }
0x70: {  	s5 =	sadd.s32 s4, s5;
	s1 =	sadd.s32 $0x280, s1;
	[sflag:s24] =	ssyncadd.s32 $0xFFFFE000  }
0x71: {  	[tilespmem:s2], [sflag:$0x3] =	stream.indirect.gather @!p1 [hbm4b:s3+s25], $0x40, s0, s25, $0xb8;
	[tilespmem:$0xBE00] =	vst v63  }
0x72: {  	[hbm4b:s5+s16] =	stream.strided.scatter [tilespmem:s18], [sflag:$0xA], $0x2000, s9, s16, $0x38;
	[tilespmem:$0xBE00] =	vst v63  }
0x73: {  	s0 =	simm.s32 $0x9  }
0x74: {  	_ =	swait.ge [sflag:s0], $0x2000  }
0x75: {  	[sflag:s0] =	ssyncset.done $0x0  }
0x76: {  	s1 =	simm.s32 $0xA;
	[sflag:s0] =	ssyncadd.s32 $0xFFFFE000  }
0x77: {  	_ =	swait.ge [sflag:s1], $0x2000  }
0x78: {  	s28 =	sadd.s32 $0x1, s28;
	s31 =	rddreg [dreg:$0x3]  }
0x79: {  	p0 =	sne.s32 s28, s31  }
.Ltmp1:
0x7a: {  	_ = 	snop;
	(pc) =	sbr.rel @p0 .LBB2_1-.Ltmp1, $3  }
0x7b: {  	_ =	sdelay $0x1  }
0x7c: {  	[sflag:s1] =	ssyncset.done $0x0  }
0x7d: {  	[sflag:s1] =	ssyncadd.s32 $0xFFFFE000  }
0x7e: {  	_ =	sfence.sel $0x180000  }
0x7f: {  	[bflag:$0x0] =	sbarrier.arrive $0xFFFF  }
0x80: {  	_ =	strace $0x9000004A  }
0x81: {  	s0 =	stileid.u32;
	[bflag:$0x2] =	sbarrier.arrive $0xFFFF  }
0x82: {  	p0 =	sne.s32 s0, $0x0;
	s0 =	rddreg [dreg:$0x1]  }
0x83: {  	s0 =	sadd.s32 @!p0 $0x100000, s0  }
0x84: {  	[sflag:s0] =	ssyncadd.tile.s32 @!p0 $0x1;
	_ =	shalt  }
.Lfunc_end2:
_tile_overlayer_lowered:
.L_overlay_start_2:
0x85: {  	(tag) =	ssettag $0x2  }
0x86: {  	s0 =	rddreg [dreg:$0x0];
	s2 =	stileid.u32  }
0x87: {  	s1 =	rddreg [dreg:$0x1];
	p0 =	sne.s32 s2, $0x0  }
0x88: {  	s3 =	rddreg [dreg:$0x2];
	[bflag:$0x3] =	sbarrier.arrive $0xFFFF;
	s2 =	simm.s32 @!p0 $0x1C0B  }
0x89: {  	[timem:s3], [sflag:s2] =	dma.local @!p0 [hbm:s0], s1  }
0x8a: {  	s0 =	simm.s32 @!p0 $0xB  }
0x8b: {  	_ =	swait.ge @!p0 [sflag:s0], s1  }
0x8c: {  	s1 =	ssub.s32 @!p0 $0x0, s1;
	[sflag:s0] =	ssyncset.done @!p0 $0x0  }
0x8d: {  	[sflag:s0] =	ssyncadd.s32 @!p0 s1  }
0x8e: {  	[bflag:$0x3] =	sbarrier.arrive $0xFFFF  }
0x8f: {  	_ =	shalt  }

// kernel: kernel.15.cloned.1.call-start
scs
__scs_entry_jumppad:
0x0: {  	(pc) =	sbr.rel $0x88, $3  }
0x1: {  	(tag) =	ssettag $0x0;
	lr =	simm.s32 $0x1  }
0x2: {  	[smem:$0x3F9E] =	sst lr;
	_ =	strace $0xD0000000  }
0x3: {  	_ = 	snop  }
0x4: {  	_ = 	snop  }
0x5: {  	_ = 	snop  }
0x6: {  	_ = 	snop  }
0x7: {  	_ = 	snop  }
__scs_overlays_trampoline_lowered:
0x8: {  	[smem:$0x3FAD] =	sst s0  }
0x9: {  	[smem:$0x3FAE] =	sst s1  }
0xa: {  	[smem:$0x3FAF] =	sst s2  }
0xb: {  	[smem:$0x3FB0] =	sst s3  }
0xc: {  	[smem:$0x3FB1] =	sst s4  }
0xd: {  	[smem:$0x3FB2] =	sst s5  }
0xe: {  	[smem:$0x3FB3] =	sst s6  }
0xf: {  	[smem:$0x3FB4] =	sst s7  }
0x10: {  	[smem:$0x3FB5] =	sst s8  }
0x11: {  	[smem:$0x3FB6] =	sst s9;
	s0 =	simm.s32 @!p0 $0x0  }
0x12: {  	s1 =	sld [smem:$0x3F9C];
	s0 =	simm.s32 @p0 $0x1  }
0x13: {  	[smem:$0x3FB7] =	sst s0;
	s0 =	simm.s32 @!p1 $0x0  }
0x14: {  	s2 =	sld [smem:$0x3F9B];
	s0 =	simm.s32 @p1 $0x1  }
0x15: {  	[smem:$0x3FB8] =	sst s0;
	s0 =	simm.s32 @!p2 $0x0  }
0x16: {  	s3 =	sld [smem:$0x3FDB];
	s0 =	simm.s32 @p2 $0x1  }
0x17: {  	s4 =	simm.s32 $0x1BF5;
	[smem:$0x3FBA] =	sst s0  }
0x18: {  	s0 =	sld [smem:$0x3F9D];
	_ =	swait.ge [sflag:s4], $0x0  }
0x19: {  	s7 =	sld [smem:$0x3F9E]  }
0x1a: {  	s8 =	sadd.s32 $0xFFFFE003, lr  }
0x1b: {  	s9 =	sadd.s32 $0xFFFFFEF7, lr;
	s5 =	simm.s32 $0xFFFFFFFF;
	p2 =	slt.u32 s8, $0xFFFFF086  }
0x1c: {  	p1 =	slt.u32 s9, $0xF7A;
	s5 =	simm.s32 @!p2 $0x0  }
0x1d: {  	s5 =	simm.s32 @p1 $0x1;
	p0 =	seq.s32 s7, s2  }
0x1e: {  	s7 =	smul.u32 @!p0 $0xF7A, s2;
	p2 =	seq.s32 @!p0 s5, $0x0  }
0x1f: {  	s9 =	smul.u32 $0xF7A, s1;
	s8 =	simm.s32 @!p0 $0x1BF5;
	p2 =	por !p2, p0  }
0x20: {  	[sflag:s8] =	ssyncset.s32 @!p0 $0xFFFFF086;
	s6 =	sadd.s32 @!p0 s3, s7;
	s7 =	simm.s32 @!p0 $0x108  }
0x21: {  	s3 =	sadd.s32 s3, s9;
	s6 =	sadd.s32 @!p0 $0x88, s6;
	s7 =	simm.s32 @p2 $0x1082  }
0x22: {  	[simem:s7], [sflag:s8] =	dma.local @!p0 [hbm:s6], $0xF7A  }
0x23: {  	s9 =	sor.u32 $0xD0000000, s2;
	s6 =	simm.s32 $0x108;
	_ =	swait.ge @!p0 [sflag:s8], $0x0  }
0x24: {  	s3 =	sadd.s32 $0x88, s3;
	s6 =	simm.s32 @!p1 $0x1082;
	[sflag:s4] =	ssyncset.s32 $0xFFFFF086  }
0x25: {  	[simem:s6], [sflag:s4] =	dma.local [hbm:s3], $0xF7A  }
0x26: {  	[smem:$0x3F9E] =	sst s1;
	(tag) =	ssettag s2;
	_ =	strace s9  }
0x27: {  	s1 =	sld [smem:$0x3FAE]  }
0x28: {  	s2 =	sld [smem:$0x3FAF]  }
0x29: {  	s4 =	sld [smem:$0x3FB1]  }
0x2a: {  	p0 =	seq.s32 s5, $0x0;
	s5 =	sld [smem:$0x3FB2]  }
0x2b: {  	s6 =	sld [smem:$0x3FB3]  }
0x2c: {  	s7 =	sld [smem:$0x3FB4]  }
0x2d: {  	s3 =	simm.s32 $0x108;
	s8 =	sld [smem:$0x3FB5]  }
0x2e: {  	s3 =	simm.s32 @!p0 $0x1082;
	s9 =	sld [smem:$0x3FB6]  }
0x2f: {  	lr =	sadd.s32 s0, s3;
	s0 =	sld [smem:$0x3FAD]  }
0x30: {  	s3 =	sld [smem:$0x3FB0]  }
0x31: {  	[smem:$0x3FB9] =	sst s10  }
0x32: {  	s10 =	sld [smem:$0x3FB7];
	_ =	sdelay $0x3  }
0x33: {  	p0 =	seq.s32 s10, $0x1;
	s10 =	sld [smem:$0x3FB9];
	_ =	sdelay $0x3  }
0x34: {  	[smem:$0x3FB9] =	sst s10  }
0x35: {  	s10 =	sld [smem:$0x3FB8];
	_ =	sdelay $0x3  }
0x36: {  	p1 =	seq.s32 s10, $0x1;
	s10 =	sld [smem:$0x3FB9];
	_ =	sdelay $0x3  }
0x37: {  	[smem:$0x3FB9] =	sst s10  }
0x38: {  	s10 =	sld [smem:$0x3FBA]  }
0x39: {  	_ = 	snop;
	(pc) =	sbr.ind lr, $3  }
0x3a: {  	_ = 	snop  }
0x3b: {  	_ = 	snop  }
0x3c: {  	p2 =	seq.s32 s10, $0x1;
	s10 =	sld [smem:$0x3FB9]  }
0x3d: {  	_ =	shalt  }
0x3e: {  	_ =	shalt  }
0x3f: {  	_ =	shalt  }
0x40: {  	_ =	shalt  }
0x41: {  	_ =	shalt  }
0x42: {  	_ =	shalt  }
0x43: {  	_ =	shalt  }
0x44: {  	_ =	shalt  }
0x45: {  	_ =	shalt  }
0x46: {  	_ =	shalt  }
0x47: {  	_ =	shalt  }
0x48: {  	_ =	shalt  }
0x49: {  	_ =	shalt  }
0x4a: {  	_ =	shalt  }
0x4b: {  	_ =	shalt  }
0x4c: {  	_ =	shalt  }
0x4d: {  	_ =	shalt  }
0x4e: {  	_ =	shalt  }
0x4f: {  	_ =	shalt  }
0x50: {  	_ =	shalt  }
0x51: {  	_ =	shalt  }
0x52: {  	_ =	shalt  }
0x53: {  	_ =	shalt  }
0x54: {  	_ =	shalt  }
0x55: {  	_ =	shalt  }
0x56: {  	_ =	shalt  }
0x57: {  	_ =	shalt  }
0x58: {  	_ =	shalt  }
0x59: {  	_ =	shalt  }
0x5a: {  	_ =	shalt  }
0x5b: {  	_ =	shalt  }
0x5c: {  	_ =	shalt  }
0x5d: {  	_ =	shalt  }
0x5e: {  	_ =	shalt  }
0x5f: {  	_ =	shalt  }
0x60: {  	_ =	shalt  }
0x61: {  	_ =	shalt  }
0x62: {  	_ =	shalt  }
0x63: {  	_ =	shalt  }
0x64: {  	_ =	shalt  }
0x65: {  	_ =	shalt  }
0x66: {  	_ =	shalt  }
0x67: {  	_ =	shalt  }
0x68: {  	_ =	shalt  }
0x69: {  	_ =	shalt  }
0x6a: {  	_ =	shalt  }
0x6b: {  	_ =	shalt  }
0x6c: {  	_ =	shalt  }
0x6d: {  	_ =	shalt  }
0x6e: {  	_ =	shalt  }
0x6f: {  	_ =	shalt  }
0x70: {  	_ =	shalt  }
0x71: {  	_ =	shalt  }
0x72: {  	_ =	shalt  }
0x73: {  	_ =	shalt  }
0x74: {  	_ =	shalt  }
0x75: {  	_ =	shalt  }
0x76: {  	_ =	shalt  }
0x77: {  	_ =	shalt  }
0x78: {  	_ =	shalt  }
0x79: {  	_ =	shalt  }
0x7a: {  	_ =	shalt  }
0x7b: {  	_ =	shalt  }
0x7c: {  	_ =	shalt  }
0x7d: {  	_ =	shalt  }
0x7e: {  	_ =	shalt  }
0x7f: {  	_ =	shalt  }
0x80: {  	_ =	shalt  }
0x81: {  	_ =	shalt  }
0x82: {  	_ =	shalt  }
0x83: {  	_ =	shalt  }
0x84: {  	_ =	shalt  }
0x85: {  	_ =	shalt  }
0x86: {  	_ =	shalt  }
0x87: {  	_ =	shalt  }
.Lfunc_end0:
.L_simem_size_0:
called_computation.2_lowered:
.L_overlay_start_0:
0x88: {  	s2 =	sld [smem:$0x3FD9]  }
0x89: {  	s3 =	sld [smem:$0x3FFE];
	_ =	sdelay $0x1  }
0x8a: {  	s1 =	srdreg.scid  }
0x8b: {  	s0 =	sand.u32 $0x1, s1  }
0x8c: {  	s17 =	sshll.u32 s0, $0xA;
	s2 =	sadd.s32 s3, s2  }
0x8d: {  	s2 =	sadd.s32 s2, s17  }
0x8e: {  	[smem:$0x3FC5] =	sst s2  }
0x8f: {  	_ = 	snop  }
0x90: {  	(tm) =	ssettm $0x1  }
0x91: {  	s18 =	sld [smem:$0x3FFB];
	_ =	sdelay $0x3  }
0x92: {  	_ =	strace s18  }
0x93: {  	s2 =	sld [smem:$0x3FFC];
	_ =	sdelay $0x3  }
0x94: {  	_ =	strace s2  }
0x95: {  	s2 =	sld [smem:$0x3FFD];
	_ =	sdelay $0x3  }
0x96: {  	_ =	strace s2  }
0x97: {  	_ =	strace $0x8FFFFFFF  }
0x98: {  	s19 =	sld [smem:$0x3FDB];
	_ =	sdelay $0x1  }
0x99: {  	s20 =	simm.s32 $_scs_section_size  }
0x9a: {  	s4 =	simm.s32 $_size__tile_overlayer_lowered;
	s5 =	simm.s32 $_tile_overlayer_lowered  }
0x9b: {  	s6 =	simm.s32 $0x1BFF;
	s21 =	sshll.u32 s5, $0x1;
	s3 =	sadd.s32 s20, s19  }
0x9c: {  	s22 =	simm.s32 $0x0;
	s4 =	sshll.u32 s4, $0x1;
	s5 =	sadd.s32 s21, s3  }
0x9d: {  	[timem:s22], [sflag:s6] =	dma.local [hbm:s5], s4  }
0x9e: {  	_ =	swait.ge [sflag:s6], s4  }
0x9f: {  	s4 =	ssub.s32 $0x0, s4;
	[sflag:s6] =	ssyncset.done $0x0  }
0xa0: {  	[sflag:s6] =	ssyncadd.s32 s4;
	_ =	sdelay $0x1  }
0xa1: {  	s23 =	simm.s32 $0x1B8B  }
0xa2: {  	_ =	swait.ge [sflag:s23], $0x1  }
0xa3: {  	[sflag:s23] =	ssyncset.done $0x0  }
0xa4: {  	[sflag:s23] =	ssyncadd.s32 $0xFFFFFFFF  }
0xa5: {  	s4 =	sld [smem:$0x0]  }
0xa6: {  	s5 =	sand.u32 $0xFFFFFFFE, s1  }
0xa7: {  	p0 =	sne.s32 s1, s5  }
0xa8: {  	s5 =	sshll.u32 @p0 s5, $0xE  }
0xa9: {  	s5 =	sadd.s32 @p0 $0x11B8D, s5;
	s6 =	sshll.u32 @p0 s4, $0x11  }
0xaa: {  	s5 =	sor.u32 @p0 s6, s5  }
0xab: {  	[sflag:s5] =	ssyncadd.remote.s32 @p0 $0x1;
	_ =	sdelay $0x1  }
0xac: {  	s5 =	simm.s32 @p0 $0x1B8D  }
0xad: {  	_ =	swait.eq @p0 [sflag:s5], $0x1  }
0xae: {  	[sflag:s5] =	ssyncadd.s32 @p0 $0xFFFFFFFF  }
0xaf: {  	s6 =	sshll.u32 @!p0 s1, $0xE  }
0xb0: {  	s6 =	sor.u32 @!p0 $0x4000, s6;
	s5 =	simm.s32 @!p0 $0x1B8D  }
0xb1: {  	s4 =	sshll.u32 @!p0 s4, $0x11;
	s6 =	sadd.s32 @!p0 $0x11B8D, s6;
	_ =	swait.eq @!p0 [sflag:s5], $0x1  }
0xb2: {  	s4 =	sor.u32 @!p0 s4, s6;
	[sflag:s5] =	ssyncadd.s32 @!p0 $0xFFFFFFFF  }
0xb3: {  	s25 =	simm.s32 $0x1B8E;
	s24 =	sld [smem:$0x3FFE];
	[sflag:s4] =	ssyncadd.remote.s32 @!p0 $0x1  }
0xb4: {  	s26 =	simm.s32 $execute0_lowered;
	[smem:$0x3FD2] =	sst s25  }
0xb5: {  	s5 =	sshll.u32 s26, $0x1;
	_ =	strace $0x8000004C;
	[dreg:$0x1] =	wrdreg $0xFFFFFFFF  }
0xb6: {  	s28 =	simm.s32 $_size_execute0_lowered;
	s3 =	sadd.s32 s3, s5;
	[dreg:$0x0] =	wrdreg $0x0  }
0xb7: {  	s5 =	sshll.u32 s28, $0x1;
	[dreg:$0x2] =	wrdreg s3  }
0xb8: {  	[dreg:$0x3] =	wrdreg s5  }
0xb9: {  	[dreg:$0x4] =	wrdreg $0xC0  }
0xba: {  	_ =	task [dreg:s22], $0x5FFFF  }
0xbb: {  	[dreg:$0x1] =	wrdreg $0xFFFFFFFF  }
0xbc: {  	[dreg:$0x0] =	wrdreg $0x60  }
0xbd: {  	[dreg:$0x2] =	wrdreg s24  }
0xbe: {  	[dreg:$0x3] =	wrdreg $0xB  }
0xbf: {  	_ =	task.clear_ibuf [dreg:s22], $0x4FFFF;
	_ =	strace $0x9000004C  }
0xc0: {  	s29 =	simm.s32 $0xB;
	_ =	strace $0x8000004E  }
0xc1: {  	_ =	swait.ge [sflag:s29], $0x1  }
0xc2: {  	[sflag:s29] =	ssyncadd.s32 $0xFFFFFFFF  }
0xc3: {  	_ =	strace $0x9000004E  }
0xc4: {  	_ =	sfence  }
0xc5: {  	s30 =	sld [smem:$0x0];
	_ =	sdelay $0x2  }
0xc6: {  	s31 =	sshll.u32 s1, $0xD;
	s1 =	sshrl.u32 s1, $0x2  }
0xc7: {  	s4 =	sand.u32 $0x4000, s31;
	s1 =	sadd.s32 s1, s30  }
0xc8: {  	s0 =	sor.u32 s4, s0;
	s1 =	sshll.u32 s1, $0x11  }
0xc9: {  	s0 =	sor.u32 s1, s0  }
0xca: {  	s0 =	sadd.s32 $0x8F2B, s0  }
0xcb: {  	[sflag:s0] =	ssyncadd.remote.s32 $0x1  }
0xcc: {  	_ =	sfence.sel $0xFFFF  }
0xcd: {  	[dreg:$0x0] =	wrdreg $0xFFFFFFFF;
	(pc) =	sbr.abs _section_cstart, $3  }
0xce: {  	[dreg:$0x1] =	wrdreg $0xFFFFFFFF  }
0xcf: {  	_ =	task.clear_ibuf [dreg:s22], $0x2FFFF;
	_ =	strace $0x9FFFFFFF  }
0xd0: {  	(tm) =	ssettm $0x7FFFFFFF  }
0xd1: {  	_ =	shalt  }
tec
execute0_lowered:
.L_overlay_start_1:
0x0: {  	(tag) =	ssettag $0x1  }
0x1: {  	s0 =	srdreg.scid;
	s2 =	stileid.u32  }
0x2: {  	s1 =	rddreg [dreg:$0x0];
	s31 =	simm.s32 $0x0;
	s9 =	simm.s32 $0x80  }
0x3: {  	s10 =	simm.s32 $0x3200;
	s11 =	simm.s32 $0x5200;
	s13 =	simm.s32 $0x7200  }
0x4: {  	s14 =	simm.s32 $0x1;
	s15 =	simm.s32 $0x9200;
	s16 =	simm.s32 $0x40  }
0x5: {  	s17 =	simm.s32 $0x2;
	s18 =	simm.s32 $0xB200;
	s19 =	simm.s32 $0x3  }
0x6: {  	s20 =	simm.s32 $0x6;
	s0 =	sand.u32 $0x1, s0;
	s3 =	sshll.u32 s2, $0x1  }
0x7: {  	s21 =	simm.s32 $0x4;
	s22 =	simm.s32 $0x7;
	s5 =	sor.u32 s0, s3  }
0x8: {  	s23 =	simm.s32 $0x5;
	s0 =	ssub.s32 $0x2, s0;
	s4 =	smul.u32 $0x3200, s5  }
0x9: {  	s24 =	simm.s32 $0x8;
	[smem:$0x7FF] =	sst s31;
	s7 =	sshrl.u32 s0, $0x1  }
0xa: {  	s3 =	sadd.s32 $0x1000, s1;
	s0 =	ssub.s32 s0, s7;
	s6 =	sshrl.u32 s4, $0x3  }
0xb: {  	s4 =	sadd.s32 $0x3FE000, s1;
	s0 =	smax.u32 s0, $0x1;
	s1 =	sadd.s32 s1, s6  }
0xc: {  	_ =	strace $0x8000004D;
	[dreg:$0x3] =	wrdreg s0;
	s1 =	sadd.s32 $0xD1800, s1  }
0xd: {  	s28 =	simm.s32 $0x0;
	s6 =	smul.u32 $0xC8000, s5;
	[dreg:$0x2] =	wrdreg s1  }
.LBB2_1:
0xe: {  	s2 =	simm.s32 $0x0;
	s0 =	rddreg [dreg:$0x2];
	s1 =	simm.s32 $0xB  }
0xf: {  	[tilespmem:s2], [sflag:$0xB] =	stream.linear.gather [hbm4b:s0+s2], $0x3200, $0x38;
	[tilespmem:$0xD200] =	vst v63  }
0x10: {  	_ =	swait.ge [sflag:s1], $0x3200  }
0x11: {  	[sflag:s1] =	ssyncset.done $0x0  }
0x12: {  	[sflag:s1] =	ssyncadd.s32 $0xFFFFCE00  }
0x13: {  	[tilespmem:s10], [sflag:$0x1] =	stream.indirect.gather [hbm4b:s3+s9], $0x40, s2, s9, $0xb8;
	[tilespmem:$0xD200] =	vst v63  }
0x14: {  	_ = 	snop  }
0x15: {  	[tilespmem:s11], [sflag:$0x2] =	stream.indirect.gather [hbm4b:s3+s9], $0x40, s9, s9, $0xb8;
	[tilespmem:$0xD200] =	vst v63  }
0x16: {  	s5 =	simm.s32 $0x100  }
0x17: {  	[tilespmem:s13], [sflag:$0x3] =	stream.indirect.gather [hbm4b:s3+s9], $0x40, s5, s9, $0xb8;
	[tilespmem:$0xD200] =	vst v63  }
0x18: {  	_ =	swait.ge [sflag:s14], $0x2000  }
0x19: {  	p0 =	por $0x1, $0x1;
	s7 =	simm.s32 $0x0;
	[sflag:s14] =	ssyncset.done $0x0  }
0x1a: {  	s1 =	simm.s32 @!p0 $0x9;
	s5 =	sand.u32 $0x1FC000, s7;
	[sflag:s14] =	ssyncadd.s32 $0xFFFFE000  }
0x1b: {  	s0 =	sand.u32 $0x40, s2;
	s5 =	sadd.s32 s6, s5;
	_ =	swait.ge @!p0 [sflag:s1], $0x2000  }
0x1c: {  	s5 =	sor.u32 s0, s5;
	[sflag:s1] =	ssyncset.done @!p0 $0x0  }
0x1d: {  	s12 =	simm.s32 $0x180;
	s8 =	sshrl.u32 s5, $0x3;
	[sflag:s1] =	ssyncadd.s32 @!p0 $0xFFFFE000  }
0x1e: {  	[tilespmem:s15], [sflag:$0x4] =	stream.indirect.gather [hbm4b:s3+s9], $0x40, s12, s9, $0xb8;
	[tilespmem:$0xD200] =	vst v63  }
0x1f: {  	s1 =	sadd.s32 s4, s8  }
0x20: {  	[hbm4b:s1+s16] =	stream.strided.scatter [tilespmem:s10], [sflag:$0x6], $0x2000, s9, s16, $0x38;
	[tilespmem:$0xD200] =	vst v63  }
0x21: {  	_ =	swait.ge [sflag:s17], $0x2000  }
0x22: {  	s25 =	simm.s32 $0x2000;
	s26 =	simm.s32 $0x40;
	[sflag:s17] =	ssyncset.done $0x0  }
0x23: {  	s5 =	sand.u32 $0x3FC000, s25;
	s1 =	simm.s32 @!p0 $0xA;
	[sflag:s17] =	ssyncadd.s32 $0xFFFFE000  }
0x24: {  	s5 =	sadd.s32 s6, s5;
	s12 =	sand.u32 $0x40, s26;
	_ =	swait.ge @!p0 [sflag:s1], $0x2000  }
0x25: {  	s5 =	sor.u32 s12, s5;
	[sflag:s1] =	ssyncset.done @!p0 $0x0  }
0x26: {  	s2 =	simm.s32 $0x200;
	s5 =	sshrl.u32 s5, $0x3;
	[sflag:s1] =	ssyncadd.s32 @!p0 $0xFFFFE000  }
0x27: {  	[tilespmem:s18], [sflag:$0x5] =	stream.indirect.gather [hbm4b:s3+s9], $0x40, s2, s9, $0xb8;
	[tilespmem:$0xD200] =	vst v63  }
0x28: {  	s7 =	sadd.s32 s4, s5  }
0x29: {  	[hbm4b:s7+s16] =	stream.strided.scatter [tilespmem:s11], [sflag:$0x7], $0x2000, s9, s16, $0x38;
	[tilespmem:$0xD200] =	vst v63  }
0x2a: {  	_ =	swait.ge [sflag:s19], $0x2000  }
0x2b: {  	s8 =	simm.s32 $0x4000;
	[sflag:s19] =	ssyncset.done $0x0  }
0x2c: {  	s1 =	sand.u32 $0x3FC000, s8;
	p0 =	por $0x0, $0x0;
	[sflag:s19] =	ssyncadd.s32 $0xFFFFE000  }
0x2d: {  	s1 =	sadd.s32 s6, s1;
	s5 =	simm.s32 @!p0 $0x280;
	_ =	swait.ge [sflag:s20], $0x2000  }
0x2e: {  	s12 =	simm.s32 @!p0 $0x3200;
	s1 =	sor.u32 s0, s1;
	[sflag:s20] =	ssyncset.done $0x0  }
0x2f: {  	s29 =	simm.s32 @!p0 $0x80;
	s1 =	sshrl.u32 s1, $0x3;
	[sflag:s20] =	ssyncadd.s32 $0xFFFFE000  }
0x30: {  	[tilespmem:s12], [sflag:$0x1] =	stream.indirect.gather @!p0 [hbm4b:s3+s29], $0x40, s5, s29, $0xb8;
	[tilespmem:$0xD200] =	vst v63  }
0x31: {  	s1 =	sadd.s32 s4, s1  }
0x32: {  	[hbm4b:s1+s16] =	stream.strided.scatter [tilespmem:s13], [sflag:$0x8], $0x2000, s9, s16, $0x38;
	[tilespmem:$0xD200] =	vst v63  }
0x33: {  	_ =	swait.ge [sflag:s21], $0x2000  }
0x34: {  	s12 =	simm.s32 $0x6000;
	[sflag:s21] =	ssyncset.done $0x0  }
0x35: {  	s25 =	simm.s32 $0xC0;
	s1 =	sand.u32 $0x3FC000, s12;
	[sflag:s21] =	ssyncadd.s32 $0xFFFFE000  }
0x36: {  	s5 =	sand.u32 $0x40, s25;
	s1 =	sadd.s32 s6, s1;
	_ =	swait.ge [sflag:s22], $0x2000  }
0x37: {  	s12 =	simm.s32 @!p0 $0x300;
	s1 =	sor.u32 s5, s1;
	[sflag:s22] =	ssyncset.done $0x0  }
0x38: {  	s5 =	simm.s32 @!p0 $0x5200;
	s1 =	sshrl.u32 s1, $0x3;
	[sflag:s22] =	ssyncadd.s32 $0xFFFFE000  }
0x39: {  	[tilespmem:s5], [sflag:$0x2] =	stream.indirect.gather @!p0 [hbm4b:s3+s29], $0x40, s12, s29, $0xb8;
	[tilespmem:$0xD200] =	vst v63  }
0x3a: {  	s1 =	sadd.s32 s4, s1  }
0x3b: {  	[hbm4b:s1+s16] =	stream.strided.scatter [tilespmem:s15], [sflag:$0x9], $0x2000, s9, s16, $0x38;
	[tilespmem:$0xD200] =	vst v63  }
0x3c: {  	_ =	swait.ge [sflag:s23], $0x2000  }
0x3d: {  	s26 =	simm.s32 $0x8000;
	[sflag:s23] =	ssyncset.done $0x0  }
0x3e: {  	s30 =	simm.s32 $0x200;
	s1 =	sand.u32 $0x3FC000, s26;
	[sflag:s23] =	ssyncadd.s32 $0xFFFFE000  }
0x3f: {  	s31 =	simm.s32 $0x40;
	s1 =	sadd.s32 s6, s1;
	_ =	swait.ge [sflag:s24], $0x2000  }
0x40: {  	s5 =	simm.s32 $0x380;
	s0 =	sor.u32 s0, s1;
	[sflag:s24] =	ssyncset.done $0x0  }
0x41: {  	s1 =	simm.s32 @!p0 $0x7200;
	s0 =	sshrl.u32 s0, $0x3;
	[sflag:s24] =	ssyncadd.s32 $0xFFFFE000  }
0x42: {  	[tilespmem:s1], [sflag:$0x3] =	stream.indirect.gather @!p0 [hbm4b:s3+s29], $0x40, s5, s29, $0xb8;
	[tilespmem:$0xD200] =	vst v63  }
0x43: {  	s29 =	simm.s32 $0x12000;
	s5 =	sadd.s32 s4, s0;
	s1 =	simm.s32 $0x600  }
.LBB2_2:
0x44: {  	s7 =	sadd.s32 $0xFFFFFE00, s1;
	s2 =	sand.u32 $0x40, s31  }
0x45: {  	s8 =	sand.u32 $0x3FC000, s29;
	s12 =	smov.u32 s29;
	s0 =	smov.u32 s1  }
0x46: {  	[hbm4b:s5+s16] =	stream.strided.scatter [tilespmem:s18], [sflag:$0xA], $0x2000, s9, s16, $0x38;
	[tilespmem:$0xD200] =	vst v63  }
0x47: {  	p1 =	seq.s32 s29, $0x8000;
	s5 =	sadd.s32 s6, s8;
	_ =	swait.ge [sflag:s14], $0x2000  }
0x48: {  	s25 =	sadd.s32 $0xFFFF8000, s29;
	s8 =	simm.s32 @!p1 $0x9;
	[sflag:s14] =	ssyncset.done $0x0  }
0x49: {  	s26 =	sadd.s32 $0xFFFFC000, s29;
	s25 =	sand.u32 $0x1FC000, s25;
	[sflag:s14] =	ssyncadd.s32 $0xFFFFE000  }
0x4a: {  	s26 =	sand.u32 $0x3FC000, s26;
	s25 =	sadd.s32 s6, s25;
	_ =	swait.ge @!p1 [sflag:s8], $0x2000  }
0x4b: {  	s26 =	sadd.s32 s6, s26;
	s25 =	sor.u32 s2, s25;
	[sflag:s8] =	ssyncset.done @!p1 $0x0  }
0x4c: {  	[sflag:s8] =	ssyncadd.s32 @!p1 $0xFFFFE000;
	s8 =	sshrl.u32 s25, $0x3;
	s25 =	sor.u32 s2, s26  }
0x4d: {  	[tilespmem:s15], [sflag:$0x4] =	stream.indirect.gather [hbm4b:s3+s9], $0x40, s7, s9, $0xb8;
	[tilespmem:$0xD200] =	vst v63  }
0x4e: {  	s2 =	sor.u32 s2, s5;
	s7 =	sadd.s32 s4, s8;
	s8 =	sshrl.u32 s25, $0x3  }
0x4f: {  	[hbm4b:s7+s16] =	stream.strided.scatter [tilespmem:s10], [sflag:$0x6], $0x2000, s9, s16, $0x38;
	[tilespmem:$0xD200] =	vst v63  }
0x50: {  	s29 =	sadd.s32 $0xA000, s29;
	s5 =	sshrl.u32 s2, $0x3;
	_ =	swait.ge [sflag:s17], $0x2000  }
0x51: {  	s2 =	simm.s32 @!p1 $0xA;
	s7 =	sadd.s32 $0xFFFFA000, s12;
	[sflag:s17] =	ssyncset.done $0x0  }
0x52: {  	s25 =	sadd.s32 $0xFFFFFF80, s30;
	s7 =	sand.u32 $0x3FC000, s7;
	[sflag:s17] =	ssyncadd.s32 $0xFFFFE000  }
0x53: {  	s25 =	sand.u32 $0x40, s25;
	s7 =	sadd.s32 s6, s7;
	_ =	swait.ge @!p1 [sflag:s2], $0x2000  }
0x54: {  	p0 =	sne.s32 s29, $0xD0000;
	s7 =	sor.u32 s25, s7;
	[sflag:s2] =	ssyncset.done @!p1 $0x0  }
0x55: {  	s7 =	sshrl.u32 s7, $0x3;
	[sflag:s2] =	ssyncadd.s32 @!p1 $0xFFFFE000;
	s2 =	sadd.s32 $0xFFFFFE80, s1  }
0x56: {  	[tilespmem:s18], [sflag:$0x5] =	stream.indirect.gather [hbm4b:s3+s9], $0x40, s2, s9, $0xb8;
	[tilespmem:$0xD200] =	vst v63  }
0x57: {  	s2 =	sadd.s32 s4, s7  }
0x58: {  	[hbm4b:s2+s16] =	stream.strided.scatter [tilespmem:s11], [sflag:$0x7], $0x2000, s9, s16, $0x38;
	[tilespmem:$0xD200] =	vst v63  }
0x59: {  	_ =	swait.ge [sflag:s19], $0x2000  }
0x5a: {  	[sflag:s19] =	ssyncset.done $0x0  }
0x5b: {  	[sflag:s19] =	ssyncadd.s32 $0xFFFFE000  }
0x5c: {  	p1 =	seq.s32 s12, $0xC6000;
	_ =	swait.ge [sflag:s20], $0x2000  }
0x5d: {  	s7 =	simm.s32 @!p1 $0x3200;
	s2 =	sadd.s32 @!p1 $0xFFFFFF00, s1;
	[sflag:s20] =	ssyncset.done $0x0  }
0x5e: {  	s8 =	sadd.s32 s4, s8;
	s25 =	simm.s32 @!p1 $0x80;
	[sflag:s20] =	ssyncadd.s32 $0xFFFFE000  }
0x5f: {  	[tilespmem:s7], [sflag:$0x1] =	stream.indirect.gather @!p1 [hbm4b:s3+s25], $0x40, s2, s25, $0xb8;
	[tilespmem:$0xD200] =	vst v63  }
0x60: {  	_ = 	snop  }
0x61: {  	[hbm4b:s8+s16] =	stream.strided.scatter [tilespmem:s13], [sflag:$0x8], $0x2000, s9, s16, $0x38;
	[tilespmem:$0xD200] =	vst v63  }
0x62: {  	_ =	swait.ge [sflag:s21], $0x2000  }
0x63: {  	s2 =	sadd.s32 $0xFFFFE000, s12;
	[sflag:s21] =	ssyncset.done $0x0  }
0x64: {  	s2 =	sand.u32 $0x3FC000, s2;
	[sflag:s21] =	ssyncadd.s32 $0xFFFFE000  }
0x65: {  	s7 =	sand.u32 $0x40, s30;
	s2 =	sadd.s32 s6, s2;
	_ =	swait.ge [sflag:s22], $0x2000  }
0x66: {  	s8 =	sadd.s32 @!p1 $0xFFFFFF80, s1;
	s2 =	sor.u32 s7, s2;
	[sflag:s22] =	ssyncset.done $0x0  }
0x67: {  	s7 =	simm.s32 @!p1 $0x5200;
	s2 =	sshrl.u32 s2, $0x3;
	[sflag:s22] =	ssyncadd.s32 $0xFFFFE000  }
0x68: {  	[tilespmem:s7], [sflag:$0x2] =	stream.indirect.gather @!p1 [hbm4b:s3+s25], $0x40, s8, s25, $0xb8;
	[tilespmem:$0xD200] =	vst v63  }
0x69: {  	s2 =	sadd.s32 s4, s2  }
0x6a: {  	[hbm4b:s2+s16] =	stream.strided.scatter [tilespmem:s15], [sflag:$0x9], $0x2000, s9, s16, $0x38;
	[tilespmem:$0xD200] =	vst v63  }
0x6b: {  	_ =	swait.ge [sflag:s23], $0x2000  }
0x6c: {  	[sflag:s23] =	ssyncset.done $0x0  }
.Ltmp0:
0x6d: {  	[sflag:s23] =	ssyncadd.s32 $0xFFFFE000;
	(pc) =	sbr.rel @p0 .LBB2_2-.Ltmp0, $4  }
0x6e: {  	s30 =	sadd.s32 $0x140, s30;
	_ =	swait.ge [sflag:s24], $0x2000  }
0x6f: {  	s31 =	sadd.s32 $0x40, s31;
	s2 =	simm.s32 @!p1 $0x7200;
	[sflag:s24] =	ssyncset.done $0x0  }
0x70: {  	s5 =	sadd.s32 s4, s5;
	s1 =	sadd.s32 $0x280, s1;
	[sflag:s24] =	ssyncadd.s32 $0xFFFFE000  }
0x71: {  	[tilespmem:s2], [sflag:$0x3] =	stream.indirect.gather @!p1 [hbm4b:s3+s25], $0x40, s0, s25, $0xb8;
	[tilespmem:$0xD200] =	vst v63  }
0x72: {  	[hbm4b:s5+s16] =	stream.strided.scatter [tilespmem:s18], [sflag:$0xA], $0x2000, s9, s16, $0x38;
	[tilespmem:$0xD200] =	vst v63  }
0x73: {  	s0 =	simm.s32 $0x9  }
0x74: {  	_ =	swait.ge [sflag:s0], $0x2000  }
0x75: {  	[sflag:s0] =	ssyncset.done $0x0  }
0x76: {  	s1 =	simm.s32 $0xA;
	[sflag:s0] =	ssyncadd.s32 $0xFFFFE000  }
0x77: {  	_ =	swait.ge [sflag:s1], $0x2000  }
0x78: {  	s28 =	sadd.s32 $0x1, s28;
	s31 =	rddreg [dreg:$0x3]  }
0x79: {  	p0 =	sne.s32 s28, s31  }
.Ltmp1:
0x7a: {  	_ = 	snop;
	(pc) =	sbr.rel @p0 .LBB2_1-.Ltmp1, $3  }
0x7b: {  	_ =	sdelay $0x1  }
0x7c: {  	[sflag:s1] =	ssyncset.done $0x0  }
0x7d: {  	[sflag:s1] =	ssyncadd.s32 $0xFFFFE000  }
0x7e: {  	_ =	sfence.sel $0x180000  }
0x7f: {  	[bflag:$0x0] =	sbarrier.arrive $0xFFFF  }
0x80: {  	_ =	strace $0x9000004D  }
0x81: {  	s0 =	stileid.u32;
	[bflag:$0x2] =	sbarrier.arrive $0xFFFF  }
0x82: {  	p0 =	sne.s32 s0, $0x0;
	s0 =	rddreg [dreg:$0x1]  }
0x83: {  	s0 =	sadd.s32 @!p0 $0x100000, s0  }
0x84: {  	[sflag:s0] =	ssyncadd.tile.s32 @!p0 $0x1;
	_ =	shalt  }
.Lfunc_end2:
_tile_overlayer_lowered:
.L_overlay_start_2:
0x85: {  	(tag) =	ssettag $0x2  }
0x86: {  	s0 =	rddreg [dreg:$0x0];
	s2 =	stileid.u32  }
0x87: {  	s1 =	rddreg [dreg:$0x1];
	p0 =	sne.s32 s2, $0x0  }
0x88: {  	s3 =	rddreg [dreg:$0x2];
	[bflag:$0x3] =	sbarrier.arrive $0xFFFF;
	s2 =	simm.s32 @!p0 $0x1C0B  }
0x89: {  	[timem:s3], [sflag:s2] =	dma.local @!p0 [hbm:s0], s1  }
0x8a: {  	s0 =	simm.s32 @!p0 $0xB  }
0x8b: {  	_ =	swait.ge @!p0 [sflag:s0], s1  }
0x8c: {  	s1 =	ssub.s32 @!p0 $0x0, s1;
	[sflag:s0] =	ssyncset.done @!p0 $0x0  }
0x8d: {  	[sflag:s0] =	ssyncadd.s32 @!p0 s1  }
0x8e: {  	[bflag:$0x3] =	sbarrier.arrive $0xFFFF  }
0x8f: {  	_ =	shalt  }

// kernel: kernel.9.cloned.1.call-start
scs
__scs_entry_jumppad:
0x0: {  	(pc) =	sbr.rel $0x88, $3  }
0x1: {  	(tag) =	ssettag $0x0;
	lr =	simm.s32 $0x1  }
0x2: {  	[smem:$0x3F9E] =	sst lr;
	_ =	strace $0xD0000000  }
0x3: {  	_ = 	snop  }
0x4: {  	_ = 	snop  }
0x5: {  	_ = 	snop  }
0x6: {  	_ = 	snop  }
0x7: {  	_ = 	snop  }
__scs_overlays_trampoline_lowered:
0x8: {  	[smem:$0x3FAD] =	sst s0  }
0x9: {  	[smem:$0x3FAE] =	sst s1  }
0xa: {  	[smem:$0x3FAF] =	sst s2  }
0xb: {  	[smem:$0x3FB0] =	sst s3  }
0xc: {  	[smem:$0x3FB1] =	sst s4  }
0xd: {  	[smem:$0x3FB2] =	sst s5  }
0xe: {  	[smem:$0x3FB3] =	sst s6  }
0xf: {  	[smem:$0x3FB4] =	sst s7  }
0x10: {  	[smem:$0x3FB5] =	sst s8  }
0x11: {  	[smem:$0x3FB6] =	sst s9;
	s0 =	simm.s32 @!p0 $0x0  }
0x12: {  	s1 =	sld [smem:$0x3F9C];
	s0 =	simm.s32 @p0 $0x1  }
0x13: {  	[smem:$0x3FB7] =	sst s0;
	s0 =	simm.s32 @!p1 $0x0  }
0x14: {  	s2 =	sld [smem:$0x3F9B];
	s0 =	simm.s32 @p1 $0x1  }
0x15: {  	[smem:$0x3FB8] =	sst s0;
	s0 =	simm.s32 @!p2 $0x0  }
0x16: {  	s3 =	sld [smem:$0x3FDB];
	s0 =	simm.s32 @p2 $0x1  }
0x17: {  	s4 =	simm.s32 $0x1BF5;
	[smem:$0x3FBA] =	sst s0  }
0x18: {  	s0 =	sld [smem:$0x3F9D];
	_ =	swait.ge [sflag:s4], $0x0  }
0x19: {  	s7 =	sld [smem:$0x3F9E]  }
0x1a: {  	s8 =	sadd.s32 $0xFFFFE003, lr  }
0x1b: {  	s9 =	sadd.s32 $0xFFFFFEF7, lr;
	s5 =	simm.s32 $0xFFFFFFFF;
	p2 =	slt.u32 s8, $0xFFFFF086  }
0x1c: {  	p1 =	slt.u32 s9, $0xF7A;
	s5 =	simm.s32 @!p2 $0x0  }
0x1d: {  	s5 =	simm.s32 @p1 $0x1;
	p0 =	seq.s32 s7, s2  }
0x1e: {  	s7 =	smul.u32 @!p0 $0xF7A, s2;
	p2 =	seq.s32 @!p0 s5, $0x0  }
0x1f: {  	s9 =	smul.u32 $0xF7A, s1;
	s8 =	simm.s32 @!p0 $0x1BF5;
	p2 =	por !p2, p0  }
0x20: {  	[sflag:s8] =	ssyncset.s32 @!p0 $0xFFFFF086;
	s6 =	sadd.s32 @!p0 s3, s7;
	s7 =	simm.s32 @!p0 $0x108  }
0x21: {  	s3 =	sadd.s32 s3, s9;
	s6 =	sadd.s32 @!p0 $0x88, s6;
	s7 =	simm.s32 @p2 $0x1082  }
0x22: {  	[simem:s7], [sflag:s8] =	dma.local @!p0 [hbm:s6], $0xF7A  }
0x23: {  	s9 =	sor.u32 $0xD0000000, s2;
	s6 =	simm.s32 $0x108;
	_ =	swait.ge @!p0 [sflag:s8], $0x0  }
0x24: {  	s3 =	sadd.s32 $0x88, s3;
	s6 =	simm.s32 @!p1 $0x1082;
	[sflag:s4] =	ssyncset.s32 $0xFFFFF086  }
0x25: {  	[simem:s6], [sflag:s4] =	dma.local [hbm:s3], $0xF7A  }
0x26: {  	[smem:$0x3F9E] =	sst s1;
	(tag) =	ssettag s2;
	_ =	strace s9  }
0x27: {  	s1 =	sld [smem:$0x3FAE]  }
0x28: {  	s2 =	sld [smem:$0x3FAF]  }
0x29: {  	s4 =	sld [smem:$0x3FB1]  }
0x2a: {  	p0 =	seq.s32 s5, $0x0;
	s5 =	sld [smem:$0x3FB2]  }
0x2b: {  	s6 =	sld [smem:$0x3FB3]  }
0x2c: {  	s7 =	sld [smem:$0x3FB4]  }
0x2d: {  	s3 =	simm.s32 $0x108;
	s8 =	sld [smem:$0x3FB5]  }
0x2e: {  	s3 =	simm.s32 @!p0 $0x1082;
	s9 =	sld [smem:$0x3FB6]  }
0x2f: {  	lr =	sadd.s32 s0, s3;
	s0 =	sld [smem:$0x3FAD]  }
0x30: {  	s3 =	sld [smem:$0x3FB0]  }
0x31: {  	[smem:$0x3FB9] =	sst s10  }
0x32: {  	s10 =	sld [smem:$0x3FB7];
	_ =	sdelay $0x3  }
0x33: {  	p0 =	seq.s32 s10, $0x1;
	s10 =	sld [smem:$0x3FB9];
	_ =	sdelay $0x3  }
0x34: {  	[smem:$0x3FB9] =	sst s10  }
0x35: {  	s10 =	sld [smem:$0x3FB8];
	_ =	sdelay $0x3  }
0x36: {  	p1 =	seq.s32 s10, $0x1;
	s10 =	sld [smem:$0x3FB9];
	_ =	sdelay $0x3  }
0x37: {  	[smem:$0x3FB9] =	sst s10  }
0x38: {  	s10 =	sld [smem:$0x3FBA]  }
0x39: {  	_ = 	snop;
	(pc) =	sbr.ind lr, $3  }
0x3a: {  	_ = 	snop  }
0x3b: {  	_ = 	snop  }
0x3c: {  	p2 =	seq.s32 s10, $0x1;
	s10 =	sld [smem:$0x3FB9]  }
0x3d: {  	_ =	shalt  }
0x3e: {  	_ =	shalt  }
0x3f: {  	_ =	shalt  }
0x40: {  	_ =	shalt  }
0x41: {  	_ =	shalt  }
0x42: {  	_ =	shalt  }
0x43: {  	_ =	shalt  }
0x44: {  	_ =	shalt  }
0x45: {  	_ =	shalt  }
0x46: {  	_ =	shalt  }
0x47: {  	_ =	shalt  }
0x48: {  	_ =	shalt  }
0x49: {  	_ =	shalt  }
0x4a: {  	_ =	shalt  }
0x4b: {  	_ =	shalt  }
0x4c: {  	_ =	shalt  }
0x4d: {  	_ =	shalt  }
0x4e: {  	_ =	shalt  }
0x4f: {  	_ =	shalt  }
0x50: {  	_ =	shalt  }
0x51: {  	_ =	shalt  }
0x52: {  	_ =	shalt  }
0x53: {  	_ =	shalt  }
0x54: {  	_ =	shalt  }
0x55: {  	_ =	shalt  }
0x56: {  	_ =	shalt  }
0x57: {  	_ =	shalt  }
0x58: {  	_ =	shalt  }
0x59: {  	_ =	shalt  }
0x5a: {  	_ =	shalt  }
0x5b: {  	_ =	shalt  }
0x5c: {  	_ =	shalt  }
0x5d: {  	_ =	shalt  }
0x5e: {  	_ =	shalt  }
0x5f: {  	_ =	shalt  }
0x60: {  	_ =	shalt  }
0x61: {  	_ =	shalt  }
0x62: {  	_ =	shalt  }
0x63: {  	_ =	shalt  }
0x64: {  	_ =	shalt  }
0x65: {  	_ =	shalt  }
0x66: {  	_ =	shalt  }
0x67: {  	_ =	shalt  }
0x68: {  	_ =	shalt  }
0x69: {  	_ =	shalt  }
0x6a: {  	_ =	shalt  }
0x6b: {  	_ =	shalt  }
0x6c: {  	_ =	shalt  }
0x6d: {  	_ =	shalt  }
0x6e: {  	_ =	shalt  }
0x6f: {  	_ =	shalt  }
0x70: {  	_ =	shalt  }
0x71: {  	_ =	shalt  }
0x72: {  	_ =	shalt  }
0x73: {  	_ =	shalt  }
0x74: {  	_ =	shalt  }
0x75: {  	_ =	shalt  }
0x76: {  	_ =	shalt  }
0x77: {  	_ =	shalt  }
0x78: {  	_ =	shalt  }
0x79: {  	_ =	shalt  }
0x7a: {  	_ =	shalt  }
0x7b: {  	_ =	shalt  }
0x7c: {  	_ =	shalt  }
0x7d: {  	_ =	shalt  }
0x7e: {  	_ =	shalt  }
0x7f: {  	_ =	shalt  }
0x80: {  	_ =	shalt  }
0x81: {  	_ =	shalt  }
0x82: {  	_ =	shalt  }
0x83: {  	_ =	shalt  }
0x84: {  	_ =	shalt  }
0x85: {  	_ =	shalt  }
0x86: {  	_ =	shalt  }
0x87: {  	_ =	shalt  }
.Lfunc_end0:
.L_simem_size_0:
called_computation_lowered:
.L_overlay_start_0:
0x88: {  	s2 =	sld [smem:$0x3FD9]  }
0x89: {  	s3 =	sld [smem:$0x3FFE];
	_ =	sdelay $0x1  }
0x8a: {  	s1 =	srdreg.scid  }
0x8b: {  	s0 =	sand.u32 $0x1, s1  }
0x8c: {  	s16 =	sshll.u32 s0, $0xA;
	s2 =	sadd.s32 s3, s2  }
0x8d: {  	s2 =	sadd.s32 s2, s16  }
0x8e: {  	[smem:$0x3FC5] =	sst s2  }
0x8f: {  	_ = 	snop  }
0x90: {  	(tm) =	ssettm $0x1  }
0x91: {  	s17 =	sld [smem:$0x3FFB];
	_ =	sdelay $0x3  }
0x92: {  	_ =	strace s17  }
0x93: {  	s2 =	sld [smem:$0x3FFC];
	_ =	sdelay $0x3  }
0x94: {  	_ =	strace s2  }
0x95: {  	s2 =	sld [smem:$0x3FFD];
	_ =	sdelay $0x3  }
0x96: {  	_ =	strace s2  }
0x97: {  	_ =	strace $0x8FFFFFFF  }
0x98: {  	s18 =	sld [smem:$0x3FDB];
	_ =	sdelay $0x1  }
0x99: {  	s19 =	simm.s32 $_scs_section_size  }
0x9a: {  	s4 =	simm.s32 $_size__tile_overlayer_lowered;
	s5 =	simm.s32 $_tile_overlayer_lowered  }
0x9b: {  	s22 =	simm.s32 $0x1BFF;
	s21 =	sshll.u32 s5, $0x1;
	s2 =	sadd.s32 s19, s18  }
0x9c: {  	s6 =	simm.s32 $0x0;
	s20 =	sshll.u32 s4, $0x1;
	s4 =	sadd.s32 s21, s2  }
0x9d: {  	[timem:s6], [sflag:s22] =	dma.local [hbm:s4], s20  }
0x9e: {  	_ =	swait.ge [sflag:s22], s20  }
0x9f: {  	s3 =	ssub.s32 $0x0, s20;
	[sflag:s22] =	ssyncset.done $0x0  }
0xa0: {  	[sflag:s22] =	ssyncadd.s32 s3;
	_ =	sdelay $0x1  }
0xa1: {  	s23 =	simm.s32 $0x1B8B  }
0xa2: {  	_ =	swait.ge [sflag:s23], $0x1  }
0xa3: {  	[sflag:s23] =	ssyncset.done $0x0  }
0xa4: {  	s25 =	simm.s32 $0x1B8E;
	s24 =	sld [smem:$0x3FFE];
	[sflag:s23] =	ssyncadd.s32 $0xFFFFFFFF  }
0xa5: {  	s26 =	simm.s32 $execute0_lowered;
	[smem:$0x3FD2] =	sst s25  }
0xa6: {  	s4 =	sshll.u32 s26, $0x1;
	_ =	strace $0x80000046;
	[dreg:$0x1] =	wrdreg $0xFFFFFFFF  }
0xa7: {  	s28 =	simm.s32 $_size_execute0_lowered;
	s2 =	sadd.s32 s2, s4;
	[dreg:$0x0] =	wrdreg $0x0  }
0xa8: {  	s4 =	sshll.u32 s28, $0x1;
	[dreg:$0x2] =	wrdreg s2  }
0xa9: {  	[dreg:$0x3] =	wrdreg s4  }
0xaa: {  	[dreg:$0x4] =	wrdreg $0xC0  }
0xab: {  	_ =	task [dreg:s6], $0x5FFFF  }
0xac: {  	[dreg:$0x1] =	wrdreg $0xFFFFFFFF  }
0xad: {  	[dreg:$0x0] =	wrdreg $0x60  }
0xae: {  	[dreg:$0x2] =	wrdreg s24  }
0xaf: {  	[dreg:$0x3] =	wrdreg $0x9  }
0xb0: {  	_ =	task.clear_ibuf [dreg:s6], $0x4FFFF;
	_ =	strace $0x90000046  }
0xb1: {  	s29 =	simm.s32 $0x9;
	_ =	strace $0x80000048  }
0xb2: {  	_ =	swait.ge [sflag:s29], $0x1  }
0xb3: {  	[sflag:s29] =	ssyncadd.s32 $0xFFFFFFFF  }
0xb4: {  	_ =	strace $0x90000048  }
0xb5: {  	_ =	sfence  }
0xb6: {  	s30 =	sld [smem:$0x0];
	_ =	sdelay $0x2  }
0xb7: {  	s31 =	sshll.u32 s1, $0xD;
	s1 =	sshrl.u32 s1, $0x2  }
0xb8: {  	s3 =	sand.u32 $0x4000, s31;
	s1 =	sadd.s32 s1, s30  }
0xb9: {  	s0 =	sor.u32 s3, s0;
	s1 =	sshll.u32 s1, $0x11  }
0xba: {  	s0 =	sor.u32 s1, s0  }
0xbb: {  	s0 =	sadd.s32 $0x8F2B, s0  }
0xbc: {  	[sflag:s0] =	ssyncadd.remote.s32 $0x1  }
0xbd: {  	_ =	sfence.sel $0xFFFF  }
0xbe: {  	[dreg:$0x0] =	wrdreg $0xFFFFFFFF;
	(pc) =	sbr.abs _section_cstart, $3  }
0xbf: {  	[dreg:$0x1] =	wrdreg $0xFFFFFFFF  }
0xc0: {  	_ =	task.clear_ibuf [dreg:s6], $0x2FFFF;
	_ =	strace $0x9FFFFFFF  }
0xc1: {  	(tm) =	ssettm $0x7FFFFFFF  }
tec
execute0_lowered:
.L_overlay_start_1:
0x0: {  	(tag) =	ssettag $0x1  }
0x1: {  	s0 =	srdreg.scid  }
0x2: {  	s1 =	stileid.u32;
	s4 =	rddreg [dreg:$0x0];
	s2 =	simm.s32 $0x0  }
0x3: {  	s9 =	simm.s32 $0x80;
	s10 =	simm.s32 $0x1400;
	s11 =	simm.s32 $0x3400  }
0x4: {  	s13 =	simm.s32 $0x5400;
	s14 =	simm.s32 $0x1;
	s15 =	simm.s32 $0x7400  }
0x5: {  	s16 =	simm.s32 $0x40;
	s17 =	simm.s32 $0x2;
	s18 =	simm.s32 $0x9400  }
0x6: {  	s19 =	simm.s32 $0x3;
	s20 =	simm.s32 $0x6;
	s21 =	simm.s32 $0x4  }
0x7: {  	s22 =	simm.s32 $0x7;
	s0 =	sand.u32 $0x1, s0;
	s1 =	sshll.u32 s1, $0x1  }
0x8: {  	s23 =	simm.s32 $0x5;
	s1 =	sor.u32 s0, s1;
	s0 =	ssub.s32 $0x2, s0  }
0x9: {  	s24 =	simm.s32 $0x8;
	s3 =	smul.u32 $0x280, s1;
	s6 =	sshrl.u32 s0, $0x1  }
0xa: {  	s28 =	simm.s32 $0x0;
	[smem:$0x7FF] =	sst s2;
	s0 =	ssub.s32 s0, s6  }
0xb: {  	_ =	strace $0x80000047;
	s5 =	sadd.s32 s3, s4;
	s0 =	smax.u32 s0, $0x1  }
0xc: {  	s6 =	smul.u32 $0x50000, s1;
	s31 =	sadd.s32 $0xC5000, s5;
	[dreg:$0x3] =	wrdreg s0  }
0xd: {  	s3 =	sadd.s32 $0x1000, s4;
	s4 =	sadd.s32 $0xDE000, s4;
	[dreg:$0x2] =	wrdreg s31  }
.LBB2_1:
0xe: {  	s2 =	simm.s32 $0x0;
	s0 =	rddreg [dreg:$0x2];
	s1 =	simm.s32 $0xB  }
0xf: {  	[tilespmem:s2], [sflag:$0xB] =	stream.linear.gather [hbm4b:s0+s2], $0x1400, $0x38;
	[tilespmem:$0xB400] =	vst v63  }
0x10: {  	_ =	swait.ge [sflag:s1], $0x1400  }
0x11: {  	[sflag:s1] =	ssyncset.done $0x0  }
0x12: {  	[sflag:s1] =	ssyncadd.s32 $0xFFFFEC00  }
0x13: {  	[tilespmem:s10], [sflag:$0x1] =	stream.indirect.gather [hbm4b:s3+s9], $0x40, s2, s9, $0xb8;
	[tilespmem:$0xB400] =	vst v63  }
0x14: {  	_ = 	snop  }
0x15: {  	[tilespmem:s11], [sflag:$0x2] =	stream.indirect.gather [hbm4b:s3+s9], $0x40, s9, s9, $0xb8;
	[tilespmem:$0xB400] =	vst v63  }
0x16: {  	s5 =	simm.s32 $0x100  }
0x17: {  	[tilespmem:s13], [sflag:$0x3] =	stream.indirect.gather [hbm4b:s3+s9], $0x40, s5, s9, $0xb8;
	[tilespmem:$0xB400] =	vst v63  }
0x18: {  	_ =	swait.ge [sflag:s14], $0x2000  }
0x19: {  	p0 =	por $0x1, $0x1;
	s7 =	simm.s32 $0x0;
	[sflag:s14] =	ssyncset.done $0x0  }
0x1a: {  	s1 =	simm.s32 @!p0 $0x9;
	s5 =	sand.u32 $0x7C000, s7;
	[sflag:s14] =	ssyncadd.s32 $0xFFFFE000  }
0x1b: {  	s0 =	sand.u32 $0x40, s2;
	s5 =	sadd.s32 s6, s5;
	_ =	swait.ge @!p0 [sflag:s1], $0x2000  }
0x1c: {  	s5 =	sor.u32 s0, s5;
	[sflag:s1] =	ssyncset.done @!p0 $0x0  }
0x1d: {  	s12 =	simm.s32 $0x180;
	s8 =	sshrl.u32 s5, $0x3;
	[sflag:s1] =	ssyncadd.s32 @!p0 $0xFFFFE000  }
0x1e: {  	[tilespmem:s15], [sflag:$0x4] =	stream.indirect.gather [hbm4b:s3+s9], $0x40, s12, s9, $0xb8;
	[tilespmem:$0xB400] =	vst v63  }
0x1f: {  	s1 =	sadd.s32 s4, s8  }
0x20: {  	[hbm4b:s1+s16] =	stream.strided.scatter [tilespmem:s10], [sflag:$0x6], $0x2000, s9, s16, $0x38;
	[tilespmem:$0xB400] =	vst v63  }
0x21: {  	_ =	swait.ge [sflag:s17], $0x2000  }
0x22: {  	s25 =	simm.s32 $0x2000;
	s26 =	simm.s32 $0x40;
	[sflag:s17] =	ssyncset.done $0x0  }
0x23: {  	s5 =	sand.u32 $0xFC000, s25;
	s1 =	simm.s32 @!p0 $0xA;
	[sflag:s17] =	ssyncadd.s32 $0xFFFFE000  }
0x24: {  	s5 =	sadd.s32 s6, s5;
	s12 =	sand.u32 $0x40, s26;
	_ =	swait.ge @!p0 [sflag:s1], $0x2000  }
0x25: {  	s5 =	sor.u32 s12, s5;
	[sflag:s1] =	ssyncset.done @!p0 $0x0  }
0x26: {  	s2 =	simm.s32 $0x200;
	s5 =	sshrl.u32 s5, $0x3;
	[sflag:s1] =	ssyncadd.s32 @!p0 $0xFFFFE000  }
0x27: {  	[tilespmem:s18], [sflag:$0x5] =	stream.indirect.gather [hbm4b:s3+s9], $0x40, s2, s9, $0xb8;
	[tilespmem:$0xB400] =	vst v63  }
0x28: {  	s7 =	sadd.s32 s4, s5  }
0x29: {  	[hbm4b:s7+s16] =	stream.strided.scatter [tilespmem:s11], [sflag:$0x7], $0x2000, s9, s16, $0x38;
	[tilespmem:$0xB400] =	vst v63  }
0x2a: {  	_ =	swait.ge [sflag:s19], $0x2000  }
0x2b: {  	s8 =	simm.s32 $0x4000;
	[sflag:s19] =	ssyncset.done $0x0  }
0x2c: {  	s1 =	sand.u32 $0xFC000, s8;
	p0 =	por $0x0, $0x0;
	[sflag:s19] =	ssyncadd.s32 $0xFFFFE000  }
0x2d: {  	s1 =	sadd.s32 s6, s1;
	s5 =	simm.s32 @!p0 $0x280;
	_ =	swait.ge [sflag:s20], $0x2000  }
0x2e: {  	s12 =	simm.s32 @!p0 $0x1400;
	s1 =	sor.u32 s0, s1;
	[sflag:s20] =	ssyncset.done $0x0  }
0x2f: {  	s29 =	simm.s32 @!p0 $0x80;
	s1 =	sshrl.u32 s1, $0x3;
	[sflag:s20] =	ssyncadd.s32 $0xFFFFE000  }
0x30: {  	[tilespmem:s12], [sflag:$0x1] =	stream.indirect.gather @!p0 [hbm4b:s3+s29], $0x40, s5, s29, $0xb8;
	[tilespmem:$0xB400] =	vst v63  }
0x31: {  	s1 =	sadd.s32 s4, s1  }
0x32: {  	[hbm4b:s1+s16] =	stream.strided.scatter [tilespmem:s13], [sflag:$0x8], $0x2000, s9, s16, $0x38;
	[tilespmem:$0xB400] =	vst v63  }
0x33: {  	_ =	swait.ge [sflag:s21], $0x2000  }
0x34: {  	s12 =	simm.s32 $0x6000;
	[sflag:s21] =	ssyncset.done $0x0  }
0x35: {  	s25 =	simm.s32 $0xC0;
	s1 =	sand.u32 $0xFC000, s12;
	[sflag:s21] =	ssyncadd.s32 $0xFFFFE000  }
0x36: {  	s5 =	sand.u32 $0x40, s25;
	s1 =	sadd.s32 s6, s1;
	_ =	swait.ge [sflag:s22], $0x2000  }
0x37: {  	s12 =	simm.s32 @!p0 $0x300;
	s1 =	sor.u32 s5, s1;
	[sflag:s22] =	ssyncset.done $0x0  }
0x38: {  	s5 =	simm.s32 @!p0 $0x3400;
	s1 =	sshrl.u32 s1, $0x3;
	[sflag:s22] =	ssyncadd.s32 $0xFFFFE000  }
0x39: {  	[tilespmem:s5], [sflag:$0x2] =	stream.indirect.gather @!p0 [hbm4b:s3+s29], $0x40, s12, s29, $0xb8;
	[tilespmem:$0xB400] =	vst v63  }
0x3a: {  	s1 =	sadd.s32 s4, s1  }
0x3b: {  	[hbm4b:s1+s16] =	stream.strided.scatter [tilespmem:s15], [sflag:$0x9], $0x2000, s9, s16, $0x38;
	[tilespmem:$0xB400] =	vst v63  }
0x3c: {  	_ =	swait.ge [sflag:s23], $0x2000  }
0x3d: {  	s26 =	simm.s32 $0x8000;
	[sflag:s23] =	ssyncset.done $0x0  }
0x3e: {  	s30 =	simm.s32 $0x200;
	s1 =	sand.u32 $0xFC000, s26;
	[sflag:s23] =	ssyncadd.s32 $0xFFFFE000  }
0x3f: {  	s31 =	simm.s32 $0x40;
	s1 =	sadd.s32 s6, s1;
	_ =	swait.ge [sflag:s24], $0x2000  }
0x40: {  	s5 =	simm.s32 $0x380;
	s0 =	sor.u32 s0, s1;
	[sflag:s24] =	ssyncset.done $0x0  }
0x41: {  	s1 =	simm.s32 @!p0 $0x5400;
	s0 =	sshrl.u32 s0, $0x3;
	[sflag:s24] =	ssyncadd.s32 $0xFFFFE000  }
0x42: {  	[tilespmem:s1], [sflag:$0x3] =	stream.indirect.gather @!p0 [hbm4b:s3+s29], $0x40, s5, s29, $0xb8;
	[tilespmem:$0xB400] =	vst v63  }
0x43: {  	s29 =	simm.s32 $0x12000;
	s5 =	sadd.s32 s4, s0;
	s1 =	simm.s32 $0x600  }
.LBB2_2:
0x44: {  	s7 =	sadd.s32 $0xFFFFFE00, s1;
	s2 =	sand.u32 $0x40, s31  }
0x45: {  	s8 =	sand.u32 $0xFC000, s29;
	s12 =	smov.u32 s29;
	s0 =	smov.u32 s1  }
0x46: {  	[hbm4b:s5+s16] =	stream.strided.scatter [tilespmem:s18], [sflag:$0xA], $0x2000, s9, s16, $0x38;
	[tilespmem:$0xB400] =	vst v63  }
0x47: {  	p1 =	seq.s32 s29, $0x8000;
	s5 =	sadd.s32 s6, s8;
	_ =	swait.ge [sflag:s14], $0x2000  }
0x48: {  	s25 =	sadd.s32 $0xFFFF8000, s29;
	s8 =	simm.s32 @!p1 $0x9;
	[sflag:s14] =	ssyncset.done $0x0  }
0x49: {  	s26 =	sadd.s32 $0xFFFFC000, s29;
	s25 =	sand.u32 $0x7C000, s25;
	[sflag:s14] =	ssyncadd.s32 $0xFFFFE000  }
0x4a: {  	s26 =	sand.u32 $0xFC000, s26;
	s25 =	sadd.s32 s6, s25;
	_ =	swait.ge @!p1 [sflag:s8], $0x2000  }
0x4b: {  	s26 =	sadd.s32 s6, s26;
	s25 =	sor.u32 s2, s25;
	[sflag:s8] =	ssyncset.done @!p1 $0x0  }
0x4c: {  	[sflag:s8] =	ssyncadd.s32 @!p1 $0xFFFFE000;
	s8 =	sshrl.u32 s25, $0x3;
	s25 =	sor.u32 s2, s26  }
0x4d: {  	[tilespmem:s15], [sflag:$0x4] =	stream.indirect.gather [hbm4b:s3+s9], $0x40, s7, s9, $0xb8;
	[tilespmem:$0xB400] =	vst v63  }
0x4e: {  	s2 =	sor.u32 s2, s5;
	s7 =	sadd.s32 s4, s8;
	s8 =	sshrl.u32 s25, $0x3  }
0x4f: {  	[hbm4b:s7+s16] =	stream.strided.scatter [tilespmem:s10], [sflag:$0x6], $0x2000, s9, s16, $0x38;
	[tilespmem:$0xB400] =	vst v63  }
0x50: {  	s29 =	sadd.s32 $0xA000, s29;
	s5 =	sshrl.u32 s2, $0x3;
	_ =	swait.ge [sflag:s17], $0x2000  }
0x51: {  	s2 =	simm.s32 @!p1 $0xA;
	s7 =	sadd.s32 $0xFFFFA000, s12;
	[sflag:s17] =	ssyncset.done $0x0  }
0x52: {  	s25 =	sadd.s32 $0xFFFFFF80, s30;
	s7 =	sand.u32 $0xFC000, s7;
	[sflag:s17] =	ssyncadd.s32 $0xFFFFE000  }
0x53: {  	s25 =	sand.u32 $0x40, s25;
	s7 =	sadd.s32 s6, s7;
	_ =	swait.ge @!p1 [sflag:s2], $0x2000  }
0x54: {  	p0 =	sne.s32 s29, $0x58000;
	s7 =	sor.u32 s25, s7;
	[sflag:s2] =	ssyncset.done @!p1 $0x0  }
0x55: {  	s7 =	sshrl.u32 s7, $0x3;
	[sflag:s2] =	ssyncadd.s32 @!p1 $0xFFFFE000;
	s2 =	sadd.s32 $0xFFFFFE80, s1  }
0x56: {  	[tilespmem:s18], [sflag:$0x5] =	stream.indirect.gather [hbm4b:s3+s9], $0x40, s2, s9, $0xb8;
	[tilespmem:$0xB400] =	vst v63  }
0x57: {  	s2 =	sadd.s32 s4, s7  }
0x58: {  	[hbm4b:s2+s16] =	stream.strided.scatter [tilespmem:s11], [sflag:$0x7], $0x2000, s9, s16, $0x38;
	[tilespmem:$0xB400] =	vst v63  }
0x59: {  	_ =	swait.ge [sflag:s19], $0x2000  }
0x5a: {  	[sflag:s19] =	ssyncset.done $0x0  }
0x5b: {  	[sflag:s19] =	ssyncadd.s32 $0xFFFFE000  }
0x5c: {  	p1 =	seq.s32 s12, $0x4E000;
	_ =	swait.ge [sflag:s20], $0x2000  }
0x5d: {  	s7 =	simm.s32 @!p1 $0x1400;
	s2 =	sadd.s32 @!p1 $0xFFFFFF00, s1;
	[sflag:s20] =	ssyncset.done $0x0  }
0x5e: {  	s8 =	sadd.s32 s4, s8;
	s25 =	simm.s32 @!p1 $0x80;
	[sflag:s20] =	ssyncadd.s32 $0xFFFFE000  }
0x5f: {  	[tilespmem:s7], [sflag:$0x1] =	stream.indirect.gather @!p1 [hbm4b:s3+s25], $0x40, s2, s25, $0xb8;
	[tilespmem:$0xB400] =	vst v63  }
0x60: {  	_ = 	snop  }
0x61: {  	[hbm4b:s8+s16] =	stream.strided.scatter [tilespmem:s13], [sflag:$0x8], $0x2000, s9, s16, $0x38;
	[tilespmem:$0xB400] =	vst v63  }
0x62: {  	_ =	swait.ge [sflag:s21], $0x2000  }
0x63: {  	s2 =	sadd.s32 $0xFFFFE000, s12;
	[sflag:s21] =	ssyncset.done $0x0  }
0x64: {  	s2 =	sand.u32 $0xFC000, s2;
	[sflag:s21] =	ssyncadd.s32 $0xFFFFE000  }
0x65: {  	s7 =	sand.u32 $0x40, s30;
	s2 =	sadd.s32 s6, s2;
	_ =	swait.ge [sflag:s22], $0x2000  }
0x66: {  	s8 =	sadd.s32 @!p1 $0xFFFFFF80, s1;
	s2 =	sor.u32 s7, s2;
	[sflag:s22] =	ssyncset.done $0x0  }
0x67: {  	s7 =	simm.s32 @!p1 $0x3400;
	s2 =	sshrl.u32 s2, $0x3;
	[sflag:s22] =	ssyncadd.s32 $0xFFFFE000  }
0x68: {  	[tilespmem:s7], [sflag:$0x2] =	stream.indirect.gather @!p1 [hbm4b:s3+s25], $0x40, s8, s25, $0xb8;
	[tilespmem:$0xB400] =	vst v63  }
0x69: {  	s2 =	sadd.s32 s4, s2  }
0x6a: {  	[hbm4b:s2+s16] =	stream.strided.scatter [tilespmem:s15], [sflag:$0x9], $0x2000, s9, s16, $0x38;
	[tilespmem:$0xB400] =	vst v63  }
0x6b: {  	_ =	swait.ge [sflag:s23], $0x2000  }
0x6c: {  	[sflag:s23] =	ssyncset.done $0x0  }
.Ltmp0:
0x6d: {  	[sflag:s23] =	ssyncadd.s32 $0xFFFFE000;
	(pc) =	sbr.rel @p0 .LBB2_2-.Ltmp0, $4  }
0x6e: {  	s30 =	sadd.s32 $0x140, s30;
	_ =	swait.ge [sflag:s24], $0x2000  }
0x6f: {  	s31 =	sadd.s32 $0x40, s31;
	s2 =	simm.s32 @!p1 $0x5400;
	[sflag:s24] =	ssyncset.done $0x0  }
0x70: {  	s5 =	sadd.s32 s4, s5;
	s1 =	sadd.s32 $0x280, s1;
	[sflag:s24] =	ssyncadd.s32 $0xFFFFE000  }
0x71: {  	[tilespmem:s2], [sflag:$0x3] =	stream.indirect.gather @!p1 [hbm4b:s3+s25], $0x40, s0, s25, $0xb8;
	[tilespmem:$0xB400] =	vst v63  }
0x72: {  	[hbm4b:s5+s16] =	stream.strided.scatter [tilespmem:s18], [sflag:$0xA], $0x2000, s9, s16, $0x38;
	[tilespmem:$0xB400] =	vst v63  }
0x73: {  	s0 =	simm.s32 $0x9  }
0x74: {  	_ =	swait.ge [sflag:s0], $0x2000  }
0x75: {  	[sflag:s0] =	ssyncset.done $0x0  }
0x76: {  	s1 =	simm.s32 $0xA;
	[sflag:s0] =	ssyncadd.s32 $0xFFFFE000  }
0x77: {  	_ =	swait.ge [sflag:s1], $0x2000  }
0x78: {  	s28 =	sadd.s32 $0x1, s28;
	s31 =	rddreg [dreg:$0x3]  }
0x79: {  	p0 =	sne.s32 s28, s31  }
.Ltmp1:
0x7a: {  	_ = 	snop;
	(pc) =	sbr.rel @p0 .LBB2_1-.Ltmp1, $3  }
0x7b: {  	_ =	sdelay $0x1  }
0x7c: {  	[sflag:s1] =	ssyncset.done $0x0  }
0x7d: {  	[sflag:s1] =	ssyncadd.s32 $0xFFFFE000  }
0x7e: {  	_ =	sfence.sel $0x180000  }
0x7f: {  	[bflag:$0x0] =	sbarrier.arrive $0xFFFF  }
0x80: {  	_ =	strace $0x90000047  }
0x81: {  	s0 =	stileid.u32;
	[bflag:$0x2] =	sbarrier.arrive $0xFFFF  }
0x82: {  	p0 =	sne.s32 s0, $0x0;
	s0 =	rddreg [dreg:$0x1]  }
0x83: {  	s0 =	sadd.s32 @!p0 $0x100000, s0  }
0x84: {  	[sflag:s0] =	ssyncadd.tile.s32 @!p0 $0x1;
	_ =	shalt  }
.Lfunc_end2:
_tile_overlayer_lowered:
.L_overlay_start_2:
0x85: {  	(tag) =	ssettag $0x2  }
0x86: {  	s0 =	rddreg [dreg:$0x0];
	s2 =	stileid.u32  }
0x87: {  	s1 =	rddreg [dreg:$0x1];
	p0 =	sne.s32 s2, $0x0  }
0x88: {  	s3 =	rddreg [dreg:$0x2];
	[bflag:$0x3] =	sbarrier.arrive $0xFFFF;
	s2 =	simm.s32 @!p0 $0x1C0B  }
0x89: {  	[timem:s3], [sflag:s2] =	dma.local @!p0 [hbm:s0], s1  }
0x8a: {  	s0 =	simm.s32 @!p0 $0xB  }
0x8b: {  	_ =	swait.ge @!p0 [sflag:s0], s1  }
0x8c: {  	s1 =	ssub.s32 @!p0 $0x0, s1;
	[sflag:s0] =	ssyncset.done @!p0 $0x0  }
0x8d: {  	[sflag:s0] =	ssyncadd.s32 @!p0 s1  }
0x8e: {  	[bflag:$0x3] =	sbarrier.arrive $0xFFFF  }
0x8f: {  	_ =	shalt  }

</sc_bundles>
